<compile_context>
chip_gen: v7x
topology: tpu7x:2x2x1
jax: 0.10.2.dev20260603
libtpu: 0.0.44.dev20260713+nightly
codegen_flags: <defaults>
</compile_context>

<pallas_src>
import functools

import jax
import jax.numpy as jnp
from jax import lax
from jax.experimental import pallas as pl
from jax.experimental.pallas import tpu as pltpu
from jax.experimental.pallas import tpu_sc as plsc

NN = 10000
NP = 10240
MI = 160000
MP = 163840
NC, NS = 2, 16
NW = NC * NS
NCHUNK = 40
CB = 128
RPW = NP // NS
PERW = NCHUNK * CB
RB = 1024

_mesh = plsc.VectorSubcoreMesh(core_axis_name="c", subcore_axis_name="s")


def _make_sc_phase(npass, F):

    @functools.partial(
        pl.kernel,
        mesh=_mesh,
        out_type=jax.ShapeDtypeStruct((NC, npass, NP, F), jnp.float32),
        scratch_types=[
            pltpu.VMEM((CB,), jnp.int32),
            pltpu.VMEM((CB,), jnp.int32),
            pltpu.VMEM((CB, F), jnp.float32),
            pltpu.VMEM((CB, F), jnp.float32),
            pltpu.VMEM_SHARED((NP, F), jnp.float32),
            pltpu.SemaphoreType.DMA,
        ],
    )
    def phase(table, srci, dsti, zer, out, svc, dvc, rbuf, zbuf, acc, sem):
        cid = lax.axis_index("c")
        sid = lax.axis_index("s")
        wid = cid * NS + sid
        pltpu.sync_copy(zer, zbuf)
        for p in range(npass):
            for z in range(RPW // CB):
                pltpu.sync_copy(zbuf, acc.at[pl.ds(sid * RPW + z * CB, CB), :])
            plsc.subcore_barrier()
            tab = table.at[p]

            def chunk(j, carry):
                base = wid * PERW + j * CB
                pltpu.sync_copy(srci.at[pl.ds(base, CB)], svc)
                pltpu.sync_copy(dsti.at[pl.ds(base, CB)], dvc)
                pltpu.async_copy(tab.at[svc], rbuf, sem).wait()
                pltpu.sync_copy(rbuf, acc.at[dvc], add=True)
                return carry

            lax.fori_loop(0, NCHUNK, chunk, 0)
            plsc.subcore_barrier()
            pltpu.sync_copy(
                acc.at[pl.ds(sid * RPW, RPW), :],
                out.at[cid, p, pl.ds(sid * RPW, RPW), :],
            )
            plsc.subcore_barrier()

    return phase


@functools.partial(
    pl.kernel,
    mesh=_mesh,
    out_type=(
        jax.ShapeDtypeStruct((NC, NP, 128), jnp.float32),
        jax.ShapeDtypeStruct((NC, NP, 128), jnp.float32),
    ),
    scratch_types=[
        pltpu.VMEM((CB,), jnp.int32),
        pltpu.VMEM((CB, 128), jnp.float32),
        pltpu.VMEM((CB, 128), jnp.float32),
        pltpu.VMEM_SHARED((NP, 128), jnp.float32),
    ],
)
def _sc_counts(srci, dsti, oneh, zer, outd, oute, svc, ones, zbuf, acc):
    cid = lax.axis_index("c")
    sid = lax.axis_index("s")
    wid = cid * NS + sid
    pltpu.sync_copy(oneh, ones)
    pltpu.sync_copy(zer, zbuf)
    for kind in range(2):
        idxarr = srci if kind == 0 else dsti
        outx = outd if kind == 0 else oute
        for z in range(RPW // CB):
            pltpu.sync_copy(zbuf, acc.at[pl.ds(sid * RPW + z * CB, CB), :])
        plsc.subcore_barrier()

        def chunk(j, carry):
            pltpu.sync_copy(idxarr.at[pl.ds(wid * PERW + j * CB, CB)], svc)
            pltpu.sync_copy(ones, acc.at[svc], add=True)
            return carry

        lax.fori_loop(0, NCHUNK, chunk, 0)
        plsc.subcore_barrier()
        pltpu.sync_copy(acc.at[pl.ds(sid * RPW, RPW), :], outx.at[cid, pl.ds(sid * RPW, RPW), :])
        plsc.subcore_barrier()


def _recip(cnt):
    return jnp.where(cnt > 0.0, 1.0 / jnp.where(cnt > 0.0, cnt, 1.0), 0.0)


def _mm1_body(x_ref, w_ref, o_ref):
    xw = jnp.dot(x_ref[...], w_ref[...], preferred_element_type=jnp.float32)
    o_ref[0] = xw[:, :128]
    o_ref[1] = xw[:, 128:]


_mm1 = pl.pallas_call(
    _mm1_body,
    grid=(NP // RB,),
    in_specs=[
        pl.BlockSpec((RB, 256), lambda r: (r, 0)),
        pl.BlockSpec((256, 256), lambda r: (0, 0)),
    ],
    out_specs=pl.BlockSpec((2, RB, 128), lambda r: (0, r, 0)),
    out_shape=jax.ShapeDtypeStruct((2, NP, 128), jnp.float32),
)


def _combine2_body(p_ref, c_ref, o_ref):
    cnt = c_ref[0, :, 0:1] + c_ref[1, :, 0:1]
    s = _recip(cnt)
    o_ref[0] = (p_ref[0, 0] + p_ref[1, 0]) * s
    o_ref[1] = (p_ref[0, 1] + p_ref[1, 1]) * s


_combine2 = pl.pallas_call(
    _combine2_body,
    grid=(NP // RB,),
    in_specs=[
        pl.BlockSpec((2, 2, RB, 128), lambda r: (0, 0, r, 0)),
        pl.BlockSpec((2, RB, 8), lambda r: (0, r, 0)),
    ],
    out_specs=pl.BlockSpec((2, RB, 128), lambda r: (0, r, 0)),
    out_shape=jax.ShapeDtypeStruct((2, NP, 128), jnp.float32),
)


def _fuse2_body(p_ref, c_ref, b_ref, w_ref, o_ref):
    cnt = c_ref[0, :, 0:1] + c_ref[1, :, 0:1]
    s = _recip(cnt)
    h0 = jax.nn.relu((p_ref[0, 0] + p_ref[1, 0]) * s + b_ref[0:1, :128])
    h1 = jax.nn.relu((p_ref[0, 1] + p_ref[1, 1]) * s + b_ref[0:1, 128:])
    o_ref[0] = (
        jnp.dot(h0, w_ref[:128, :], preferred_element_type=jnp.float32)
        + jnp.dot(h1, w_ref[128:, :], preferred_element_type=jnp.float32)
    )


_fuse2 = pl.pallas_call(
    _fuse2_body,
    grid=(NP // RB,),
    in_specs=[
        pl.BlockSpec((2, 2, RB, 128), lambda r: (0, 0, r, 0)),
        pl.BlockSpec((2, RB, 8), lambda r: (0, r, 0)),
        pl.BlockSpec((1, 256), lambda r: (0, 0)),
        pl.BlockSpec((256, 128), lambda r: (0, 0)),
    ],
    out_specs=pl.BlockSpec((1, RB, 128), lambda r: (0, r, 0)),
    out_shape=jax.ShapeDtypeStruct((1, NP, 128), jnp.float32),
)


def _combine1_body(p_ref, c_ref, o_ref):
    cnt = c_ref[0, :, 0:1] + c_ref[1, :, 0:1]
    s = _recip(cnt)
    o_ref[0] = (p_ref[0, 0] + p_ref[1, 0]) * s


_combine1 = pl.pallas_call(
    _combine1_body,
    grid=(NP // RB,),
    in_specs=[
        pl.BlockSpec((2, 1, RB, 128), lambda r: (0, 0, r, 0)),
        pl.BlockSpec((2, RB, 8), lambda r: (0, r, 0)),
    ],
    out_specs=pl.BlockSpec((1, RB, 128), lambda r: (0, r, 0)),
    out_shape=jax.ShapeDtypeStruct((1, NP, 128), jnp.float32),
)


def _final_body(p_ref, c_ref, b_ref, o_ref):
    cnt = c_ref[0, :, 0:1] + c_ref[1, :, 0:1]
    s = _recip(cnt)
    o_ref[...] = (p_ref[0, 0] + p_ref[1, 0])[:, :40] * s + b_ref[0:1, :]


_final = pl.pallas_call(
    _final_body,
    grid=(NP // RB,),
    in_specs=[
        pl.BlockSpec((2, 1, RB, 128), lambda r: (0, 0, r, 0)),
        pl.BlockSpec((2, RB, 8), lambda r: (0, r, 0)),
        pl.BlockSpec((1, 40), lambda r: (0, 0)),
    ],
    out_specs=pl.BlockSpec((RB, 40), lambda r: (r, 0)),
    out_shape=jax.ShapeDtypeStruct((NN, 40), jnp.float32),
)

_phase2 = _make_sc_phase(2, 128)
_phase1 = _make_sc_phase(1, 128)


def kernel(x, hyperedge_index, W1, b1, W2, b2):
    xp = jnp.pad(x, ((0, NP - NN), (0, 0)))
    pad = (NN + (jnp.arange(MP - MI, dtype=jnp.int32) % 128)).astype(jnp.int32)
    s0 = jnp.concatenate([hyperedge_index[0], pad])
    s1 = jnp.concatenate([hyperedge_index[1], pad])
    W2p = jnp.pad(W2, ((0, 0), (0, 128 - 40)))
    b1r = b1.reshape(1, 256)
    b2r = b2.reshape(1, 40)

    oneh = jnp.ones((CB, 128), jnp.float32)
    zer = jnp.zeros((CB, 128), jnp.float32)

    cntf_d, cntf_e = _sc_counts(s0, s1, oneh, zer)
    cntd = cntf_d[:, :, :8]
    cnte = cntf_e[:, :, :8]
    xw = _mm1(xp, W1)
    pA = _phase2(xw, s0, s1, zer)
    oe = _combine2(pA, cnte)
    pB = _phase2(oe, s1, s0, zer)
    y2 = _fuse2(pB, cntd, b1r, W2p)
    pC = _phase1(y2, s0, s1, zer)
    oe2 = _combine1(pC, cnte)
    pD = _phase1(oe2, s1, s0, zer)
    out = _final(pD, cntd, b2r)
    return out

# --- scband reference (transcript-rebuilt; emitter-appended) ---
"""Pipeline reference for scband-hcha-73495480369810 (READ-ONLY COPY).

The authoritative reference and input builder live on the scoring server;
editing this copy changes nothing except your own understanding.
"""

import jax, jax.numpy as jnp
import numpy as np
import math

N_NODES = 10000
N_INC = 160000
F_IN = 256
HID = 256
NCLS = 40


def _glorot(key, shape):
    stdv = math.sqrt(6.0 / (shape[-2] + shape[-1]))
    return jax.random.uniform(key, shape, jnp.float32, minval=-stdv, maxval=stdv)


def setup_inputs(seed: int = 0) -> dict:
    key = jax.random.key(seed)
    k1, k2, k3, k4 = jax.random.split(key, 4)
    x = jax.random.normal(k1, (N_NODES, F_IN), jnp.float32)
    hyperedge_index = jax.random.randint(k2, (2, N_INC), 0, N_NODES, jnp.int32)
    W1 = _glorot(k3, (F_IN, HID))
    b1 = jnp.zeros((HID,), jnp.float32)
    W2 = _glorot(k4, (HID, NCLS))
    b2 = jnp.zeros((NCLS,), jnp.float32)
    return {"x": x, "hyperedge_index": hyperedge_index, "W1": W1, "b1": b1, "W2": W2, "b2": b2}


def _hconv(x, hidx, W, b):
    # HypergraphConv, use_attention=False, symdegnorm=False, heads=1
    num_nodes = x.shape[0]
    num_edges = num_nodes
    xw = x @ W
    hw = jnp.ones((num_edges,), xw.dtype)  # hyperedge_weight = ones
    # D: node degree weighted by hyperedge weights
    deg = jax.ops.segment_sum(hw[hidx[1]], hidx[0], num_segments=num_nodes)
    D = jnp.where(deg > 0, 1.0 / deg, 0.0)
    # B: hyperedge cardinality
    edeg = jax.ops.segment_sum(jnp.ones((hidx.shape[1],), xw.dtype), hidx[1], num_segments=num_edges)
    B = jnp.where(edeg > 0, 1.0 / edeg, 0.0)
    # propagate node -> hyperedge (flow source_to_target): x_j = xw[hidx[0]], norm_i = B[hidx[1]]
    out_e = jax.ops.segment_sum(B[hidx[1]][:, None] * xw[hidx[0]], hidx[1], num_segments=num_edges)
    # propagate hyperedge -> node (flow target_to_source): x_j = out_e[hidx[1]], norm_i = D[hidx[0]]
    out_n = jax.ops.segment_sum(D[hidx[0]][:, None] * out_e[hidx[1]], hidx[0], num_segments=num_nodes)
    return out_n + b


def reference(x, hyperedge_index, W1, b1, W2, b2):
    # HCHA forward: num_layers=2, dropout=0.0 (eval), relu between conv layers
    h = jax.nn.relu(_hconv(x, hyperedge_index, W1, b1))
    out = _hconv(h, hyperedge_index, W2, b2)
    return out

if __name__ == "__main__":
    import jax
    _d = setup_inputs()
    print(jax.jit(kernel)(*tuple(_d.values())))

</pallas_src>

<mosaic_0001>
#map = affine_map<(d0, d1) -> (0)>
#map1 = affine_map<(d0, d1) -> (0, 0)>
#map2 = affine_map<(d0, d1) -> (0, 0, 0)>
module attributes {stable_mosaic.version = 14 : i64} {
  func.func @_sc_counts(%arg0: i32, %arg1: i32, %arg2: memref<163840xi32, #tpu.memory_space<hbm>>, %arg3: memref<163840xi32, #tpu.memory_space<hbm>>, %arg4: memref<128x128xf32, #tpu.memory_space<hbm>>, %arg5: memref<128x128xf32, #tpu.memory_space<hbm>>, %arg6: memref<2x10240x128xf32, #tpu.memory_space<hbm>>, %arg7: memref<2x10240x128xf32, #tpu.memory_space<hbm>>, %arg8: memref<128xi32, #tpu.memory_space<vmem>>, %arg9: memref<128x128xf32, #tpu.memory_space<vmem>>, %arg10: memref<128x128xf32, #tpu.memory_space<vmem>>, %arg11: memref<10240x128xf32, #tpu.memory_space<vmem_shared>>) attributes {dimension_semantics = [#tpu.dimension_semantics<core_parallel>, #tpu.dimension_semantics<subcore_parallel>], iteration_bounds = array<i64: 2, 16>, scalar_prefetch = 0 : i64, scratch_operands = 4 : i64, tpu.core_type = #tpu.core_type<sc_vector_subcore>, window_params = [{transform_indices = #map}, {transform_indices = #map}, {transform_indices = #map1}, {transform_indices = #map1}, {transform_indices = #map2}, {transform_indices = #map2}]} {
    %mul3A = arith.constant 16 : i32
    %mul3A_0 = arith.muli %arg0, %mul3A : i32
    %add3A = arith.addi %mul3A_0, %arg1 : i32
    "tpu.region"() ({
      %run_scoped3A = tpu.sem_alloc : memref<!tpu.dma_semaphore, #tpu.memory_space<semaphore_mem>>
      tpu.enqueue_dma source(%arg4 : memref<128x128xf32, #tpu.memory_space<hbm>>) target(%arg9 : memref<128x128xf32, #tpu.memory_space<vmem>>) target_semaphore(%run_scoped3A : memref<!tpu.dma_semaphore, #tpu.memory_space<semaphore_mem>>)
      tpu.wait_dma2 semaphore(%run_scoped3A : memref<!tpu.dma_semaphore, #tpu.memory_space<semaphore_mem>>) src(%arg4 : memref<128x128xf32, #tpu.memory_space<hbm>>) dst(%arg9 : memref<128x128xf32, #tpu.memory_space<vmem>>)
      tpu.yield
    }) : () -> ()
    "tpu.region"() ({
      %run_scoped3A = tpu.sem_alloc : memref<!tpu.dma_semaphore, #tpu.memory_space<semaphore_mem>>
      tpu.enqueue_dma source(%arg5 : memref<128x128xf32, #tpu.memory_space<hbm>>) target(%arg10 : memref<128x128xf32, #tpu.memory_space<vmem>>) target_semaphore(%run_scoped3A : memref<!tpu.dma_semaphore, #tpu.memory_space<semaphore_mem>>)
      tpu.wait_dma2 semaphore(%run_scoped3A : memref<!tpu.dma_semaphore, #tpu.memory_space<semaphore_mem>>) src(%arg5 : memref<128x128xf32, #tpu.memory_space<hbm>>) dst(%arg10 : memref<128x128xf32, #tpu.memory_space<vmem>>)
      tpu.yield
    }) : () -> ()
    %mul3A_1 = arith.constant 640 : i32
    %mul3A_2 = arith.muli %arg1, %mul3A_1 : i32
    %add3A_3 = arith.constant 0 : i32
    %add3A_4 = arith.addi %mul3A_2, %add3A_3 : i32
    "tpu.region"() ({
      %run_scoped3A = tpu.sem_alloc : memref<!tpu.dma_semaphore, #tpu.memory_space<semaphore_mem>>
      %dma_start3A = arith.constant 0 : i32
      %dma_start3A_65 = tpu.memref_slice %arg11[%add3A_4, %dma_start3A] : memref<10240x128xf32, #tpu.memory_space<vmem_shared>> -> memref<128x128xf32, #tpu.memory_space<vmem_shared>>
      %dma_start3A_66 = arith.constant 0 : i32
      %dma_start3A_67 = tpu.memref_slice %arg11[%add3A_4, %dma_start3A_66] : memref<10240x128xf32, #tpu.memory_space<vmem_shared>> -> memref<128x128xf32, #tpu.memory_space<vmem_shared>>
      tpu.enqueue_dma source(%arg10 : memref<128x128xf32, #tpu.memory_space<vmem>>) target(%dma_start3A_67 : memref<128x128xf32, #tpu.memory_space<vmem_shared>>) target_semaphore(%run_scoped3A : memref<!tpu.dma_semaphore, #tpu.memory_space<semaphore_mem>>)
      %dma_wait3A = arith.constant 0 : i32
      %dma_wait3A_68 = tpu.memref_slice %arg11[%add3A_4, %dma_wait3A] : memref<10240x128xf32, #tpu.memory_space<vmem_shared>> -> memref<128x128xf32, #tpu.memory_space<vmem_shared>>
      %dma_wait3A_69 = arith.constant 0 : i32
      %dma_wait3A_70 = tpu.memref_slice %arg11[%add3A_4, %dma_wait3A_69] : memref<10240x128xf32, #tpu.memory_space<vmem_shared>> -> memref<128x128xf32, #tpu.memory_space<vmem_shared>>
      tpu.wait_dma2 semaphore(%run_scoped3A : memref<!tpu.dma_semaphore, #tpu.memory_space<semaphore_mem>>) src(%arg10 : memref<128x128xf32, #tpu.memory_space<vmem>>) dst(%dma_wait3A_70 : memref<128x128xf32, #tpu.memory_space<vmem_shared>>)
      tpu.yield
    }) : () -> ()
    %mul3A_5 = arith.constant 640 : i32
    %mul3A_6 = arith.muli %arg1, %mul3A_5 : i32
    %add3A_7 = arith.constant 128 : i32
    %add3A_8 = arith.addi %mul3A_6, %add3A_7 : i32
    "tpu.region"() ({
      %run_scoped3A = tpu.sem_alloc : memref<!tpu.dma_semaphore, #tpu.memory_space<semaphore_mem>>
      %dma_start3A = arith.constant 0 : i32
      %dma_start3A_65 = tpu.memref_slice %arg11[%add3A_8, %dma_start3A] : memref<10240x128xf32, #tpu.memory_space<vmem_shared>> -> memref<128x128xf32, #tpu.memory_space<vmem_shared>>
      %dma_start3A_66 = arith.constant 0 : i32
      %dma_start3A_67 = tpu.memref_slice %arg11[%add3A_8, %dma_start3A_66] : memref<10240x128xf32, #tpu.memory_space<vmem_shared>> -> memref<128x128xf32, #tpu.memory_space<vmem_shared>>
      tpu.enqueue_dma source(%arg10 : memref<128x128xf32, #tpu.memory_space<vmem>>) target(%dma_start3A_67 : memref<128x128xf32, #tpu.memory_space<vmem_shared>>) target_semaphore(%run_scoped3A : memref<!tpu.dma_semaphore, #tpu.memory_space<semaphore_mem>>)
      %dma_wait3A = arith.constant 0 : i32
      %dma_wait3A_68 = tpu.memref_slice %arg11[%add3A_8, %dma_wait3A] : memref<10240x128xf32, #tpu.memory_space<vmem_shared>> -> memref<128x128xf32, #tpu.memory_space<vmem_shared>>
      %dma_wait3A_69 = arith.constant 0 : i32
      %dma_wait3A_70 = tpu.memref_slice %arg11[%add3A_8, %dma_wait3A_69] : memref<10240x128xf32, #tpu.memory_space<vmem_shared>> -> memref<128x128xf32, #tpu.memory_space<vmem_shared>>
      tpu.wait_dma2 semaphore(%run_scoped3A : memref<!tpu.dma_semaphore, #tpu.memory_space<semaphore_mem>>) src(%arg10 : memref<128x128xf32, #tpu.memory_space<vmem>>) dst(%dma_wait3A_70 : memref<128x128xf32, #tpu.memory_space<vmem_shared>>)
      tpu.yield
    }) : () -> ()
    %mul3A_9 = arith.constant 640 : i32
    %mul3A_10 = arith.muli %arg1, %mul3A_9 : i32
    %add3A_11 = arith.constant 256 : i32
    %add3A_12 = arith.addi %mul3A_10, %add3A_11 : i32
    "tpu.region"() ({
      %run_scoped3A = tpu.sem_alloc : memref<!tpu.dma_semaphore, #tpu.memory_space<semaphore_mem>>
      %dma_start3A = arith.constant 0 : i32
      %dma_start3A_65 = tpu.memref_slice %arg11[%add3A_12, %dma_start3A] : memref<10240x128xf32, #tpu.memory_space<vmem_shared>> -> memref<128x128xf32, #tpu.memory_space<vmem_shared>>
      %dma_start3A_66 = arith.constant 0 : i32
      %dma_start3A_67 = tpu.memref_slice %arg11[%add3A_12, %dma_start3A_66] : memref<10240x128xf32, #tpu.memory_space<vmem_shared>> -> memref<128x128xf32, #tpu.memory_space<vmem_shared>>
      tpu.enqueue_dma source(%arg10 : memref<128x128xf32, #tpu.memory_space<vmem>>) target(%dma_start3A_67 : memref<128x128xf32, #tpu.memory_space<vmem_shared>>) target_semaphore(%run_scoped3A : memref<!tpu.dma_semaphore, #tpu.memory_space<semaphore_mem>>)
      %dma_wait3A = arith.constant 0 : i32
      %dma_wait3A_68 = tpu.memref_slice %arg11[%add3A_12, %dma_wait3A] : memref<10240x128xf32, #tpu.memory_space<vmem_shared>> -> memref<128x128xf32, #tpu.memory_space<vmem_shared>>
      %dma_wait3A_69 = arith.constant 0 : i32
      %dma_wait3A_70 = tpu.memref_slice %arg11[%add3A_12, %dma_wait3A_69] : memref<10240x128xf32, #tpu.memory_space<vmem_shared>> -> memref<128x128xf32, #tpu.memory_space<vmem_shared>>
      tpu.wait_dma2 semaphore(%run_scoped3A : memref<!tpu.dma_semaphore, #tpu.memory_space<semaphore_mem>>) src(%arg10 : memref<128x128xf32, #tpu.memory_space<vmem>>) dst(%dma_wait3A_70 : memref<128x128xf32, #tpu.memory_space<vmem_shared>>)
      tpu.yield
    }) : () -> ()
    %mul3A_13 = arith.constant 640 : i32
    %mul3A_14 = arith.muli %arg1, %mul3A_13 : i32
    %add3A_15 = arith.constant 384 : i32
    %add3A_16 = arith.addi %mul3A_14, %add3A_15 : i32
    "tpu.region"() ({
      %run_scoped3A = tpu.sem_alloc : memref<!tpu.dma_semaphore, #tpu.memory_space<semaphore_mem>>
      %dma_start3A = arith.constant 0 : i32
      %dma_start3A_65 = tpu.memref_slice %arg11[%add3A_16, %dma_start3A] : memref<10240x128xf32, #tpu.memory_space<vmem_shared>> -> memref<128x128xf32, #tpu.memory_space<vmem_shared>>
      %dma_start3A_66 = arith.constant 0 : i32
      %dma_start3A_67 = tpu.memref_slice %arg11[%add3A_16, %dma_start3A_66] : memref<10240x128xf32, #tpu.memory_space<vmem_shared>> -> memref<128x128xf32, #tpu.memory_space<vmem_shared>>
      tpu.enqueue_dma source(%arg10 : memref<128x128xf32, #tpu.memory_space<vmem>>) target(%dma_start3A_67 : memref<128x128xf32, #tpu.memory_space<vmem_shared>>) target_semaphore(%run_scoped3A : memref<!tpu.dma_semaphore, #tpu.memory_space<semaphore_mem>>)
      %dma_wait3A = arith.constant 0 : i32
      %dma_wait3A_68 = tpu.memref_slice %arg11[%add3A_16, %dma_wait3A] : memref<10240x128xf32, #tpu.memory_space<vmem_shared>> -> memref<128x128xf32, #tpu.memory_space<vmem_shared>>
      %dma_wait3A_69 = arith.constant 0 : i32
      %dma_wait3A_70 = tpu.memref_slice %arg11[%add3A_16, %dma_wait3A_69] : memref<10240x128xf32, #tpu.memory_space<vmem_shared>> -> memref<128x128xf32, #tpu.memory_space<vmem_shared>>
      tpu.wait_dma2 semaphore(%run_scoped3A : memref<!tpu.dma_semaphore, #tpu.memory_space<semaphore_mem>>) src(%arg10 : memref<128x128xf32, #tpu.memory_space<vmem>>) dst(%dma_wait3A_70 : memref<128x128xf32, #tpu.memory_space<vmem_shared>>)
      tpu.yield
    }) : () -> ()
    %mul3A_17 = arith.constant 640 : i32
    %mul3A_18 = arith.muli %arg1, %mul3A_17 : i32
    %add3A_19 = arith.constant 512 : i32
    %add3A_20 = arith.addi %mul3A_18, %add3A_19 : i32
    "tpu.region"() ({
      %run_scoped3A = tpu.sem_alloc : memref<!tpu.dma_semaphore, #tpu.memory_space<semaphore_mem>>
      %dma_start3A = arith.constant 0 : i32
      %dma_start3A_65 = tpu.memref_slice %arg11[%add3A_20, %dma_start3A] : memref<10240x128xf32, #tpu.memory_space<vmem_shared>> -> memref<128x128xf32, #tpu.memory_space<vmem_shared>>
      %dma_start3A_66 = arith.constant 0 : i32
      %dma_start3A_67 = tpu.memref_slice %arg11[%add3A_20, %dma_start3A_66] : memref<10240x128xf32, #tpu.memory_space<vmem_shared>> -> memref<128x128xf32, #tpu.memory_space<vmem_shared>>
      tpu.enqueue_dma source(%arg10 : memref<128x128xf32, #tpu.memory_space<vmem>>) target(%dma_start3A_67 : memref<128x128xf32, #tpu.memory_space<vmem_shared>>) target_semaphore(%run_scoped3A : memref<!tpu.dma_semaphore, #tpu.memory_space<semaphore_mem>>)
      %dma_wait3A = arith.constant 0 : i32
      %dma_wait3A_68 = tpu.memref_slice %arg11[%add3A_20, %dma_wait3A] : memref<10240x128xf32, #tpu.memory_space<vmem_shared>> -> memref<128x128xf32, #tpu.memory_space<vmem_shared>>
      %dma_wait3A_69 = arith.constant 0 : i32
      %dma_wait3A_70 = tpu.memref_slice %arg11[%add3A_20, %dma_wait3A_69] : memref<10240x128xf32, #tpu.memory_space<vmem_shared>> -> memref<128x128xf32, #tpu.memory_space<vmem_shared>>
      tpu.wait_dma2 semaphore(%run_scoped3A : memref<!tpu.dma_semaphore, #tpu.memory_space<semaphore_mem>>) src(%arg10 : memref<128x128xf32, #tpu.memory_space<vmem>>) dst(%dma_wait3A_70 : memref<128x128xf32, #tpu.memory_space<vmem_shared>>)
      tpu.yield
    }) : () -> ()
    %barrier3A = arith.constant 0 : index
    tpu.barrier barrier_id(%barrier3A)
    %scan3A = arith.constant 0 : i32
    %scan3A_21 = arith.constant 0 : i32
    %scan3A_22 = arith.constant 40 : i32
    %scan3A_23 = arith.addi %scan3A_21, %scan3A_22 : i32
    %scan3A_24 = arith.constant 1 : i32
    scf.for %scan3A_65 = %scan3A_21 to %scan3A_23 step %scan3A_24  : i32 {
      %mul3A_66 = arith.constant 5120 : i32
      %mul3A_67 = arith.muli %add3A, %mul3A_66 : i32
      %mul3A_68 = arith.constant 128 : i32
      %mul3A_69 = arith.muli %scan3A_65, %mul3A_68 : i32
      %add3A_70 = arith.addi %mul3A_67, %mul3A_69 : i32
      "tpu.region"() ({
        %run_scoped3A = tpu.sem_alloc : memref<!tpu.dma_semaphore, #tpu.memory_space<semaphore_mem>>
        %dma_start3A = tpu.memref_slice %arg2[%add3A_70] : memref<163840xi32, #tpu.memory_space<hbm>> -> memref<128xi32, #tpu.memory_space<hbm>>
        %dma_start3A_71 = tpu.memref_slice %arg2[%add3A_70] : memref<163840xi32, #tpu.memory_space<hbm>> -> memref<128xi32, #tpu.memory_space<hbm>>
        tpu.enqueue_dma source(%dma_start3A_71 : memref<128xi32, #tpu.memory_space<hbm>>) target(%arg8 : memref<128xi32, #tpu.memory_space<vmem>>) target_semaphore(%run_scoped3A : memref<!tpu.dma_semaphore, #tpu.memory_space<semaphore_mem>>)
        %dma_wait3A = tpu.memref_slice %arg2[%add3A_70] : memref<163840xi32, #tpu.memory_space<hbm>> -> memref<128xi32, #tpu.memory_space<hbm>>
        %dma_wait3A_72 = tpu.memref_slice %arg2[%add3A_70] : memref<163840xi32, #tpu.memory_space<hbm>> -> memref<128xi32, #tpu.memory_space<hbm>>
        tpu.wait_dma2 semaphore(%run_scoped3A : memref<!tpu.dma_semaphore, #tpu.memory_space<semaphore_mem>>) src(%dma_wait3A_72 : memref<128xi32, #tpu.memory_space<hbm>>) dst(%arg8 : memref<128xi32, #tpu.memory_space<vmem>>)
        tpu.yield
      }) : () -> ()
      "tpu.region"() ({
        %run_scoped3A = tpu.sem_alloc : memref<!tpu.dma_semaphore, #tpu.memory_space<semaphore_mem>>
        %dma_start3A = arith.constant 0 : i32
        %dma_start3A_71 = arith.constant 0 : i32
        %dma_start3A_72 = tpu.memref_slice %arg11[%dma_start3A, %dma_start3A_71] : memref<10240x128xf32, #tpu.memory_space<vmem_shared>> -> memref<10240x128xf32, #tpu.memory_space<vmem_shared>>
        tpu.enqueue_indirect_dma source(%arg9 : memref<128x128xf32, #tpu.memory_space<vmem>>) target(%dma_start3A_72 : memref<10240x128xf32, #tpu.memory_space<vmem_shared>>) offsets(%arg8 : memref<128xi32, #tpu.memory_space<vmem>>) semaphore(%run_scoped3A : memref<!tpu.dma_semaphore, #tpu.memory_space<semaphore_mem>>) {add = true}
        %dma_wait3A = arith.constant 0 : i32
        %dma_wait3A_73 = arith.constant 0 : i32
        %dma_wait3A_74 = tpu.memref_slice %arg11[%dma_wait3A, %dma_wait3A_73] : memref<10240x128xf32, #tpu.memory_space<vmem_shared>> -> memref<10240x128xf32, #tpu.memory_space<vmem_shared>>
        tpu.wait_indirect_dma semaphore(%run_scoped3A : memref<!tpu.dma_semaphore, #tpu.memory_space<semaphore_mem>>) src(%arg9 : memref<128x128xf32, #tpu.memory_space<vmem>>) dst(%dma_wait3A_74 : memref<10240x128xf32, #tpu.memory_space<vmem_shared>>)
        tpu.yield
      }) : () -> ()
    }
    %scan3A_25 = arith.constant 40 : i32
    %barrier3A_26 = arith.constant 0 : index
    tpu.barrier barrier_id(%barrier3A_26)
    %mul3A_27 = arith.constant 640 : i32
    %mul3A_28 = arith.muli %arg1, %mul3A_27 : i32
    %mul3A_29 = arith.constant 640 : i32
    %mul3A_30 = arith.muli %arg1, %mul3A_29 : i32
    "tpu.region"() ({
      %run_scoped3A = tpu.sem_alloc : memref<!tpu.dma_semaphore, #tpu.memory_space<semaphore_mem>>
      %dma_start3A = arith.constant 0 : i32
      %dma_start3A_65 = tpu.memref_slice %arg6[%arg0, %mul3A_30, %dma_start3A] : memref<2x10240x128xf32, #tpu.memory_space<hbm>> -> memref<1x640x128xf32, #tpu.memory_space<hbm>>
      %dma_start3A_66 = tpu.memref_squeeze %dma_start3A_65 : memref<1x640x128xf32, #tpu.memory_space<hbm>> -> memref<640x128xf32, #tpu.memory_space<hbm>>
      %dma_start3A_67 = arith.constant 0 : i32
      %dma_start3A_68 = tpu.memref_slice %arg11[%mul3A_28, %dma_start3A_67] : memref<10240x128xf32, #tpu.memory_space<vmem_shared>> -> memref<640x128xf32, #tpu.memory_space<vmem_shared>>
      tpu.enqueue_dma source(%dma_start3A_68 : memref<640x128xf32, #tpu.memory_space<vmem_shared>>) target(%dma_start3A_66 : memref<640x128xf32, #tpu.memory_space<hbm>>) target_semaphore(%run_scoped3A : memref<!tpu.dma_semaphore, #tpu.memory_space<semaphore_mem>>)
      %dma_wait3A = arith.constant 0 : i32
      %dma_wait3A_69 = tpu.memref_slice %arg6[%arg0, %mul3A_30, %dma_wait3A] : memref<2x10240x128xf32, #tpu.memory_space<hbm>> -> memref<1x640x128xf32, #tpu.memory_space<hbm>>
      %dma_wait3A_70 = tpu.memref_squeeze %dma_wait3A_69 : memref<1x640x128xf32, #tpu.memory_space<hbm>> -> memref<640x128xf32, #tpu.memory_space<hbm>>
      %dma_wait3A_71 = arith.constant 0 : i32
      %dma_wait3A_72 = tpu.memref_slice %arg11[%mul3A_28, %dma_wait3A_71] : memref<10240x128xf32, #tpu.memory_space<vmem_shared>> -> memref<640x128xf32, #tpu.memory_space<vmem_shared>>
      tpu.wait_dma2 semaphore(%run_scoped3A : memref<!tpu.dma_semaphore, #tpu.memory_space<semaphore_mem>>) src(%dma_wait3A_72 : memref<640x128xf32, #tpu.memory_space<vmem_shared>>) dst(%dma_wait3A_70 : memref<640x128xf32, #tpu.memory_space<hbm>>)
      tpu.yield
    }) : () -> ()
    %barrier3A_31 = arith.constant 0 : index
    tpu.barrier barrier_id(%barrier3A_31)
    %mul3A_32 = arith.constant 640 : i32
    %mul3A_33 = arith.muli %arg1, %mul3A_32 : i32
    %add3A_34 = arith.constant 0 : i32
    %add3A_35 = arith.addi %mul3A_33, %add3A_34 : i32
    "tpu.region"() ({
      %run_scoped3A = tpu.sem_alloc : memref<!tpu.dma_semaphore, #tpu.memory_space<semaphore_mem>>
      %dma_start3A = arith.constant 0 : i32
      %dma_start3A_65 = tpu.memref_slice %arg11[%add3A_35, %dma_start3A] : memref<10240x128xf32, #tpu.memory_space<vmem_shared>> -> memref<128x128xf32, #tpu.memory_space<vmem_shared>>
      %dma_start3A_66 = arith.constant 0 : i32
      %dma_start3A_67 = tpu.memref_slice %arg11[%add3A_35, %dma_start3A_66] : memref<10240x128xf32, #tpu.memory_space<vmem_shared>> -> memref<128x128xf32, #tpu.memory_space<vmem_shared>>
      tpu.enqueue_dma source(%arg10 : memref<128x128xf32, #tpu.memory_space<vmem>>) target(%dma_start3A_67 : memref<128x128xf32, #tpu.memory_space<vmem_shared>>) target_semaphore(%run_scoped3A : memref<!tpu.dma_semaphore, #tpu.memory_space<semaphore_mem>>)
      %dma_wait3A = arith.constant 0 : i32
      %dma_wait3A_68 = tpu.memref_slice %arg11[%add3A_35, %dma_wait3A] : memref<10240x128xf32, #tpu.memory_space<vmem_shared>> -> memref<128x128xf32, #tpu.memory_space<vmem_shared>>
      %dma_wait3A_69 = arith.constant 0 : i32
      %dma_wait3A_70 = tpu.memref_slice %arg11[%add3A_35, %dma_wait3A_69] : memref<10240x128xf32, #tpu.memory_space<vmem_shared>> -> memref<128x128xf32, #tpu.memory_space<vmem_shared>>
      tpu.wait_dma2 semaphore(%run_scoped3A : memref<!tpu.dma_semaphore, #tpu.memory_space<semaphore_mem>>) src(%arg10 : memref<128x128xf32, #tpu.memory_space<vmem>>) dst(%dma_wait3A_70 : memref<128x128xf32, #tpu.memory_space<vmem_shared>>)
      tpu.yield
    }) : () -> ()
    %mul3A_36 = arith.constant 640 : i32
    %mul3A_37 = arith.muli %arg1, %mul3A_36 : i32
    %add3A_38 = arith.constant 128 : i32
    %add3A_39 = arith.addi %mul3A_37, %add3A_38 : i32
    "tpu.region"() ({
      %run_scoped3A = tpu.sem_alloc : memref<!tpu.dma_semaphore, #tpu.memory_space<semaphore_mem>>
      %dma_start3A = arith.constant 0 : i32
      %dma_start3A_65 = tpu.memref_slice %arg11[%add3A_39, %dma_start3A] : memref<10240x128xf32, #tpu.memory_space<vmem_shared>> -> memref<128x128xf32, #tpu.memory_space<vmem_shared>>
      %dma_start3A_66 = arith.constant 0 : i32
      %dma_start3A_67 = tpu.memref_slice %arg11[%add3A_39, %dma_start3A_66] : memref<10240x128xf32, #tpu.memory_space<vmem_shared>> -> memref<128x128xf32, #tpu.memory_space<vmem_shared>>
      tpu.enqueue_dma source(%arg10 : memref<128x128xf32, #tpu.memory_space<vmem>>) target(%dma_start3A_67 : memref<128x128xf32, #tpu.memory_space<vmem_shared>>) target_semaphore(%run_scoped3A : memref<!tpu.dma_semaphore, #tpu.memory_space<semaphore_mem>>)
      %dma_wait3A = arith.constant 0 : i32
      %dma_wait3A_68 = tpu.memref_slice %arg11[%add3A_39, %dma_wait3A] : memref<10240x128xf32, #tpu.memory_space<vmem_shared>> -> memref<128x128xf32, #tpu.memory_space<vmem_shared>>
      %dma_wait3A_69 = arith.constant 0 : i32
      %dma_wait3A_70 = tpu.memref_slice %arg11[%add3A_39, %dma_wait3A_69] : memref<10240x128xf32, #tpu.memory_space<vmem_shared>> -> memref<128x128xf32, #tpu.memory_space<vmem_shared>>
      tpu.wait_dma2 semaphore(%run_scoped3A : memref<!tpu.dma_semaphore, #tpu.memory_space<semaphore_mem>>) src(%arg10 : memref<128x128xf32, #tpu.memory_space<vmem>>) dst(%dma_wait3A_70 : memref<128x128xf32, #tpu.memory_space<vmem_shared>>)
      tpu.yield
    }) : () -> ()
    %mul3A_40 = arith.constant 640 : i32
    %mul3A_41 = arith.muli %arg1, %mul3A_40 : i32
    %add3A_42 = arith.constant 256 : i32
    %add3A_43 = arith.addi %mul3A_41, %add3A_42 : i32
    "tpu.region"() ({
      %run_scoped3A = tpu.sem_alloc : memref<!tpu.dma_semaphore, #tpu.memory_space<semaphore_mem>>
      %dma_start3A = arith.constant 0 : i32
      %dma_start3A_65 = tpu.memref_slice %arg11[%add3A_43, %dma_start3A] : memref<10240x128xf32, #tpu.memory_space<vmem_shared>> -> memref<128x128xf32, #tpu.memory_space<vmem_shared>>
      %dma_start3A_66 = arith.constant 0 : i32
      %dma_start3A_67 = tpu.memref_slice %arg11[%add3A_43, %dma_start3A_66] : memref<10240x128xf32, #tpu.memory_space<vmem_shared>> -> memref<128x128xf32, #tpu.memory_space<vmem_shared>>
      tpu.enqueue_dma source(%arg10 : memref<128x128xf32, #tpu.memory_space<vmem>>) target(%dma_start3A_67 : memref<128x128xf32, #tpu.memory_space<vmem_shared>>) target_semaphore(%run_scoped3A : memref<!tpu.dma_semaphore, #tpu.memory_space<semaphore_mem>>)
      %dma_wait3A = arith.constant 0 : i32
      %dma_wait3A_68 = tpu.memref_slice %arg11[%add3A_43, %dma_wait3A] : memref<10240x128xf32, #tpu.memory_space<vmem_shared>> -> memref<128x128xf32, #tpu.memory_space<vmem_shared>>
      %dma_wait3A_69 = arith.constant 0 : i32
      %dma_wait3A_70 = tpu.memref_slice %arg11[%add3A_43, %dma_wait3A_69] : memref<10240x128xf32, #tpu.memory_space<vmem_shared>> -> memref<128x128xf32, #tpu.memory_space<vmem_shared>>
      tpu.wait_dma2 semaphore(%run_scoped3A : memref<!tpu.dma_semaphore, #tpu.memory_space<semaphore_mem>>) src(%arg10 : memref<128x128xf32, #tpu.memory_space<vmem>>) dst(%dma_wait3A_70 : memref<128x128xf32, #tpu.memory_space<vmem_shared>>)
      tpu.yield
    }) : () -> ()
    %mul3A_44 = arith.constant 640 : i32
    %mul3A_45 = arith.muli %arg1, %mul3A_44 : i32
    %add3A_46 = arith.constant 384 : i32
    %add3A_47 = arith.addi %mul3A_45, %add3A_46 : i32
    "tpu.region"() ({
      %run_scoped3A = tpu.sem_alloc : memref<!tpu.dma_semaphore, #tpu.memory_space<semaphore_mem>>
      %dma_start3A = arith.constant 0 : i32
      %dma_start3A_65 = tpu.memref_slice %arg11[%add3A_47, %dma_start3A] : memref<10240x128xf32, #tpu.memory_space<vmem_shared>> -> memref<128x128xf32, #tpu.memory_space<vmem_shared>>
      %dma_start3A_66 = arith.constant 0 : i32
      %dma_start3A_67 = tpu.memref_slice %arg11[%add3A_47, %dma_start3A_66] : memref<10240x128xf32, #tpu.memory_space<vmem_shared>> -> memref<128x128xf32, #tpu.memory_space<vmem_shared>>
      tpu.enqueue_dma source(%arg10 : memref<128x128xf32, #tpu.memory_space<vmem>>) target(%dma_start3A_67 : memref<128x128xf32, #tpu.memory_space<vmem_shared>>) target_semaphore(%run_scoped3A : memref<!tpu.dma_semaphore, #tpu.memory_space<semaphore_mem>>)
      %dma_wait3A = arith.constant 0 : i32
      %dma_wait3A_68 = tpu.memref_slice %arg11[%add3A_47, %dma_wait3A] : memref<10240x128xf32, #tpu.memory_space<vmem_shared>> -> memref<128x128xf32, #tpu.memory_space<vmem_shared>>
      %dma_wait3A_69 = arith.constant 0 : i32
      %dma_wait3A_70 = tpu.memref_slice %arg11[%add3A_47, %dma_wait3A_69] : memref<10240x128xf32, #tpu.memory_space<vmem_shared>> -> memref<128x128xf32, #tpu.memory_space<vmem_shared>>
      tpu.wait_dma2 semaphore(%run_scoped3A : memref<!tpu.dma_semaphore, #tpu.memory_space<semaphore_mem>>) src(%arg10 : memref<128x128xf32, #tpu.memory_space<vmem>>) dst(%dma_wait3A_70 : memref<128x128xf32, #tpu.memory_space<vmem_shared>>)
      tpu.yield
    }) : () -> ()
    %mul3A_48 = arith.constant 640 : i32
    %mul3A_49 = arith.muli %arg1, %mul3A_48 : i32
    %add3A_50 = arith.constant 512 : i32
    %add3A_51 = arith.addi %mul3A_49, %add3A_50 : i32
    "tpu.region"() ({
      %run_scoped3A = tpu.sem_alloc : memref<!tpu.dma_semaphore, #tpu.memory_space<semaphore_mem>>
      %dma_start3A = arith.constant 0 : i32
      %dma_start3A_65 = tpu.memref_slice %arg11[%add3A_51, %dma_start3A] : memref<10240x128xf32, #tpu.memory_space<vmem_shared>> -> memref<128x128xf32, #tpu.memory_space<vmem_shared>>
      %dma_start3A_66 = arith.constant 0 : i32
      %dma_start3A_67 = tpu.memref_slice %arg11[%add3A_51, %dma_start3A_66] : memref<10240x128xf32, #tpu.memory_space<vmem_shared>> -> memref<128x128xf32, #tpu.memory_space<vmem_shared>>
      tpu.enqueue_dma source(%arg10 : memref<128x128xf32, #tpu.memory_space<vmem>>) target(%dma_start3A_67 : memref<128x128xf32, #tpu.memory_space<vmem_shared>>) target_semaphore(%run_scoped3A : memref<!tpu.dma_semaphore, #tpu.memory_space<semaphore_mem>>)
      %dma_wait3A = arith.constant 0 : i32
      %dma_wait3A_68 = tpu.memref_slice %arg11[%add3A_51, %dma_wait3A] : memref<10240x128xf32, #tpu.memory_space<vmem_shared>> -> memref<128x128xf32, #tpu.memory_space<vmem_shared>>
      %dma_wait3A_69 = arith.constant 0 : i32
      %dma_wait3A_70 = tpu.memref_slice %arg11[%add3A_51, %dma_wait3A_69] : memref<10240x128xf32, #tpu.memory_space<vmem_shared>> -> memref<128x128xf32, #tpu.memory_space<vmem_shared>>
      tpu.wait_dma2 semaphore(%run_scoped3A : memref<!tpu.dma_semaphore, #tpu.memory_space<semaphore_mem>>) src(%arg10 : memref<128x128xf32, #tpu.memory_space<vmem>>) dst(%dma_wait3A_70 : memref<128x128xf32, #tpu.memory_space<vmem_shared>>)
      tpu.yield
    }) : () -> ()
    %barrier3A_52 = arith.constant 0 : index
    tpu.barrier barrier_id(%barrier3A_52)
    %scan3A_53 = arith.constant 0 : i32
    %scan3A_54 = arith.constant 0 : i32
    %scan3A_55 = arith.constant 40 : i32
    %scan3A_56 = arith.addi %scan3A_54, %scan3A_55 : i32
    %scan3A_57 = arith.constant 1 : i32
    scf.for %scan3A_65 = %scan3A_54 to %scan3A_56 step %scan3A_57  : i32 {
      %mul3A_66 = arith.constant 5120 : i32
      %mul3A_67 = arith.muli %add3A, %mul3A_66 : i32
      %mul3A_68 = arith.constant 128 : i32
      %mul3A_69 = arith.muli %scan3A_65, %mul3A_68 : i32
      %add3A_70 = arith.addi %mul3A_67, %mul3A_69 : i32
      "tpu.region"() ({
        %run_scoped3A = tpu.sem_alloc : memref<!tpu.dma_semaphore, #tpu.memory_space<semaphore_mem>>
        %dma_start3A = tpu.memref_slice %arg3[%add3A_70] : memref<163840xi32, #tpu.memory_space<hbm>> -> memref<128xi32, #tpu.memory_space<hbm>>
        %dma_start3A_71 = tpu.memref_slice %arg3[%add3A_70] : memref<163840xi32, #tpu.memory_space<hbm>> -> memref<128xi32, #tpu.memory_space<hbm>>
        tpu.enqueue_dma source(%dma_start3A_71 : memref<128xi32, #tpu.memory_space<hbm>>) target(%arg8 : memref<128xi32, #tpu.memory_space<vmem>>) target_semaphore(%run_scoped3A : memref<!tpu.dma_semaphore, #tpu.memory_space<semaphore_mem>>)
        %dma_wait3A = tpu.memref_slice %arg3[%add3A_70] : memref<163840xi32, #tpu.memory_space<hbm>> -> memref<128xi32, #tpu.memory_space<hbm>>
        %dma_wait3A_72 = tpu.memref_slice %arg3[%add3A_70] : memref<163840xi32, #tpu.memory_space<hbm>> -> memref<128xi32, #tpu.memory_space<hbm>>
        tpu.wait_dma2 semaphore(%run_scoped3A : memref<!tpu.dma_semaphore, #tpu.memory_space<semaphore_mem>>) src(%dma_wait3A_72 : memref<128xi32, #tpu.memory_space<hbm>>) dst(%arg8 : memref<128xi32, #tpu.memory_space<vmem>>)
        tpu.yield
      }) : () -> ()
      "tpu.region"() ({
        %run_scoped3A = tpu.sem_alloc : memref<!tpu.dma_semaphore, #tpu.memory_space<semaphore_mem>>
        %dma_start3A = arith.constant 0 : i32
        %dma_start3A_71 = arith.constant 0 : i32
        %dma_start3A_72 = tpu.memref_slice %arg11[%dma_start3A, %dma_start3A_71] : memref<10240x128xf32, #tpu.memory_space<vmem_shared>> -> memref<10240x128xf32, #tpu.memory_space<vmem_shared>>
        tpu.enqueue_indirect_dma source(%arg9 : memref<128x128xf32, #tpu.memory_space<vmem>>) target(%dma_start3A_72 : memref<10240x128xf32, #tpu.memory_space<vmem_shared>>) offsets(%arg8 : memref<128xi32, #tpu.memory_space<vmem>>) semaphore(%run_scoped3A : memref<!tpu.dma_semaphore, #tpu.memory_space<semaphore_mem>>) {add = true}
        %dma_wait3A = arith.constant 0 : i32
        %dma_wait3A_73 = arith.constant 0 : i32
        %dma_wait3A_74 = tpu.memref_slice %arg11[%dma_wait3A, %dma_wait3A_73] : memref<10240x128xf32, #tpu.memory_space<vmem_shared>> -> memref<10240x128xf32, #tpu.memory_space<vmem_shared>>
        tpu.wait_indirect_dma semaphore(%run_scoped3A : memref<!tpu.dma_semaphore, #tpu.memory_space<semaphore_mem>>) src(%arg9 : memref<128x128xf32, #tpu.memory_space<vmem>>) dst(%dma_wait3A_74 : memref<10240x128xf32, #tpu.memory_space<vmem_shared>>)
        tpu.yield
      }) : () -> ()
    }
    %scan3A_58 = arith.constant 40 : i32
    %barrier3A_59 = arith.constant 0 : index
    tpu.barrier barrier_id(%barrier3A_59)
    %mul3A_60 = arith.constant 640 : i32
    %mul3A_61 = arith.muli %arg1, %mul3A_60 : i32
    %mul3A_62 = arith.constant 640 : i32
    %mul3A_63 = arith.muli %arg1, %mul3A_62 : i32
    "tpu.region"() ({
      %run_scoped3A = tpu.sem_alloc : memref<!tpu.dma_semaphore, #tpu.memory_space<semaphore_mem>>
      %dma_start3A = arith.constant 0 : i32
      %dma_start3A_65 = tpu.memref_slice %arg7[%arg0, %mul3A_63, %dma_start3A] : memref<2x10240x128xf32, #tpu.memory_space<hbm>> -> memref<1x640x128xf32, #tpu.memory_space<hbm>>
      %dma_start3A_66 = tpu.memref_squeeze %dma_start3A_65 : memref<1x640x128xf32, #tpu.memory_space<hbm>> -> memref<640x128xf32, #tpu.memory_space<hbm>>
      %dma_start3A_67 = arith.constant 0 : i32
      %dma_start3A_68 = tpu.memref_slice %arg11[%mul3A_61, %dma_start3A_67] : memref<10240x128xf32, #tpu.memory_space<vmem_shared>> -> memref<640x128xf32, #tpu.memory_space<vmem_shared>>
      tpu.enqueue_dma source(%dma_start3A_68 : memref<640x128xf32, #tpu.memory_space<vmem_shared>>) target(%dma_start3A_66 : memref<640x128xf32, #tpu.memory_space<hbm>>) target_semaphore(%run_scoped3A : memref<!tpu.dma_semaphore, #tpu.memory_space<semaphore_mem>>)
      %dma_wait3A = arith.constant 0 : i32
      %dma_wait3A_69 = tpu.memref_slice %arg7[%arg0, %mul3A_63, %dma_wait3A] : memref<2x10240x128xf32, #tpu.memory_space<hbm>> -> memref<1x640x128xf32, #tpu.memory_space<hbm>>
      %dma_wait3A_70 = tpu.memref_squeeze %dma_wait3A_69 : memref<1x640x128xf32, #tpu.memory_space<hbm>> -> memref<640x128xf32, #tpu.memory_space<hbm>>
      %dma_wait3A_71 = arith.constant 0 : i32
      %dma_wait3A_72 = tpu.memref_slice %arg11[%mul3A_61, %dma_wait3A_71] : memref<10240x128xf32, #tpu.memory_space<vmem_shared>> -> memref<640x128xf32, #tpu.memory_space<vmem_shared>>
      tpu.wait_dma2 semaphore(%run_scoped3A : memref<!tpu.dma_semaphore, #tpu.memory_space<semaphore_mem>>) src(%dma_wait3A_72 : memref<640x128xf32, #tpu.memory_space<vmem_shared>>) dst(%dma_wait3A_70 : memref<640x128xf32, #tpu.memory_space<hbm>>)
      tpu.yield
    }) : () -> ()
    %barrier3A_64 = arith.constant 0 : index
    tpu.barrier barrier_id(%barrier3A_64)
    return
  }
}

#map = affine_map<(d0, d1) -> (0, 0, 0)>
#map1 = affine_map<(d0, d1) -> (0)>
#map2 = affine_map<(d0, d1) -> (0, 0)>
#map3 = affine_map<(d0, d1) -> (0, 0, 0, 0)>
module attributes {stable_mosaic.version = 14 : i64} {
  func.func @phase(%arg0: i32, %arg1: i32, %arg2: memref<1x10240x128xf32, #tpu.memory_space<hbm>>, %arg3: memref<163840xi32, #tpu.memory_space<hbm>>, %arg4: memref<163840xi32, #tpu.memory_space<hbm>>, %arg5: memref<128x128xf32, #tpu.memory_space<hbm>>, %arg6: memref<2x1x10240x128xf32, #tpu.memory_space<hbm>>, %arg7: memref<128xi32, #tpu.memory_space<vmem>>, %arg8: memref<128xi32, #tpu.memory_space<vmem>>, %arg9: memref<128x128xf32, #tpu.memory_space<vmem>>, %arg10: memref<128x128xf32, #tpu.memory_space<vmem>>, %arg11: memref<10240x128xf32, #tpu.memory_space<vmem_shared>>, %arg12: memref<!tpu.dma_semaphore, #tpu.memory_space<semaphore_mem>>) attributes {dimension_semantics = [#tpu.dimension_semantics<core_parallel>, #tpu.dimension_semantics<subcore_parallel>], iteration_bounds = array<i64: 2, 16>, scalar_prefetch = 0 : i64, scratch_operands = 6 : i64, tpu.core_type = #tpu.core_type<sc_vector_subcore>, window_params = [{transform_indices = #map}, {transform_indices = #map1}, {transform_indices = #map1}, {transform_indices = #map2}, {transform_indices = #map3}]} {
    %mul3A = arith.constant 16 : i32
    %mul3A_0 = arith.muli %arg0, %mul3A : i32
    %add3A = arith.addi %mul3A_0, %arg1 : i32
    "tpu.region"() ({
      %run_scoped3A_33 = tpu.sem_alloc : memref<!tpu.dma_semaphore, #tpu.memory_space<semaphore_mem>>
      tpu.enqueue_dma source(%arg5 : memref<128x128xf32, #tpu.memory_space<hbm>>) target(%arg10 : memref<128x128xf32, #tpu.memory_space<vmem>>) target_semaphore(%run_scoped3A_33 : memref<!tpu.dma_semaphore, #tpu.memory_space<semaphore_mem>>)
      tpu.wait_dma2 semaphore(%run_scoped3A_33 : memref<!tpu.dma_semaphore, #tpu.memory_space<semaphore_mem>>) src(%arg5 : memref<128x128xf32, #tpu.memory_space<hbm>>) dst(%arg10 : memref<128x128xf32, #tpu.memory_space<vmem>>)
      tpu.yield
    }) : () -> ()
    %mul3A_1 = arith.constant 640 : i32
    %mul3A_2 = arith.muli %arg1, %mul3A_1 : i32
    %add3A_3 = arith.constant 0 : i32
    %add3A_4 = arith.addi %mul3A_2, %add3A_3 : i32
    "tpu.region"() ({
      %run_scoped3A_33 = tpu.sem_alloc : memref<!tpu.dma_semaphore, #tpu.memory_space<semaphore_mem>>
      %dma_start3A = arith.constant 0 : i32
      %dma_start3A_34 = tpu.memref_slice %arg11[%add3A_4, %dma_start3A] : memref<10240x128xf32, #tpu.memory_space<vmem_shared>> -> memref<128x128xf32, #tpu.memory_space<vmem_shared>>
      %dma_start3A_35 = arith.constant 0 : i32
      %dma_start3A_36 = tpu.memref_slice %arg11[%add3A_4, %dma_start3A_35] : memref<10240x128xf32, #tpu.memory_space<vmem_shared>> -> memref<128x128xf32, #tpu.memory_space<vmem_shared>>
      tpu.enqueue_dma source(%arg10 : memref<128x128xf32, #tpu.memory_space<vmem>>) target(%dma_start3A_36 : memref<128x128xf32, #tpu.memory_space<vmem_shared>>) target_semaphore(%run_scoped3A_33 : memref<!tpu.dma_semaphore, #tpu.memory_space<semaphore_mem>>)
      %dma_wait3A = arith.constant 0 : i32
      %dma_wait3A_37 = tpu.memref_slice %arg11[%add3A_4, %dma_wait3A] : memref<10240x128xf32, #tpu.memory_space<vmem_shared>> -> memref<128x128xf32, #tpu.memory_space<vmem_shared>>
      %dma_wait3A_38 = arith.constant 0 : i32
      %dma_wait3A_39 = tpu.memref_slice %arg11[%add3A_4, %dma_wait3A_38] : memref<10240x128xf32, #tpu.memory_space<vmem_shared>> -> memref<128x128xf32, #tpu.memory_space<vmem_shared>>
      tpu.wait_dma2 semaphore(%run_scoped3A_33 : memref<!tpu.dma_semaphore, #tpu.memory_space<semaphore_mem>>) src(%arg10 : memref<128x128xf32, #tpu.memory_space<vmem>>) dst(%dma_wait3A_39 : memref<128x128xf32, #tpu.memory_space<vmem_shared>>)
      tpu.yield
    }) : () -> ()
    %mul3A_5 = arith.constant 640 : i32
    %mul3A_6 = arith.muli %arg1, %mul3A_5 : i32
    %add3A_7 = arith.constant 128 : i32
    %add3A_8 = arith.addi %mul3A_6, %add3A_7 : i32
    "tpu.region"() ({
      %run_scoped3A_33 = tpu.sem_alloc : memref<!tpu.dma_semaphore, #tpu.memory_space<semaphore_mem>>
      %dma_start3A = arith.constant 0 : i32
      %dma_start3A_34 = tpu.memref_slice %arg11[%add3A_8, %dma_start3A] : memref<10240x128xf32, #tpu.memory_space<vmem_shared>> -> memref<128x128xf32, #tpu.memory_space<vmem_shared>>
      %dma_start3A_35 = arith.constant 0 : i32
      %dma_start3A_36 = tpu.memref_slice %arg11[%add3A_8, %dma_start3A_35] : memref<10240x128xf32, #tpu.memory_space<vmem_shared>> -> memref<128x128xf32, #tpu.memory_space<vmem_shared>>
      tpu.enqueue_dma source(%arg10 : memref<128x128xf32, #tpu.memory_space<vmem>>) target(%dma_start3A_36 : memref<128x128xf32, #tpu.memory_space<vmem_shared>>) target_semaphore(%run_scoped3A_33 : memref<!tpu.dma_semaphore, #tpu.memory_space<semaphore_mem>>)
      %dma_wait3A = arith.constant 0 : i32
      %dma_wait3A_37 = tpu.memref_slice %arg11[%add3A_8, %dma_wait3A] : memref<10240x128xf32, #tpu.memory_space<vmem_shared>> -> memref<128x128xf32, #tpu.memory_space<vmem_shared>>
      %dma_wait3A_38 = arith.constant 0 : i32
      %dma_wait3A_39 = tpu.memref_slice %arg11[%add3A_8, %dma_wait3A_38] : memref<10240x128xf32, #tpu.memory_space<vmem_shared>> -> memref<128x128xf32, #tpu.memory_space<vmem_shared>>
      tpu.wait_dma2 semaphore(%run_scoped3A_33 : memref<!tpu.dma_semaphore, #tpu.memory_space<semaphore_mem>>) src(%arg10 : memref<128x128xf32, #tpu.memory_space<vmem>>) dst(%dma_wait3A_39 : memref<128x128xf32, #tpu.memory_space<vmem_shared>>)
      tpu.yield
    }) : () -> ()
    %mul3A_9 = arith.constant 640 : i32
    %mul3A_10 = arith.muli %arg1, %mul3A_9 : i32
    %add3A_11 = arith.constant 256 : i32
    %add3A_12 = arith.addi %mul3A_10, %add3A_11 : i32
    "tpu.region"() ({
      %run_scoped3A_33 = tpu.sem_alloc : memref<!tpu.dma_semaphore, #tpu.memory_space<semaphore_mem>>
      %dma_start3A = arith.constant 0 : i32
      %dma_start3A_34 = tpu.memref_slice %arg11[%add3A_12, %dma_start3A] : memref<10240x128xf32, #tpu.memory_space<vmem_shared>> -> memref<128x128xf32, #tpu.memory_space<vmem_shared>>
      %dma_start3A_35 = arith.constant 0 : i32
      %dma_start3A_36 = tpu.memref_slice %arg11[%add3A_12, %dma_start3A_35] : memref<10240x128xf32, #tpu.memory_space<vmem_shared>> -> memref<128x128xf32, #tpu.memory_space<vmem_shared>>
      tpu.enqueue_dma source(%arg10 : memref<128x128xf32, #tpu.memory_space<vmem>>) target(%dma_start3A_36 : memref<128x128xf32, #tpu.memory_space<vmem_shared>>) target_semaphore(%run_scoped3A_33 : memref<!tpu.dma_semaphore, #tpu.memory_space<semaphore_mem>>)
      %dma_wait3A = arith.constant 0 : i32
      %dma_wait3A_37 = tpu.memref_slice %arg11[%add3A_12, %dma_wait3A] : memref<10240x128xf32, #tpu.memory_space<vmem_shared>> -> memref<128x128xf32, #tpu.memory_space<vmem_shared>>
      %dma_wait3A_38 = arith.constant 0 : i32
      %dma_wait3A_39 = tpu.memref_slice %arg11[%add3A_12, %dma_wait3A_38] : memref<10240x128xf32, #tpu.memory_space<vmem_shared>> -> memref<128x128xf32, #tpu.memory_space<vmem_shared>>
      tpu.wait_dma2 semaphore(%run_scoped3A_33 : memref<!tpu.dma_semaphore, #tpu.memory_space<semaphore_mem>>) src(%arg10 : memref<128x128xf32, #tpu.memory_space<vmem>>) dst(%dma_wait3A_39 : memref<128x128xf32, #tpu.memory_space<vmem_shared>>)
      tpu.yield
    }) : () -> ()
    %mul3A_13 = arith.constant 640 : i32
    %mul3A_14 = arith.muli %arg1, %mul3A_13 : i32
    %add3A_15 = arith.constant 384 : i32
    %add3A_16 = arith.addi %mul3A_14, %add3A_15 : i32
    "tpu.region"() ({
      %run_scoped3A_33 = tpu.sem_alloc : memref<!tpu.dma_semaphore, #tpu.memory_space<semaphore_mem>>
      %dma_start3A = arith.constant 0 : i32
      %dma_start3A_34 = tpu.memref_slice %arg11[%add3A_16, %dma_start3A] : memref<10240x128xf32, #tpu.memory_space<vmem_shared>> -> memref<128x128xf32, #tpu.memory_space<vmem_shared>>
      %dma_start3A_35 = arith.constant 0 : i32
      %dma_start3A_36 = tpu.memref_slice %arg11[%add3A_16, %dma_start3A_35] : memref<10240x128xf32, #tpu.memory_space<vmem_shared>> -> memref<128x128xf32, #tpu.memory_space<vmem_shared>>
      tpu.enqueue_dma source(%arg10 : memref<128x128xf32, #tpu.memory_space<vmem>>) target(%dma_start3A_36 : memref<128x128xf32, #tpu.memory_space<vmem_shared>>) target_semaphore(%run_scoped3A_33 : memref<!tpu.dma_semaphore, #tpu.memory_space<semaphore_mem>>)
      %dma_wait3A = arith.constant 0 : i32
      %dma_wait3A_37 = tpu.memref_slice %arg11[%add3A_16, %dma_wait3A] : memref<10240x128xf32, #tpu.memory_space<vmem_shared>> -> memref<128x128xf32, #tpu.memory_space<vmem_shared>>
      %dma_wait3A_38 = arith.constant 0 : i32
      %dma_wait3A_39 = tpu.memref_slice %arg11[%add3A_16, %dma_wait3A_38] : memref<10240x128xf32, #tpu.memory_space<vmem_shared>> -> memref<128x128xf32, #tpu.memory_space<vmem_shared>>
      tpu.wait_dma2 semaphore(%run_scoped3A_33 : memref<!tpu.dma_semaphore, #tpu.memory_space<semaphore_mem>>) src(%arg10 : memref<128x128xf32, #tpu.memory_space<vmem>>) dst(%dma_wait3A_39 : memref<128x128xf32, #tpu.memory_space<vmem_shared>>)
      tpu.yield
    }) : () -> ()
    %mul3A_17 = arith.constant 640 : i32
    %mul3A_18 = arith.muli %arg1, %mul3A_17 : i32
    %add3A_19 = arith.constant 512 : i32
    %add3A_20 = arith.addi %mul3A_18, %add3A_19 : i32
    "tpu.region"() ({
      %run_scoped3A_33 = tpu.sem_alloc : memref<!tpu.dma_semaphore, #tpu.memory_space<semaphore_mem>>
      %dma_start3A = arith.constant 0 : i32
      %dma_start3A_34 = tpu.memref_slice %arg11[%add3A_20, %dma_start3A] : memref<10240x128xf32, #tpu.memory_space<vmem_shared>> -> memref<128x128xf32, #tpu.memory_space<vmem_shared>>
      %dma_start3A_35 = arith.constant 0 : i32
      %dma_start3A_36 = tpu.memref_slice %arg11[%add3A_20, %dma_start3A_35] : memref<10240x128xf32, #tpu.memory_space<vmem_shared>> -> memref<128x128xf32, #tpu.memory_space<vmem_shared>>
      tpu.enqueue_dma source(%arg10 : memref<128x128xf32, #tpu.memory_space<vmem>>) target(%dma_start3A_36 : memref<128x128xf32, #tpu.memory_space<vmem_shared>>) target_semaphore(%run_scoped3A_33 : memref<!tpu.dma_semaphore, #tpu.memory_space<semaphore_mem>>)
      %dma_wait3A = arith.constant 0 : i32
      %dma_wait3A_37 = tpu.memref_slice %arg11[%add3A_20, %dma_wait3A] : memref<10240x128xf32, #tpu.memory_space<vmem_shared>> -> memref<128x128xf32, #tpu.memory_space<vmem_shared>>
      %dma_wait3A_38 = arith.constant 0 : i32
      %dma_wait3A_39 = tpu.memref_slice %arg11[%add3A_20, %dma_wait3A_38] : memref<10240x128xf32, #tpu.memory_space<vmem_shared>> -> memref<128x128xf32, #tpu.memory_space<vmem_shared>>
      tpu.wait_dma2 semaphore(%run_scoped3A_33 : memref<!tpu.dma_semaphore, #tpu.memory_space<semaphore_mem>>) src(%arg10 : memref<128x128xf32, #tpu.memory_space<vmem>>) dst(%dma_wait3A_39 : memref<128x128xf32, #tpu.memory_space<vmem_shared>>)
      tpu.yield
    }) : () -> ()
    %barrier3A = arith.constant 0 : index
    tpu.barrier barrier_id(%barrier3A)
    %scan3A = arith.constant 0 : i32
    %scan3A_21 = arith.constant 0 : i32
    %scan3A_22 = arith.constant 0 : i32
    %scan3A_23 = arith.constant 40 : i32
    %scan3A_24 = arith.addi %scan3A_22, %scan3A_23 : i32
    %scan3A_25 = arith.constant 1 : i32
    scf.for %scan3A_33 = %scan3A_22 to %scan3A_24 step %scan3A_25  : i32 {
      %mul3A_34 = arith.constant 5120 : i32
      %mul3A_35 = arith.muli %add3A, %mul3A_34 : i32
      %mul3A_36 = arith.constant 128 : i32
      %mul3A_37 = arith.muli %scan3A_33, %mul3A_36 : i32
      %add3A_38 = arith.addi %mul3A_35, %mul3A_37 : i32
      "tpu.region"() ({
        %run_scoped3A_51 = tpu.sem_alloc : memref<!tpu.dma_semaphore, #tpu.memory_space<semaphore_mem>>
        %dma_start3A_52 = tpu.memref_slice %arg3[%add3A_38] : memref<163840xi32, #tpu.memory_space<hbm>> -> memref<128xi32, #tpu.memory_space<hbm>>
        %dma_start3A_53 = tpu.memref_slice %arg3[%add3A_38] : memref<163840xi32, #tpu.memory_space<hbm>> -> memref<128xi32, #tpu.memory_space<hbm>>
        tpu.enqueue_dma source(%dma_start3A_53 : memref<128xi32, #tpu.memory_space<hbm>>) target(%arg7 : memref<128xi32, #tpu.memory_space<vmem>>) target_semaphore(%run_scoped3A_51 : memref<!tpu.dma_semaphore, #tpu.memory_space<semaphore_mem>>)
        %dma_wait3A_54 = tpu.memref_slice %arg3[%add3A_38] : memref<163840xi32, #tpu.memory_space<hbm>> -> memref<128xi32, #tpu.memory_space<hbm>>
        %dma_wait3A_55 = tpu.memref_slice %arg3[%add3A_38] : memref<163840xi32, #tpu.memory_space<hbm>> -> memref<128xi32, #tpu.memory_space<hbm>>
        tpu.wait_dma2 semaphore(%run_scoped3A_51 : memref<!tpu.dma_semaphore, #tpu.memory_space<semaphore_mem>>) src(%dma_wait3A_55 : memref<128xi32, #tpu.memory_space<hbm>>) dst(%arg7 : memref<128xi32, #tpu.memory_space<vmem>>)
        tpu.yield
      }) : () -> ()
      "tpu.region"() ({
        %run_scoped3A_51 = tpu.sem_alloc : memref<!tpu.dma_semaphore, #tpu.memory_space<semaphore_mem>>
        %dma_start3A_52 = tpu.memref_slice %arg4[%add3A_38] : memref<163840xi32, #tpu.memory_space<hbm>> -> memref<128xi32, #tpu.memory_space<hbm>>
        %dma_start3A_53 = tpu.memref_slice %arg4[%add3A_38] : memref<163840xi32, #tpu.memory_space<hbm>> -> memref<128xi32, #tpu.memory_space<hbm>>
        tpu.enqueue_dma source(%dma_start3A_53 : memref<128xi32, #tpu.memory_space<hbm>>) target(%arg8 : memref<128xi32, #tpu.memory_space<vmem>>) target_semaphore(%run_scoped3A_51 : memref<!tpu.dma_semaphore, #tpu.memory_space<semaphore_mem>>)
        %dma_wait3A_54 = tpu.memref_slice %arg4[%add3A_38] : memref<163840xi32, #tpu.memory_space<hbm>> -> memref<128xi32, #tpu.memory_space<hbm>>
        %dma_wait3A_55 = tpu.memref_slice %arg4[%add3A_38] : memref<163840xi32, #tpu.memory_space<hbm>> -> memref<128xi32, #tpu.memory_space<hbm>>
        tpu.wait_dma2 semaphore(%run_scoped3A_51 : memref<!tpu.dma_semaphore, #tpu.memory_space<semaphore_mem>>) src(%dma_wait3A_55 : memref<128xi32, #tpu.memory_space<hbm>>) dst(%arg8 : memref<128xi32, #tpu.memory_space<vmem>>)
        tpu.yield
      }) : () -> ()
      %dma_start3A = arith.constant 0 : i32
      %dma_start3A_39 = arith.constant 0 : i32
      %dma_start3A_40 = tpu.memref_slice %arg2[%scan3A_21, %dma_start3A, %dma_start3A_39] : memref<1x10240x128xf32, #tpu.memory_space<hbm>> -> memref<1x10240x128xf32, #tpu.memory_space<hbm>>
      %dma_start3A_41 = tpu.memref_squeeze %dma_start3A_40 : memref<1x10240x128xf32, #tpu.memory_space<hbm>> -> memref<10240x128xf32, #tpu.memory_space<hbm>>
      %dma_start3A_42 = arith.constant 0 : i32
      %dma_start3A_43 = arith.constant 0 : i32
      %dma_start3A_44 = tpu.memref_slice %dma_start3A_41[%dma_start3A_42, %dma_start3A_43] : memref<10240x128xf32, #tpu.memory_space<hbm>> -> memref<10240x128xf32, #tpu.memory_space<hbm>>
      tpu.enqueue_indirect_dma source(%dma_start3A_44 : memref<10240x128xf32, #tpu.memory_space<hbm>>) target(%arg9 : memref<128x128xf32, #tpu.memory_space<vmem>>) offsets(%arg7 : memref<128xi32, #tpu.memory_space<vmem>>) semaphore(%arg12 : memref<!tpu.dma_semaphore, #tpu.memory_space<semaphore_mem>>)
      %dma_wait3A = arith.constant 0 : i32
      %dma_wait3A_45 = arith.constant 0 : i32
      %dma_wait3A_46 = tpu.memref_slice %arg2[%scan3A_21, %dma_wait3A, %dma_wait3A_45] : memref<1x10240x128xf32, #tpu.memory_space<hbm>> -> memref<1x10240x128xf32, #tpu.memory_space<hbm>>
      %dma_wait3A_47 = tpu.memref_squeeze %dma_wait3A_46 : memref<1x10240x128xf32, #tpu.memory_space<hbm>> -> memref<10240x128xf32, #tpu.memory_space<hbm>>
      %dma_wait3A_48 = arith.constant 0 : i32
      %dma_wait3A_49 = arith.constant 0 : i32
      %dma_wait3A_50 = tpu.memref_slice %dma_wait3A_47[%dma_wait3A_48, %dma_wait3A_49] : memref<10240x128xf32, #tpu.memory_space<hbm>> -> memref<10240x128xf32, #tpu.memory_space<hbm>>
      tpu.wait_indirect_dma semaphore(%arg12 : memref<!tpu.dma_semaphore, #tpu.memory_space<semaphore_mem>>) src(%dma_wait3A_50 : memref<10240x128xf32, #tpu.memory_space<hbm>>) dst(%arg9 : memref<128x128xf32, #tpu.memory_space<vmem>>)
      "tpu.region"() ({
        %run_scoped3A_51 = tpu.sem_alloc : memref<!tpu.dma_semaphore, #tpu.memory_space<semaphore_mem>>
        %dma_start3A_52 = arith.constant 0 : i32
        %dma_start3A_53 = arith.constant 0 : i32
        %dma_start3A_54 = tpu.memref_slice %arg11[%dma_start3A_52, %dma_start3A_53] : memref<10240x128xf32, #tpu.memory_space<vmem_shared>> -> memref<10240x128xf32, #tpu.memory_space<vmem_shared>>
        tpu.enqueue_indirect_dma source(%arg9 : memref<128x128xf32, #tpu.memory_space<vmem>>) target(%dma_start3A_54 : memref<10240x128xf32, #tpu.memory_space<vmem_shared>>) offsets(%arg8 : memref<128xi32, #tpu.memory_space<vmem>>) semaphore(%run_scoped3A_51 : memref<!tpu.dma_semaphore, #tpu.memory_space<semaphore_mem>>) {add = true}
        %dma_wait3A_55 = arith.constant 0 : i32
        %dma_wait3A_56 = arith.constant 0 : i32
        %dma_wait3A_57 = tpu.memref_slice %arg11[%dma_wait3A_55, %dma_wait3A_56] : memref<10240x128xf32, #tpu.memory_space<vmem_shared>> -> memref<10240x128xf32, #tpu.memory_space<vmem_shared>>
        tpu.wait_indirect_dma semaphore(%run_scoped3A_51 : memref<!tpu.dma_semaphore, #tpu.memory_space<semaphore_mem>>) src(%arg9 : memref<128x128xf32, #tpu.memory_space<vmem>>) dst(%dma_wait3A_57 : memref<10240x128xf32, #tpu.memory_space<vmem_shared>>)
        tpu.yield
      }) : () -> ()
    }
    %scan3A_26 = arith.constant 40 : i32
    %barrier3A_27 = arith.constant 0 : index
    tpu.barrier barrier_id(%barrier3A_27)
    %mul3A_28 = arith.constant 640 : i32
    %mul3A_29 = arith.muli %arg1, %mul3A_28 : i32
    %mul3A_30 = arith.constant 640 : i32
    %mul3A_31 = arith.muli %arg1, %mul3A_30 : i32
    %run_scoped3A = arith.constant 0 : i32
    "tpu.region"() ({
      %run_scoped3A_33 = tpu.sem_alloc : memref<!tpu.dma_semaphore, #tpu.memory_space<semaphore_mem>>
      %dma_start3A = arith.constant 0 : i32
      %dma_start3A_34 = tpu.memref_slice %arg6[%arg0, %run_scoped3A, %mul3A_31, %dma_start3A] : memref<2x1x10240x128xf32, #tpu.memory_space<hbm>> -> memref<1x1x640x128xf32, #tpu.memory_space<hbm>>
      %dma_start3A_35 = tpu.memref_squeeze %dma_start3A_34 : memref<1x1x640x128xf32, #tpu.memory_space<hbm>> -> memref<640x128xf32, #tpu.memory_space<hbm>>
      %dma_start3A_36 = arith.constant 0 : i32
      %dma_start3A_37 = tpu.memref_slice %arg11[%mul3A_29, %dma_start3A_36] : memref<10240x128xf32, #tpu.memory_space<vmem_shared>> -> memref<640x128xf32, #tpu.memory_space<vmem_shared>>
      tpu.enqueue_dma source(%dma_start3A_37 : memref<640x128xf32, #tpu.memory_space<vmem_shared>>) target(%dma_start3A_35 : memref<640x128xf32, #tpu.memory_space<hbm>>) target_semaphore(%run_scoped3A_33 : memref<!tpu.dma_semaphore, #tpu.memory_space<semaphore_mem>>)
      %dma_wait3A = arith.constant 0 : i32
      %dma_wait3A_38 = tpu.memref_slice %arg6[%arg0, %run_scoped3A, %mul3A_31, %dma_wait3A] : memref<2x1x10240x128xf32, #tpu.memory_space<hbm>> -> memref<1x1x640x128xf32, #tpu.memory_space<hbm>>
      %dma_wait3A_39 = tpu.memref_squeeze %dma_wait3A_38 : memref<1x1x640x128xf32, #tpu.memory_space<hbm>> -> memref<640x128xf32, #tpu.memory_space<hbm>>
      %dma_wait3A_40 = arith.constant 0 : i32
      %dma_wait3A_41 = tpu.memref_slice %arg11[%mul3A_29, %dma_wait3A_40] : memref<10240x128xf32, #tpu.memory_space<vmem_shared>> -> memref<640x128xf32, #tpu.memory_space<vmem_shared>>
      tpu.wait_dma2 semaphore(%run_scoped3A_33 : memref<!tpu.dma_semaphore, #tpu.memory_space<semaphore_mem>>) src(%dma_wait3A_41 : memref<640x128xf32, #tpu.memory_space<vmem_shared>>) dst(%dma_wait3A_39 : memref<640x128xf32, #tpu.memory_space<hbm>>)
      tpu.yield
    }) : () -> ()
    %barrier3A_32 = arith.constant 0 : index
    tpu.barrier barrier_id(%barrier3A_32)
    return
  }
}

#map = affine_map<(d0, d1) -> (0, 0, 0)>
#map1 = affine_map<(d0, d1) -> (0)>
#map2 = affine_map<(d0, d1) -> (0, 0)>
#map3 = affine_map<(d0, d1) -> (0, 0, 0, 0)>
module attributes {stable_mosaic.version = 14 : i64} {
  func.func @phase(%arg0: i32, %arg1: i32, %arg2: memref<2x10240x128xf32, #tpu.memory_space<hbm>>, %arg3: memref<163840xi32, #tpu.memory_space<hbm>>, %arg4: memref<163840xi32, #tpu.memory_space<hbm>>, %arg5: memref<128x128xf32, #tpu.memory_space<hbm>>, %arg6: memref<2x2x10240x128xf32, #tpu.memory_space<hbm>>, %arg7: memref<128xi32, #tpu.memory_space<vmem>>, %arg8: memref<128xi32, #tpu.memory_space<vmem>>, %arg9: memref<128x128xf32, #tpu.memory_space<vmem>>, %arg10: memref<128x128xf32, #tpu.memory_space<vmem>>, %arg11: memref<10240x128xf32, #tpu.memory_space<vmem_shared>>, %arg12: memref<!tpu.dma_semaphore, #tpu.memory_space<semaphore_mem>>) attributes {dimension_semantics = [#tpu.dimension_semantics<core_parallel>, #tpu.dimension_semantics<subcore_parallel>], iteration_bounds = array<i64: 2, 16>, scalar_prefetch = 0 : i64, scratch_operands = 6 : i64, tpu.core_type = #tpu.core_type<sc_vector_subcore>, window_params = [{transform_indices = #map}, {transform_indices = #map1}, {transform_indices = #map1}, {transform_indices = #map2}, {transform_indices = #map3}]} {
    %mul3A = arith.constant 16 : i32
    %mul3A_0 = arith.muli %arg0, %mul3A : i32
    %add3A = arith.addi %mul3A_0, %arg1 : i32
    "tpu.region"() ({
      %run_scoped3A_68 = tpu.sem_alloc : memref<!tpu.dma_semaphore, #tpu.memory_space<semaphore_mem>>
      tpu.enqueue_dma source(%arg5 : memref<128x128xf32, #tpu.memory_space<hbm>>) target(%arg10 : memref<128x128xf32, #tpu.memory_space<vmem>>) target_semaphore(%run_scoped3A_68 : memref<!tpu.dma_semaphore, #tpu.memory_space<semaphore_mem>>)
      tpu.wait_dma2 semaphore(%run_scoped3A_68 : memref<!tpu.dma_semaphore, #tpu.memory_space<semaphore_mem>>) src(%arg5 : memref<128x128xf32, #tpu.memory_space<hbm>>) dst(%arg10 : memref<128x128xf32, #tpu.memory_space<vmem>>)
      tpu.yield
    }) : () -> ()
    %mul3A_1 = arith.constant 640 : i32
    %mul3A_2 = arith.muli %arg1, %mul3A_1 : i32
    %add3A_3 = arith.constant 0 : i32
    %add3A_4 = arith.addi %mul3A_2, %add3A_3 : i32
    "tpu.region"() ({
      %run_scoped3A_68 = tpu.sem_alloc : memref<!tpu.dma_semaphore, #tpu.memory_space<semaphore_mem>>
      %dma_start3A = arith.constant 0 : i32
      %dma_start3A_69 = tpu.memref_slice %arg11[%add3A_4, %dma_start3A] : memref<10240x128xf32, #tpu.memory_space<vmem_shared>> -> memref<128x128xf32, #tpu.memory_space<vmem_shared>>
      %dma_start3A_70 = arith.constant 0 : i32
      %dma_start3A_71 = tpu.memref_slice %arg11[%add3A_4, %dma_start3A_70] : memref<10240x128xf32, #tpu.memory_space<vmem_shared>> -> memref<128x128xf32, #tpu.memory_space<vmem_shared>>
      tpu.enqueue_dma source(%arg10 : memref<128x128xf32, #tpu.memory_space<vmem>>) target(%dma_start3A_71 : memref<128x128xf32, #tpu.memory_space<vmem_shared>>) target_semaphore(%run_scoped3A_68 : memref<!tpu.dma_semaphore, #tpu.memory_space<semaphore_mem>>)
      %dma_wait3A = arith.constant 0 : i32
      %dma_wait3A_72 = tpu.memref_slice %arg11[%add3A_4, %dma_wait3A] : memref<10240x128xf32, #tpu.memory_space<vmem_shared>> -> memref<128x128xf32, #tpu.memory_space<vmem_shared>>
      %dma_wait3A_73 = arith.constant 0 : i32
      %dma_wait3A_74 = tpu.memref_slice %arg11[%add3A_4, %dma_wait3A_73] : memref<10240x128xf32, #tpu.memory_space<vmem_shared>> -> memref<128x128xf32, #tpu.memory_space<vmem_shared>>
      tpu.wait_dma2 semaphore(%run_scoped3A_68 : memref<!tpu.dma_semaphore, #tpu.memory_space<semaphore_mem>>) src(%arg10 : memref<128x128xf32, #tpu.memory_space<vmem>>) dst(%dma_wait3A_74 : memref<128x128xf32, #tpu.memory_space<vmem_shared>>)
      tpu.yield
    }) : () -> ()
    %mul3A_5 = arith.constant 640 : i32
    %mul3A_6 = arith.muli %arg1, %mul3A_5 : i32
    %add3A_7 = arith.constant 128 : i32
    %add3A_8 = arith.addi %mul3A_6, %add3A_7 : i32
    "tpu.region"() ({
      %run_scoped3A_68 = tpu.sem_alloc : memref<!tpu.dma_semaphore, #tpu.memory_space<semaphore_mem>>
      %dma_start3A = arith.constant 0 : i32
      %dma_start3A_69 = tpu.memref_slice %arg11[%add3A_8, %dma_start3A] : memref<10240x128xf32, #tpu.memory_space<vmem_shared>> -> memref<128x128xf32, #tpu.memory_space<vmem_shared>>
      %dma_start3A_70 = arith.constant 0 : i32
      %dma_start3A_71 = tpu.memref_slice %arg11[%add3A_8, %dma_start3A_70] : memref<10240x128xf32, #tpu.memory_space<vmem_shared>> -> memref<128x128xf32, #tpu.memory_space<vmem_shared>>
      tpu.enqueue_dma source(%arg10 : memref<128x128xf32, #tpu.memory_space<vmem>>) target(%dma_start3A_71 : memref<128x128xf32, #tpu.memory_space<vmem_shared>>) target_semaphore(%run_scoped3A_68 : memref<!tpu.dma_semaphore, #tpu.memory_space<semaphore_mem>>)
      %dma_wait3A = arith.constant 0 : i32
      %dma_wait3A_72 = tpu.memref_slice %arg11[%add3A_8, %dma_wait3A] : memref<10240x128xf32, #tpu.memory_space<vmem_shared>> -> memref<128x128xf32, #tpu.memory_space<vmem_shared>>
      %dma_wait3A_73 = arith.constant 0 : i32
      %dma_wait3A_74 = tpu.memref_slice %arg11[%add3A_8, %dma_wait3A_73] : memref<10240x128xf32, #tpu.memory_space<vmem_shared>> -> memref<128x128xf32, #tpu.memory_space<vmem_shared>>
      tpu.wait_dma2 semaphore(%run_scoped3A_68 : memref<!tpu.dma_semaphore, #tpu.memory_space<semaphore_mem>>) src(%arg10 : memref<128x128xf32, #tpu.memory_space<vmem>>) dst(%dma_wait3A_74 : memref<128x128xf32, #tpu.memory_space<vmem_shared>>)
      tpu.yield
    }) : () -> ()
    %mul3A_9 = arith.constant 640 : i32
    %mul3A_10 = arith.muli %arg1, %mul3A_9 : i32
    %add3A_11 = arith.constant 256 : i32
    %add3A_12 = arith.addi %mul3A_10, %add3A_11 : i32
    "tpu.region"() ({
      %run_scoped3A_68 = tpu.sem_alloc : memref<!tpu.dma_semaphore, #tpu.memory_space<semaphore_mem>>
      %dma_start3A = arith.constant 0 : i32
      %dma_start3A_69 = tpu.memref_slice %arg11[%add3A_12, %dma_start3A] : memref<10240x128xf32, #tpu.memory_space<vmem_shared>> -> memref<128x128xf32, #tpu.memory_space<vmem_shared>>
      %dma_start3A_70 = arith.constant 0 : i32
      %dma_start3A_71 = tpu.memref_slice %arg11[%add3A_12, %dma_start3A_70] : memref<10240x128xf32, #tpu.memory_space<vmem_shared>> -> memref<128x128xf32, #tpu.memory_space<vmem_shared>>
      tpu.enqueue_dma source(%arg10 : memref<128x128xf32, #tpu.memory_space<vmem>>) target(%dma_start3A_71 : memref<128x128xf32, #tpu.memory_space<vmem_shared>>) target_semaphore(%run_scoped3A_68 : memref<!tpu.dma_semaphore, #tpu.memory_space<semaphore_mem>>)
      %dma_wait3A = arith.constant 0 : i32
      %dma_wait3A_72 = tpu.memref_slice %arg11[%add3A_12, %dma_wait3A] : memref<10240x128xf32, #tpu.memory_space<vmem_shared>> -> memref<128x128xf32, #tpu.memory_space<vmem_shared>>
      %dma_wait3A_73 = arith.constant 0 : i32
      %dma_wait3A_74 = tpu.memref_slice %arg11[%add3A_12, %dma_wait3A_73] : memref<10240x128xf32, #tpu.memory_space<vmem_shared>> -> memref<128x128xf32, #tpu.memory_space<vmem_shared>>
      tpu.wait_dma2 semaphore(%run_scoped3A_68 : memref<!tpu.dma_semaphore, #tpu.memory_space<semaphore_mem>>) src(%arg10 : memref<128x128xf32, #tpu.memory_space<vmem>>) dst(%dma_wait3A_74 : memref<128x128xf32, #tpu.memory_space<vmem_shared>>)
      tpu.yield
    }) : () -> ()
    %mul3A_13 = arith.constant 640 : i32
    %mul3A_14 = arith.muli %arg1, %mul3A_13 : i32
    %add3A_15 = arith.constant 384 : i32
    %add3A_16 = arith.addi %mul3A_14, %add3A_15 : i32
    "tpu.region"() ({
      %run_scoped3A_68 = tpu.sem_alloc : memref<!tpu.dma_semaphore, #tpu.memory_space<semaphore_mem>>
      %dma_start3A = arith.constant 0 : i32
      %dma_start3A_69 = tpu.memref_slice %arg11[%add3A_16, %dma_start3A] : memref<10240x128xf32, #tpu.memory_space<vmem_shared>> -> memref<128x128xf32, #tpu.memory_space<vmem_shared>>
      %dma_start3A_70 = arith.constant 0 : i32
      %dma_start3A_71 = tpu.memref_slice %arg11[%add3A_16, %dma_start3A_70] : memref<10240x128xf32, #tpu.memory_space<vmem_shared>> -> memref<128x128xf32, #tpu.memory_space<vmem_shared>>
      tpu.enqueue_dma source(%arg10 : memref<128x128xf32, #tpu.memory_space<vmem>>) target(%dma_start3A_71 : memref<128x128xf32, #tpu.memory_space<vmem_shared>>) target_semaphore(%run_scoped3A_68 : memref<!tpu.dma_semaphore, #tpu.memory_space<semaphore_mem>>)
      %dma_wait3A = arith.constant 0 : i32
      %dma_wait3A_72 = tpu.memref_slice %arg11[%add3A_16, %dma_wait3A] : memref<10240x128xf32, #tpu.memory_space<vmem_shared>> -> memref<128x128xf32, #tpu.memory_space<vmem_shared>>
      %dma_wait3A_73 = arith.constant 0 : i32
      %dma_wait3A_74 = tpu.memref_slice %arg11[%add3A_16, %dma_wait3A_73] : memref<10240x128xf32, #tpu.memory_space<vmem_shared>> -> memref<128x128xf32, #tpu.memory_space<vmem_shared>>
      tpu.wait_dma2 semaphore(%run_scoped3A_68 : memref<!tpu.dma_semaphore, #tpu.memory_space<semaphore_mem>>) src(%arg10 : memref<128x128xf32, #tpu.memory_space<vmem>>) dst(%dma_wait3A_74 : memref<128x128xf32, #tpu.memory_space<vmem_shared>>)
      tpu.yield
    }) : () -> ()
    %mul3A_17 = arith.constant 640 : i32
    %mul3A_18 = arith.muli %arg1, %mul3A_17 : i32
    %add3A_19 = arith.constant 512 : i32
    %add3A_20 = arith.addi %mul3A_18, %add3A_19 : i32
    "tpu.region"() ({
      %run_scoped3A_68 = tpu.sem_alloc : memref<!tpu.dma_semaphore, #tpu.memory_space<semaphore_mem>>
      %dma_start3A = arith.constant 0 : i32
      %dma_start3A_69 = tpu.memref_slice %arg11[%add3A_20, %dma_start3A] : memref<10240x128xf32, #tpu.memory_space<vmem_shared>> -> memref<128x128xf32, #tpu.memory_space<vmem_shared>>
      %dma_start3A_70 = arith.constant 0 : i32
      %dma_start3A_71 = tpu.memref_slice %arg11[%add3A_20, %dma_start3A_70] : memref<10240x128xf32, #tpu.memory_space<vmem_shared>> -> memref<128x128xf32, #tpu.memory_space<vmem_shared>>
      tpu.enqueue_dma source(%arg10 : memref<128x128xf32, #tpu.memory_space<vmem>>) target(%dma_start3A_71 : memref<128x128xf32, #tpu.memory_space<vmem_shared>>) target_semaphore(%run_scoped3A_68 : memref<!tpu.dma_semaphore, #tpu.memory_space<semaphore_mem>>)
      %dma_wait3A = arith.constant 0 : i32
      %dma_wait3A_72 = tpu.memref_slice %arg11[%add3A_20, %dma_wait3A] : memref<10240x128xf32, #tpu.memory_space<vmem_shared>> -> memref<128x128xf32, #tpu.memory_space<vmem_shared>>
      %dma_wait3A_73 = arith.constant 0 : i32
      %dma_wait3A_74 = tpu.memref_slice %arg11[%add3A_20, %dma_wait3A_73] : memref<10240x128xf32, #tpu.memory_space<vmem_shared>> -> memref<128x128xf32, #tpu.memory_space<vmem_shared>>
      tpu.wait_dma2 semaphore(%run_scoped3A_68 : memref<!tpu.dma_semaphore, #tpu.memory_space<semaphore_mem>>) src(%arg10 : memref<128x128xf32, #tpu.memory_space<vmem>>) dst(%dma_wait3A_74 : memref<128x128xf32, #tpu.memory_space<vmem_shared>>)
      tpu.yield
    }) : () -> ()
    %barrier3A = arith.constant 0 : index
    tpu.barrier barrier_id(%barrier3A)
    %scan3A = arith.constant 0 : i32
    %scan3A_21 = arith.constant 0 : i32
    %scan3A_22 = arith.constant 0 : i32
    %scan3A_23 = arith.constant 40 : i32
    %scan3A_24 = arith.addi %scan3A_22, %scan3A_23 : i32
    %scan3A_25 = arith.constant 1 : i32
    scf.for %scan3A_68 = %scan3A_22 to %scan3A_24 step %scan3A_25  : i32 {
      %mul3A_69 = arith.constant 5120 : i32
      %mul3A_70 = arith.muli %add3A, %mul3A_69 : i32
      %mul3A_71 = arith.constant 128 : i32
      %mul3A_72 = arith.muli %scan3A_68, %mul3A_71 : i32
      %add3A_73 = arith.addi %mul3A_70, %mul3A_72 : i32
      "tpu.region"() ({
        %run_scoped3A_86 = tpu.sem_alloc : memref<!tpu.dma_semaphore, #tpu.memory_space<semaphore_mem>>
        %dma_start3A_87 = tpu.memref_slice %arg3[%add3A_73] : memref<163840xi32, #tpu.memory_space<hbm>> -> memref<128xi32, #tpu.memory_space<hbm>>
        %dma_start3A_88 = tpu.memref_slice %arg3[%add3A_73] : memref<163840xi32, #tpu.memory_space<hbm>> -> memref<128xi32, #tpu.memory_space<hbm>>
        tpu.enqueue_dma source(%dma_start3A_88 : memref<128xi32, #tpu.memory_space<hbm>>) target(%arg7 : memref<128xi32, #tpu.memory_space<vmem>>) target_semaphore(%run_scoped3A_86 : memref<!tpu.dma_semaphore, #tpu.memory_space<semaphore_mem>>)
        %dma_wait3A_89 = tpu.memref_slice %arg3[%add3A_73] : memref<163840xi32, #tpu.memory_space<hbm>> -> memref<128xi32, #tpu.memory_space<hbm>>
        %dma_wait3A_90 = tpu.memref_slice %arg3[%add3A_73] : memref<163840xi32, #tpu.memory_space<hbm>> -> memref<128xi32, #tpu.memory_space<hbm>>
        tpu.wait_dma2 semaphore(%run_scoped3A_86 : memref<!tpu.dma_semaphore, #tpu.memory_space<semaphore_mem>>) src(%dma_wait3A_90 : memref<128xi32, #tpu.memory_space<hbm>>) dst(%arg7 : memref<128xi32, #tpu.memory_space<vmem>>)
        tpu.yield
      }) : () -> ()
      "tpu.region"() ({
        %run_scoped3A_86 = tpu.sem_alloc : memref<!tpu.dma_semaphore, #tpu.memory_space<semaphore_mem>>
        %dma_start3A_87 = tpu.memref_slice %arg4[%add3A_73] : memref<163840xi32, #tpu.memory_space<hbm>> -> memref<128xi32, #tpu.memory_space<hbm>>
        %dma_start3A_88 = tpu.memref_slice %arg4[%add3A_73] : memref<163840xi32, #tpu.memory_space<hbm>> -> memref<128xi32, #tpu.memory_space<hbm>>
        tpu.enqueue_dma source(%dma_start3A_88 : memref<128xi32, #tpu.memory_space<hbm>>) target(%arg8 : memref<128xi32, #tpu.memory_space<vmem>>) target_semaphore(%run_scoped3A_86 : memref<!tpu.dma_semaphore, #tpu.memory_space<semaphore_mem>>)
        %dma_wait3A_89 = tpu.memref_slice %arg4[%add3A_73] : memref<163840xi32, #tpu.memory_space<hbm>> -> memref<128xi32, #tpu.memory_space<hbm>>
        %dma_wait3A_90 = tpu.memref_slice %arg4[%add3A_73] : memref<163840xi32, #tpu.memory_space<hbm>> -> memref<128xi32, #tpu.memory_space<hbm>>
        tpu.wait_dma2 semaphore(%run_scoped3A_86 : memref<!tpu.dma_semaphore, #tpu.memory_space<semaphore_mem>>) src(%dma_wait3A_90 : memref<128xi32, #tpu.memory_space<hbm>>) dst(%arg8 : memref<128xi32, #tpu.memory_space<vmem>>)
        tpu.yield
      }) : () -> ()
      %dma_start3A = arith.constant 0 : i32
      %dma_start3A_74 = arith.constant 0 : i32
      %dma_start3A_75 = tpu.memref_slice %arg2[%scan3A_21, %dma_start3A, %dma_start3A_74] : memref<2x10240x128xf32, #tpu.memory_space<hbm>> -> memref<1x10240x128xf32, #tpu.memory_space<hbm>>
      %dma_start3A_76 = tpu.memref_squeeze %dma_start3A_75 : memref<1x10240x128xf32, #tpu.memory_space<hbm>> -> memref<10240x128xf32, #tpu.memory_space<hbm>>
      %dma_start3A_77 = arith.constant 0 : i32
      %dma_start3A_78 = arith.constant 0 : i32
      %dma_start3A_79 = tpu.memref_slice %dma_start3A_76[%dma_start3A_77, %dma_start3A_78] : memref<10240x128xf32, #tpu.memory_space<hbm>> -> memref<10240x128xf32, #tpu.memory_space<hbm>>
      tpu.enqueue_indirect_dma source(%dma_start3A_79 : memref<10240x128xf32, #tpu.memory_space<hbm>>) target(%arg9 : memref<128x128xf32, #tpu.memory_space<vmem>>) offsets(%arg7 : memref<128xi32, #tpu.memory_space<vmem>>) semaphore(%arg12 : memref<!tpu.dma_semaphore, #tpu.memory_space<semaphore_mem>>)
      %dma_wait3A = arith.constant 0 : i32
      %dma_wait3A_80 = arith.constant 0 : i32
      %dma_wait3A_81 = tpu.memref_slice %arg2[%scan3A_21, %dma_wait3A, %dma_wait3A_80] : memref<2x10240x128xf32, #tpu.memory_space<hbm>> -> memref<1x10240x128xf32, #tpu.memory_space<hbm>>
      %dma_wait3A_82 = tpu.memref_squeeze %dma_wait3A_81 : memref<1x10240x128xf32, #tpu.memory_space<hbm>> -> memref<10240x128xf32, #tpu.memory_space<hbm>>
      %dma_wait3A_83 = arith.constant 0 : i32
      %dma_wait3A_84 = arith.constant 0 : i32
      %dma_wait3A_85 = tpu.memref_slice %dma_wait3A_82[%dma_wait3A_83, %dma_wait3A_84] : memref<10240x128xf32, #tpu.memory_space<hbm>> -> memref<10240x128xf32, #tpu.memory_space<hbm>>
      tpu.wait_indirect_dma semaphore(%arg12 : memref<!tpu.dma_semaphore, #tpu.memory_space<semaphore_mem>>) src(%dma_wait3A_85 : memref<10240x128xf32, #tpu.memory_space<hbm>>) dst(%arg9 : memref<128x128xf32, #tpu.memory_space<vmem>>)
      "tpu.region"() ({
        %run_scoped3A_86 = tpu.sem_alloc : memref<!tpu.dma_semaphore, #tpu.memory_space<semaphore_mem>>
        %dma_start3A_87 = arith.constant 0 : i32
        %dma_start3A_88 = arith.constant 0 : i32
        %dma_start3A_89 = tpu.memref_slice %arg11[%dma_start3A_87, %dma_start3A_88] : memref<10240x128xf32, #tpu.memory_space<vmem_shared>> -> memref<10240x128xf32, #tpu.memory_space<vmem_shared>>
        tpu.enqueue_indirect_dma source(%arg9 : memref<128x128xf32, #tpu.memory_space<vmem>>) target(%dma_start3A_89 : memref<10240x128xf32, #tpu.memory_space<vmem_shared>>) offsets(%arg8 : memref<128xi32, #tpu.memory_space<vmem>>) semaphore(%run_scoped3A_86 : memref<!tpu.dma_semaphore, #tpu.memory_space<semaphore_mem>>) {add = true}
        %dma_wait3A_90 = arith.constant 0 : i32
        %dma_wait3A_91 = arith.constant 0 : i32
        %dma_wait3A_92 = tpu.memref_slice %arg11[%dma_wait3A_90, %dma_wait3A_91] : memref<10240x128xf32, #tpu.memory_space<vmem_shared>> -> memref<10240x128xf32, #tpu.memory_space<vmem_shared>>
        tpu.wait_indirect_dma semaphore(%run_scoped3A_86 : memref<!tpu.dma_semaphore, #tpu.memory_space<semaphore_mem>>) src(%arg9 : memref<128x128xf32, #tpu.memory_space<vmem>>) dst(%dma_wait3A_92 : memref<10240x128xf32, #tpu.memory_space<vmem_shared>>)
        tpu.yield
      }) : () -> ()
    }
    %scan3A_26 = arith.constant 40 : i32
    %barrier3A_27 = arith.constant 0 : index
    tpu.barrier barrier_id(%barrier3A_27)
    %mul3A_28 = arith.constant 640 : i32
    %mul3A_29 = arith.muli %arg1, %mul3A_28 : i32
    %mul3A_30 = arith.constant 640 : i32
    %mul3A_31 = arith.muli %arg1, %mul3A_30 : i32
    %run_scoped3A = arith.constant 0 : i32
    "tpu.region"() ({
      %run_scoped3A_68 = tpu.sem_alloc : memref<!tpu.dma_semaphore, #tpu.memory_space<semaphore_mem>>
      %dma_start3A = arith.constant 0 : i32
      %dma_start3A_69 = tpu.memref_slice %arg6[%arg0, %run_scoped3A, %mul3A_31, %dma_start3A] : memref<2x2x10240x128xf32, #tpu.memory_space<hbm>> -> memref<1x1x640x128xf32, #tpu.memory_space<hbm>>
      %dma_start3A_70 = tpu.memref_squeeze %dma_start3A_69 : memref<1x1x640x128xf32, #tpu.memory_space<hbm>> -> memref<640x128xf32, #tpu.memory_space<hbm>>
      %dma_start3A_71 = arith.constant 0 : i32
      %dma_start3A_72 = tpu.memref_slice %arg11[%mul3A_29, %dma_start3A_71] : memref<10240x128xf32, #tpu.memory_space<vmem_shared>> -> memref<640x128xf32, #tpu.memory_space<vmem_shared>>
      tpu.enqueue_dma source(%dma_start3A_72 : memref<640x128xf32, #tpu.memory_space<vmem_shared>>) target(%dma_start3A_70 : memref<640x128xf32, #tpu.memory_space<hbm>>) target_semaphore(%run_scoped3A_68 : memref<!tpu.dma_semaphore, #tpu.memory_space<semaphore_mem>>)
      %dma_wait3A = arith.constant 0 : i32
      %dma_wait3A_73 = tpu.memref_slice %arg6[%arg0, %run_scoped3A, %mul3A_31, %dma_wait3A] : memref<2x2x10240x128xf32, #tpu.memory_space<hbm>> -> memref<1x1x640x128xf32, #tpu.memory_space<hbm>>
      %dma_wait3A_74 = tpu.memref_squeeze %dma_wait3A_73 : memref<1x1x640x128xf32, #tpu.memory_space<hbm>> -> memref<640x128xf32, #tpu.memory_space<hbm>>
      %dma_wait3A_75 = arith.constant 0 : i32
      %dma_wait3A_76 = tpu.memref_slice %arg11[%mul3A_29, %dma_wait3A_75] : memref<10240x128xf32, #tpu.memory_space<vmem_shared>> -> memref<640x128xf32, #tpu.memory_space<vmem_shared>>
      tpu.wait_dma2 semaphore(%run_scoped3A_68 : memref<!tpu.dma_semaphore, #tpu.memory_space<semaphore_mem>>) src(%dma_wait3A_76 : memref<640x128xf32, #tpu.memory_space<vmem_shared>>) dst(%dma_wait3A_74 : memref<640x128xf32, #tpu.memory_space<hbm>>)
      tpu.yield
    }) : () -> ()
    %barrier3A_32 = arith.constant 0 : index
    tpu.barrier barrier_id(%barrier3A_32)
    %mul3A_33 = arith.constant 640 : i32
    %mul3A_34 = arith.muli %arg1, %mul3A_33 : i32
    %add3A_35 = arith.constant 0 : i32
    %add3A_36 = arith.addi %mul3A_34, %add3A_35 : i32
    "tpu.region"() ({
      %run_scoped3A_68 = tpu.sem_alloc : memref<!tpu.dma_semaphore, #tpu.memory_space<semaphore_mem>>
      %dma_start3A = arith.constant 0 : i32
      %dma_start3A_69 = tpu.memref_slice %arg11[%add3A_36, %dma_start3A] : memref<10240x128xf32, #tpu.memory_space<vmem_shared>> -> memref<128x128xf32, #tpu.memory_space<vmem_shared>>
      %dma_start3A_70 = arith.constant 0 : i32
      %dma_start3A_71 = tpu.memref_slice %arg11[%add3A_36, %dma_start3A_70] : memref<10240x128xf32, #tpu.memory_space<vmem_shared>> -> memref<128x128xf32, #tpu.memory_space<vmem_shared>>
      tpu.enqueue_dma source(%arg10 : memref<128x128xf32, #tpu.memory_space<vmem>>) target(%dma_start3A_71 : memref<128x128xf32, #tpu.memory_space<vmem_shared>>) target_semaphore(%run_scoped3A_68 : memref<!tpu.dma_semaphore, #tpu.memory_space<semaphore_mem>>)
      %dma_wait3A = arith.constant 0 : i32
      %dma_wait3A_72 = tpu.memref_slice %arg11[%add3A_36, %dma_wait3A] : memref<10240x128xf32, #tpu.memory_space<vmem_shared>> -> memref<128x128xf32, #tpu.memory_space<vmem_shared>>
      %dma_wait3A_73 = arith.constant 0 : i32
      %dma_wait3A_74 = tpu.memref_slice %arg11[%add3A_36, %dma_wait3A_73] : memref<10240x128xf32, #tpu.memory_space<vmem_shared>> -> memref<128x128xf32, #tpu.memory_space<vmem_shared>>
      tpu.wait_dma2 semaphore(%run_scoped3A_68 : memref<!tpu.dma_semaphore, #tpu.memory_space<semaphore_mem>>) src(%arg10 : memref<128x128xf32, #tpu.memory_space<vmem>>) dst(%dma_wait3A_74 : memref<128x128xf32, #tpu.memory_space<vmem_shared>>)
      tpu.yield
    }) : () -> ()
    %mul3A_37 = arith.constant 640 : i32
    %mul3A_38 = arith.muli %arg1, %mul3A_37 : i32
    %add3A_39 = arith.constant 128 : i32
    %add3A_40 = arith.addi %mul3A_38, %add3A_39 : i32
    "tpu.region"() ({
      %run_scoped3A_68 = tpu.sem_alloc : memref<!tpu.dma_semaphore, #tpu.memory_space<semaphore_mem>>
      %dma_start3A = arith.constant 0 : i32
      %dma_start3A_69 = tpu.memref_slice %arg11[%add3A_40, %dma_start3A] : memref<10240x128xf32, #tpu.memory_space<vmem_shared>> -> memref<128x128xf32, #tpu.memory_space<vmem_shared>>
      %dma_start3A_70 = arith.constant 0 : i32
      %dma_start3A_71 = tpu.memref_slice %arg11[%add3A_40, %dma_start3A_70] : memref<10240x128xf32, #tpu.memory_space<vmem_shared>> -> memref<128x128xf32, #tpu.memory_space<vmem_shared>>
      tpu.enqueue_dma source(%arg10 : memref<128x128xf32, #tpu.memory_space<vmem>>) target(%dma_start3A_71 : memref<128x128xf32, #tpu.memory_space<vmem_shared>>) target_semaphore(%run_scoped3A_68 : memref<!tpu.dma_semaphore, #tpu.memory_space<semaphore_mem>>)
      %dma_wait3A = arith.constant 0 : i32
      %dma_wait3A_72 = tpu.memref_slice %arg11[%add3A_40, %dma_wait3A] : memref<10240x128xf32, #tpu.memory_space<vmem_shared>> -> memref<128x128xf32, #tpu.memory_space<vmem_shared>>
      %dma_wait3A_73 = arith.constant 0 : i32
      %dma_wait3A_74 = tpu.memref_slice %arg11[%add3A_40, %dma_wait3A_73] : memref<10240x128xf32, #tpu.memory_space<vmem_shared>> -> memref<128x128xf32, #tpu.memory_space<vmem_shared>>
      tpu.wait_dma2 semaphore(%run_scoped3A_68 : memref<!tpu.dma_semaphore, #tpu.memory_space<semaphore_mem>>) src(%arg10 : memref<128x128xf32, #tpu.memory_space<vmem>>) dst(%dma_wait3A_74 : memref<128x128xf32, #tpu.memory_space<vmem_shared>>)
      tpu.yield
    }) : () -> ()
    %mul3A_41 = arith.constant 640 : i32
    %mul3A_42 = arith.muli %arg1, %mul3A_41 : i32
    %add3A_43 = arith.constant 256 : i32
    %add3A_44 = arith.addi %mul3A_42, %add3A_43 : i32
    "tpu.region"() ({
      %run_scoped3A_68 = tpu.sem_alloc : memref<!tpu.dma_semaphore, #tpu.memory_space<semaphore_mem>>
      %dma_start3A = arith.constant 0 : i32
      %dma_start3A_69 = tpu.memref_slice %arg11[%add3A_44, %dma_start3A] : memref<10240x128xf32, #tpu.memory_space<vmem_shared>> -> memref<128x128xf32, #tpu.memory_space<vmem_shared>>
      %dma_start3A_70 = arith.constant 0 : i32
      %dma_start3A_71 = tpu.memref_slice %arg11[%add3A_44, %dma_start3A_70] : memref<10240x128xf32, #tpu.memory_space<vmem_shared>> -> memref<128x128xf32, #tpu.memory_space<vmem_shared>>
      tpu.enqueue_dma source(%arg10 : memref<128x128xf32, #tpu.memory_space<vmem>>) target(%dma_start3A_71 : memref<128x128xf32, #tpu.memory_space<vmem_shared>>) target_semaphore(%run_scoped3A_68 : memref<!tpu.dma_semaphore, #tpu.memory_space<semaphore_mem>>)
      %dma_wait3A = arith.constant 0 : i32
      %dma_wait3A_72 = tpu.memref_slice %arg11[%add3A_44, %dma_wait3A] : memref<10240x128xf32, #tpu.memory_space<vmem_shared>> -> memref<128x128xf32, #tpu.memory_space<vmem_shared>>
      %dma_wait3A_73 = arith.constant 0 : i32
      %dma_wait3A_74 = tpu.memref_slice %arg11[%add3A_44, %dma_wait3A_73] : memref<10240x128xf32, #tpu.memory_space<vmem_shared>> -> memref<128x128xf32, #tpu.memory_space<vmem_shared>>
      tpu.wait_dma2 semaphore(%run_scoped3A_68 : memref<!tpu.dma_semaphore, #tpu.memory_space<semaphore_mem>>) src(%arg10 : memref<128x128xf32, #tpu.memory_space<vmem>>) dst(%dma_wait3A_74 : memref<128x128xf32, #tpu.memory_space<vmem_shared>>)
      tpu.yield
    }) : () -> ()
    %mul3A_45 = arith.constant 640 : i32
    %mul3A_46 = arith.muli %arg1, %mul3A_45 : i32
    %add3A_47 = arith.constant 384 : i32
    %add3A_48 = arith.addi %mul3A_46, %add3A_47 : i32
    "tpu.region"() ({
      %run_scoped3A_68 = tpu.sem_alloc : memref<!tpu.dma_semaphore, #tpu.memory_space<semaphore_mem>>
      %dma_start3A = arith.constant 0 : i32
      %dma_start3A_69 = tpu.memref_slice %arg11[%add3A_48, %dma_start3A] : memref<10240x128xf32, #tpu.memory_space<vmem_shared>> -> memref<128x128xf32, #tpu.memory_space<vmem_shared>>
      %dma_start3A_70 = arith.constant 0 : i32
      %dma_start3A_71 = tpu.memref_slice %arg11[%add3A_48, %dma_start3A_70] : memref<10240x128xf32, #tpu.memory_space<vmem_shared>> -> memref<128x128xf32, #tpu.memory_space<vmem_shared>>
      tpu.enqueue_dma source(%arg10 : memref<128x128xf32, #tpu.memory_space<vmem>>) target(%dma_start3A_71 : memref<128x128xf32, #tpu.memory_space<vmem_shared>>) target_semaphore(%run_scoped3A_68 : memref<!tpu.dma_semaphore, #tpu.memory_space<semaphore_mem>>)
      %dma_wait3A = arith.constant 0 : i32
      %dma_wait3A_72 = tpu.memref_slice %arg11[%add3A_48, %dma_wait3A] : memref<10240x128xf32, #tpu.memory_space<vmem_shared>> -> memref<128x128xf32, #tpu.memory_space<vmem_shared>>
      %dma_wait3A_73 = arith.constant 0 : i32
      %dma_wait3A_74 = tpu.memref_slice %arg11[%add3A_48, %dma_wait3A_73] : memref<10240x128xf32, #tpu.memory_space<vmem_shared>> -> memref<128x128xf32, #tpu.memory_space<vmem_shared>>
      tpu.wait_dma2 semaphore(%run_scoped3A_68 : memref<!tpu.dma_semaphore, #tpu.memory_space<semaphore_mem>>) src(%arg10 : memref<128x128xf32, #tpu.memory_space<vmem>>) dst(%dma_wait3A_74 : memref<128x128xf32, #tpu.memory_space<vmem_shared>>)
      tpu.yield
    }) : () -> ()
    %mul3A_49 = arith.constant 640 : i32
    %mul3A_50 = arith.muli %arg1, %mul3A_49 : i32
    %add3A_51 = arith.constant 512 : i32
    %add3A_52 = arith.addi %mul3A_50, %add3A_51 : i32
    "tpu.region"() ({
      %run_scoped3A_68 = tpu.sem_alloc : memref<!tpu.dma_semaphore, #tpu.memory_space<semaphore_mem>>
      %dma_start3A = arith.constant 0 : i32
      %dma_start3A_69 = tpu.memref_slice %arg11[%add3A_52, %dma_start3A] : memref<10240x128xf32, #tpu.memory_space<vmem_shared>> -> memref<128x128xf32, #tpu.memory_space<vmem_shared>>
      %dma_start3A_70 = arith.constant 0 : i32
      %dma_start3A_71 = tpu.memref_slice %arg11[%add3A_52, %dma_start3A_70] : memref<10240x128xf32, #tpu.memory_space<vmem_shared>> -> memref<128x128xf32, #tpu.memory_space<vmem_shared>>
      tpu.enqueue_dma source(%arg10 : memref<128x128xf32, #tpu.memory_space<vmem>>) target(%dma_start3A_71 : memref<128x128xf32, #tpu.memory_space<vmem_shared>>) target_semaphore(%run_scoped3A_68 : memref<!tpu.dma_semaphore, #tpu.memory_space<semaphore_mem>>)
      %dma_wait3A = arith.constant 0 : i32
      %dma_wait3A_72 = tpu.memref_slice %arg11[%add3A_52, %dma_wait3A] : memref<10240x128xf32, #tpu.memory_space<vmem_shared>> -> memref<128x128xf32, #tpu.memory_space<vmem_shared>>
      %dma_wait3A_73 = arith.constant 0 : i32
      %dma_wait3A_74 = tpu.memref_slice %arg11[%add3A_52, %dma_wait3A_73] : memref<10240x128xf32, #tpu.memory_space<vmem_shared>> -> memref<128x128xf32, #tpu.memory_space<vmem_shared>>
      tpu.wait_dma2 semaphore(%run_scoped3A_68 : memref<!tpu.dma_semaphore, #tpu.memory_space<semaphore_mem>>) src(%arg10 : memref<128x128xf32, #tpu.memory_space<vmem>>) dst(%dma_wait3A_74 : memref<128x128xf32, #tpu.memory_space<vmem_shared>>)
      tpu.yield
    }) : () -> ()
    %barrier3A_53 = arith.constant 0 : index
    tpu.barrier barrier_id(%barrier3A_53)
    %scan3A_54 = arith.constant 0 : i32
    %scan3A_55 = arith.constant 1 : i32
    %scan3A_56 = arith.constant 0 : i32
    %scan3A_57 = arith.constant 40 : i32
    %scan3A_58 = arith.addi %scan3A_56, %scan3A_57 : i32
    %scan3A_59 = arith.constant 1 : i32
    scf.for %scan3A_68 = %scan3A_56 to %scan3A_58 step %scan3A_59  : i32 {
      %mul3A_69 = arith.constant 5120 : i32
      %mul3A_70 = arith.muli %add3A, %mul3A_69 : i32
      %mul3A_71 = arith.constant 128 : i32
      %mul3A_72 = arith.muli %scan3A_68, %mul3A_71 : i32
      %add3A_73 = arith.addi %mul3A_70, %mul3A_72 : i32
      "tpu.region"() ({
        %run_scoped3A_86 = tpu.sem_alloc : memref<!tpu.dma_semaphore, #tpu.memory_space<semaphore_mem>>
        %dma_start3A_87 = tpu.memref_slice %arg3[%add3A_73] : memref<163840xi32, #tpu.memory_space<hbm>> -> memref<128xi32, #tpu.memory_space<hbm>>
        %dma_start3A_88 = tpu.memref_slice %arg3[%add3A_73] : memref<163840xi32, #tpu.memory_space<hbm>> -> memref<128xi32, #tpu.memory_space<hbm>>
        tpu.enqueue_dma source(%dma_start3A_88 : memref<128xi32, #tpu.memory_space<hbm>>) target(%arg7 : memref<128xi32, #tpu.memory_space<vmem>>) target_semaphore(%run_scoped3A_86 : memref<!tpu.dma_semaphore, #tpu.memory_space<semaphore_mem>>)
        %dma_wait3A_89 = tpu.memref_slice %arg3[%add3A_73] : memref<163840xi32, #tpu.memory_space<hbm>> -> memref<128xi32, #tpu.memory_space<hbm>>
        %dma_wait3A_90 = tpu.memref_slice %arg3[%add3A_73] : memref<163840xi32, #tpu.memory_space<hbm>> -> memref<128xi32, #tpu.memory_space<hbm>>
        tpu.wait_dma2 semaphore(%run_scoped3A_86 : memref<!tpu.dma_semaphore, #tpu.memory_space<semaphore_mem>>) src(%dma_wait3A_90 : memref<128xi32, #tpu.memory_space<hbm>>) dst(%arg7 : memref<128xi32, #tpu.memory_space<vmem>>)
        tpu.yield
      }) : () -> ()
      "tpu.region"() ({
        %run_scoped3A_86 = tpu.sem_alloc : memref<!tpu.dma_semaphore, #tpu.memory_space<semaphore_mem>>
        %dma_start3A_87 = tpu.memref_slice %arg4[%add3A_73] : memref<163840xi32, #tpu.memory_space<hbm>> -> memref<128xi32, #tpu.memory_space<hbm>>
        %dma_start3A_88 = tpu.memref_slice %arg4[%add3A_73] : memref<163840xi32, #tpu.memory_space<hbm>> -> memref<128xi32, #tpu.memory_space<hbm>>
        tpu.enqueue_dma source(%dma_start3A_88 : memref<128xi32, #tpu.memory_space<hbm>>) target(%arg8 : memref<128xi32, #tpu.memory_space<vmem>>) target_semaphore(%run_scoped3A_86 : memref<!tpu.dma_semaphore, #tpu.memory_space<semaphore_mem>>)
        %dma_wait3A_89 = tpu.memref_slice %arg4[%add3A_73] : memref<163840xi32, #tpu.memory_space<hbm>> -> memref<128xi32, #tpu.memory_space<hbm>>
        %dma_wait3A_90 = tpu.memref_slice %arg4[%add3A_73] : memref<163840xi32, #tpu.memory_space<hbm>> -> memref<128xi32, #tpu.memory_space<hbm>>
        tpu.wait_dma2 semaphore(%run_scoped3A_86 : memref<!tpu.dma_semaphore, #tpu.memory_space<semaphore_mem>>) src(%dma_wait3A_90 : memref<128xi32, #tpu.memory_space<hbm>>) dst(%arg8 : memref<128xi32, #tpu.memory_space<vmem>>)
        tpu.yield
      }) : () -> ()
      %dma_start3A = arith.constant 0 : i32
      %dma_start3A_74 = arith.constant 0 : i32
      %dma_start3A_75 = tpu.memref_slice %arg2[%scan3A_55, %dma_start3A, %dma_start3A_74] : memref<2x10240x128xf32, #tpu.memory_space<hbm>> -> memref<1x10240x128xf32, #tpu.memory_space<hbm>>
      %dma_start3A_76 = tpu.memref_squeeze %dma_start3A_75 : memref<1x10240x128xf32, #tpu.memory_space<hbm>> -> memref<10240x128xf32, #tpu.memory_space<hbm>>
      %dma_start3A_77 = arith.constant 0 : i32
      %dma_start3A_78 = arith.constant 0 : i32
      %dma_start3A_79 = tpu.memref_slice %dma_start3A_76[%dma_start3A_77, %dma_start3A_78] : memref<10240x128xf32, #tpu.memory_space<hbm>> -> memref<10240x128xf32, #tpu.memory_space<hbm>>
      tpu.enqueue_indirect_dma source(%dma_start3A_79 : memref<10240x128xf32, #tpu.memory_space<hbm>>) target(%arg9 : memref<128x128xf32, #tpu.memory_space<vmem>>) offsets(%arg7 : memref<128xi32, #tpu.memory_space<vmem>>) semaphore(%arg12 : memref<!tpu.dma_semaphore, #tpu.memory_space<semaphore_mem>>)
      %dma_wait3A = arith.constant 0 : i32
      %dma_wait3A_80 = arith.constant 0 : i32
      %dma_wait3A_81 = tpu.memref_slice %arg2[%scan3A_55, %dma_wait3A, %dma_wait3A_80] : memref<2x10240x128xf32, #tpu.memory_space<hbm>> -> memref<1x10240x128xf32, #tpu.memory_space<hbm>>
      %dma_wait3A_82 = tpu.memref_squeeze %dma_wait3A_81 : memref<1x10240x128xf32, #tpu.memory_space<hbm>> -> memref<10240x128xf32, #tpu.memory_space<hbm>>
      %dma_wait3A_83 = arith.constant 0 : i32
      %dma_wait3A_84 = arith.constant 0 : i32
      %dma_wait3A_85 = tpu.memref_slice %dma_wait3A_82[%dma_wait3A_83, %dma_wait3A_84] : memref<10240x128xf32, #tpu.memory_space<hbm>> -> memref<10240x128xf32, #tpu.memory_space<hbm>>
      tpu.wait_indirect_dma semaphore(%arg12 : memref<!tpu.dma_semaphore, #tpu.memory_space<semaphore_mem>>) src(%dma_wait3A_85 : memref<10240x128xf32, #tpu.memory_space<hbm>>) dst(%arg9 : memref<128x128xf32, #tpu.memory_space<vmem>>)
      "tpu.region"() ({
        %run_scoped3A_86 = tpu.sem_alloc : memref<!tpu.dma_semaphore, #tpu.memory_space<semaphore_mem>>
        %dma_start3A_87 = arith.constant 0 : i32
        %dma_start3A_88 = arith.constant 0 : i32
        %dma_start3A_89 = tpu.memref_slice %arg11[%dma_start3A_87, %dma_start3A_88] : memref<10240x128xf32, #tpu.memory_space<vmem_shared>> -> memref<10240x128xf32, #tpu.memory_space<vmem_shared>>
        tpu.enqueue_indirect_dma source(%arg9 : memref<128x128xf32, #tpu.memory_space<vmem>>) target(%dma_start3A_89 : memref<10240x128xf32, #tpu.memory_space<vmem_shared>>) offsets(%arg8 : memref<128xi32, #tpu.memory_space<vmem>>) semaphore(%run_scoped3A_86 : memref<!tpu.dma_semaphore, #tpu.memory_space<semaphore_mem>>) {add = true}
        %dma_wait3A_90 = arith.constant 0 : i32
        %dma_wait3A_91 = arith.constant 0 : i32
        %dma_wait3A_92 = tpu.memref_slice %arg11[%dma_wait3A_90, %dma_wait3A_91] : memref<10240x128xf32, #tpu.memory_space<vmem_shared>> -> memref<10240x128xf32, #tpu.memory_space<vmem_shared>>
        tpu.wait_indirect_dma semaphore(%run_scoped3A_86 : memref<!tpu.dma_semaphore, #tpu.memory_space<semaphore_mem>>) src(%arg9 : memref<128x128xf32, #tpu.memory_space<vmem>>) dst(%dma_wait3A_92 : memref<10240x128xf32, #tpu.memory_space<vmem_shared>>)
        tpu.yield
      }) : () -> ()
    }
    %scan3A_60 = arith.constant 40 : i32
    %barrier3A_61 = arith.constant 0 : index
    tpu.barrier barrier_id(%barrier3A_61)
    %mul3A_62 = arith.constant 640 : i32
    %mul3A_63 = arith.muli %arg1, %mul3A_62 : i32
    %mul3A_64 = arith.constant 640 : i32
    %mul3A_65 = arith.muli %arg1, %mul3A_64 : i32
    %run_scoped3A_66 = arith.constant 1 : i32
    "tpu.region"() ({
      %run_scoped3A_68 = tpu.sem_alloc : memref<!tpu.dma_semaphore, #tpu.memory_space<semaphore_mem>>
      %dma_start3A = arith.constant 0 : i32
      %dma_start3A_69 = tpu.memref_slice %arg6[%arg0, %run_scoped3A_66, %mul3A_65, %dma_start3A] : memref<2x2x10240x128xf32, #tpu.memory_space<hbm>> -> memref<1x1x640x128xf32, #tpu.memory_space<hbm>>
      %dma_start3A_70 = tpu.memref_squeeze %dma_start3A_69 : memref<1x1x640x128xf32, #tpu.memory_space<hbm>> -> memref<640x128xf32, #tpu.memory_space<hbm>>
      %dma_start3A_71 = arith.constant 0 : i32
      %dma_start3A_72 = tpu.memref_slice %arg11[%mul3A_63, %dma_start3A_71] : memref<10240x128xf32, #tpu.memory_space<vmem_shared>> -> memref<640x128xf32, #tpu.memory_space<vmem_shared>>
      tpu.enqueue_dma source(%dma_start3A_72 : memref<640x128xf32, #tpu.memory_space<vmem_shared>>) target(%dma_start3A_70 : memref<640x128xf32, #tpu.memory_space<hbm>>) target_semaphore(%run_scoped3A_68 : memref<!tpu.dma_semaphore, #tpu.memory_space<semaphore_mem>>)
      %dma_wait3A = arith.constant 0 : i32
      %dma_wait3A_73 = tpu.memref_slice %arg6[%arg0, %run_scoped3A_66, %mul3A_65, %dma_wait3A] : memref<2x2x10240x128xf32, #tpu.memory_space<hbm>> -> memref<1x1x640x128xf32, #tpu.memory_space<hbm>>
      %dma_wait3A_74 = tpu.memref_squeeze %dma_wait3A_73 : memref<1x1x640x128xf32, #tpu.memory_space<hbm>> -> memref<640x128xf32, #tpu.memory_space<hbm>>
      %dma_wait3A_75 = arith.constant 0 : i32
      %dma_wait3A_76 = tpu.memref_slice %arg11[%mul3A_63, %dma_wait3A_75] : memref<10240x128xf32, #tpu.memory_space<vmem_shared>> -> memref<640x128xf32, #tpu.memory_space<vmem_shared>>
      tpu.wait_dma2 semaphore(%run_scoped3A_68 : memref<!tpu.dma_semaphore, #tpu.memory_space<semaphore_mem>>) src(%dma_wait3A_76 : memref<640x128xf32, #tpu.memory_space<vmem_shared>>) dst(%dma_wait3A_74 : memref<640x128xf32, #tpu.memory_space<hbm>>)
      tpu.yield
    }) : () -> ()
    %barrier3A_67 = arith.constant 0 : index
    tpu.barrier barrier_id(%barrier3A_67)
    return
  }
}

#map = affine_map<(d0, d1) -> (0, 0, 0)>
#map1 = affine_map<(d0, d1) -> (0)>
#map2 = affine_map<(d0, d1) -> (0, 0)>
#map3 = affine_map<(d0, d1) -> (0, 0, 0, 0)>
module attributes {stable_mosaic.version = 14 : i64} {
  func.func @phase(%arg0: i32, %arg1: i32, %arg2: memref<2x10240x128xf32, #tpu.memory_space<hbm>>, %arg3: memref<163840xi32, #tpu.memory_space<hbm>>, %arg4: memref<163840xi32, #tpu.memory_space<hbm>>, %arg5: memref<128x128xf32, #tpu.memory_space<hbm>>, %arg6: memref<2x2x10240x128xf32, #tpu.memory_space<hbm>>, %arg7: memref<128xi32, #tpu.memory_space<vmem>>, %arg8: memref<128xi32, #tpu.memory_space<vmem>>, %arg9: memref<128x128xf32, #tpu.memory_space<vmem>>, %arg10: memref<128x128xf32, #tpu.memory_space<vmem>>, %arg11: memref<10240x128xf32, #tpu.memory_space<vmem_shared>>, %arg12: memref<!tpu.dma_semaphore, #tpu.memory_space<semaphore_mem>>) attributes {dimension_semantics = [#tpu.dimension_semantics<core_parallel>, #tpu.dimension_semantics<subcore_parallel>], iteration_bounds = array<i64: 2, 16>, scalar_prefetch = 0 : i64, scratch_operands = 6 : i64, tpu.core_type = #tpu.core_type<sc_vector_subcore>, window_params = [{transform_indices = #map}, {transform_indices = #map1}, {transform_indices = #map1}, {transform_indices = #map2}, {transform_indices = #map3}]} {
    %mul3A = arith.constant 16 : i32
    %mul3A_0 = arith.muli %arg0, %mul3A : i32
    %add3A = arith.addi %mul3A_0, %arg1 : i32
    "tpu.region"() ({
      %run_scoped3A_68 = tpu.sem_alloc : memref<!tpu.dma_semaphore, #tpu.memory_space<semaphore_mem>>
      tpu.enqueue_dma source(%arg5 : memref<128x128xf32, #tpu.memory_space<hbm>>) target(%arg10 : memref<128x128xf32, #tpu.memory_space<vmem>>) target_semaphore(%run_scoped3A_68 : memref<!tpu.dma_semaphore, #tpu.memory_space<semaphore_mem>>)
      tpu.wait_dma2 semaphore(%run_scoped3A_68 : memref<!tpu.dma_semaphore, #tpu.memory_space<semaphore_mem>>) src(%arg5 : memref<128x128xf32, #tpu.memory_space<hbm>>) dst(%arg10 : memref<128x128xf32, #tpu.memory_space<vmem>>)
      tpu.yield
    }) : () -> ()
    %mul3A_1 = arith.constant 640 : i32
    %mul3A_2 = arith.muli %arg1, %mul3A_1 : i32
    %add3A_3 = arith.constant 0 : i32
    %add3A_4 = arith.addi %mul3A_2, %add3A_3 : i32
    "tpu.region"() ({
      %run_scoped3A_68 = tpu.sem_alloc : memref<!tpu.dma_semaphore, #tpu.memory_space<semaphore_mem>>
      %dma_start3A = arith.constant 0 : i32
      %dma_start3A_69 = tpu.memref_slice %arg11[%add3A_4, %dma_start3A] : memref<10240x128xf32, #tpu.memory_space<vmem_shared>> -> memref<128x128xf32, #tpu.memory_space<vmem_shared>>
      %dma_start3A_70 = arith.constant 0 : i32
      %dma_start3A_71 = tpu.memref_slice %arg11[%add3A_4, %dma_start3A_70] : memref<10240x128xf32, #tpu.memory_space<vmem_shared>> -> memref<128x128xf32, #tpu.memory_space<vmem_shared>>
      tpu.enqueue_dma source(%arg10 : memref<128x128xf32, #tpu.memory_space<vmem>>) target(%dma_start3A_71 : memref<128x128xf32, #tpu.memory_space<vmem_shared>>) target_semaphore(%run_scoped3A_68 : memref<!tpu.dma_semaphore, #tpu.memory_space<semaphore_mem>>)
      %dma_wait3A = arith.constant 0 : i32
      %dma_wait3A_72 = tpu.memref_slice %arg11[%add3A_4, %dma_wait3A] : memref<10240x128xf32, #tpu.memory_space<vmem_shared>> -> memref<128x128xf32, #tpu.memory_space<vmem_shared>>
      %dma_wait3A_73 = arith.constant 0 : i32
      %dma_wait3A_74 = tpu.memref_slice %arg11[%add3A_4, %dma_wait3A_73] : memref<10240x128xf32, #tpu.memory_space<vmem_shared>> -> memref<128x128xf32, #tpu.memory_space<vmem_shared>>
      tpu.wait_dma2 semaphore(%run_scoped3A_68 : memref<!tpu.dma_semaphore, #tpu.memory_space<semaphore_mem>>) src(%arg10 : memref<128x128xf32, #tpu.memory_space<vmem>>) dst(%dma_wait3A_74 : memref<128x128xf32, #tpu.memory_space<vmem_shared>>)
      tpu.yield
    }) : () -> ()
    %mul3A_5 = arith.constant 640 : i32
    %mul3A_6 = arith.muli %arg1, %mul3A_5 : i32
    %add3A_7 = arith.constant 128 : i32
    %add3A_8 = arith.addi %mul3A_6, %add3A_7 : i32
    "tpu.region"() ({
      %run_scoped3A_68 = tpu.sem_alloc : memref<!tpu.dma_semaphore, #tpu.memory_space<semaphore_mem>>
      %dma_start3A = arith.constant 0 : i32
      %dma_start3A_69 = tpu.memref_slice %arg11[%add3A_8, %dma_start3A] : memref<10240x128xf32, #tpu.memory_space<vmem_shared>> -> memref<128x128xf32, #tpu.memory_space<vmem_shared>>
      %dma_start3A_70 = arith.constant 0 : i32
      %dma_start3A_71 = tpu.memref_slice %arg11[%add3A_8, %dma_start3A_70] : memref<10240x128xf32, #tpu.memory_space<vmem_shared>> -> memref<128x128xf32, #tpu.memory_space<vmem_shared>>
      tpu.enqueue_dma source(%arg10 : memref<128x128xf32, #tpu.memory_space<vmem>>) target(%dma_start3A_71 : memref<128x128xf32, #tpu.memory_space<vmem_shared>>) target_semaphore(%run_scoped3A_68 : memref<!tpu.dma_semaphore, #tpu.memory_space<semaphore_mem>>)
      %dma_wait3A = arith.constant 0 : i32
      %dma_wait3A_72 = tpu.memref_slice %arg11[%add3A_8, %dma_wait3A] : memref<10240x128xf32, #tpu.memory_space<vmem_shared>> -> memref<128x128xf32, #tpu.memory_space<vmem_shared>>
      %dma_wait3A_73 = arith.constant 0 : i32
      %dma_wait3A_74 = tpu.memref_slice %arg11[%add3A_8, %dma_wait3A_73] : memref<10240x128xf32, #tpu.memory_space<vmem_shared>> -> memref<128x128xf32, #tpu.memory_space<vmem_shared>>
      tpu.wait_dma2 semaphore(%run_scoped3A_68 : memref<!tpu.dma_semaphore, #tpu.memory_space<semaphore_mem>>) src(%arg10 : memref<128x128xf32, #tpu.memory_space<vmem>>) dst(%dma_wait3A_74 : memref<128x128xf32, #tpu.memory_space<vmem_shared>>)
      tpu.yield
    }) : () -> ()
    %mul3A_9 = arith.constant 640 : i32
    %mul3A_10 = arith.muli %arg1, %mul3A_9 : i32
    %add3A_11 = arith.constant 256 : i32
    %add3A_12 = arith.addi %mul3A_10, %add3A_11 : i32
    "tpu.region"() ({
      %run_scoped3A_68 = tpu.sem_alloc : memref<!tpu.dma_semaphore, #tpu.memory_space<semaphore_mem>>
      %dma_start3A = arith.constant 0 : i32
      %dma_start3A_69 = tpu.memref_slice %arg11[%add3A_12, %dma_start3A] : memref<10240x128xf32, #tpu.memory_space<vmem_shared>> -> memref<128x128xf32, #tpu.memory_space<vmem_shared>>
      %dma_start3A_70 = arith.constant 0 : i32
      %dma_start3A_71 = tpu.memref_slice %arg11[%add3A_12, %dma_start3A_70] : memref<10240x128xf32, #tpu.memory_space<vmem_shared>> -> memref<128x128xf32, #tpu.memory_space<vmem_shared>>
      tpu.enqueue_dma source(%arg10 : memref<128x128xf32, #tpu.memory_space<vmem>>) target(%dma_start3A_71 : memref<128x128xf32, #tpu.memory_space<vmem_shared>>) target_semaphore(%run_scoped3A_68 : memref<!tpu.dma_semaphore, #tpu.memory_space<semaphore_mem>>)
      %dma_wait3A = arith.constant 0 : i32
      %dma_wait3A_72 = tpu.memref_slice %arg11[%add3A_12, %dma_wait3A] : memref<10240x128xf32, #tpu.memory_space<vmem_shared>> -> memref<128x128xf32, #tpu.memory_space<vmem_shared>>
      %dma_wait3A_73 = arith.constant 0 : i32
      %dma_wait3A_74 = tpu.memref_slice %arg11[%add3A_12, %dma_wait3A_73] : memref<10240x128xf32, #tpu.memory_space<vmem_shared>> -> memref<128x128xf32, #tpu.memory_space<vmem_shared>>
      tpu.wait_dma2 semaphore(%run_scoped3A_68 : memref<!tpu.dma_semaphore, #tpu.memory_space<semaphore_mem>>) src(%arg10 : memref<128x128xf32, #tpu.memory_space<vmem>>) dst(%dma_wait3A_74 : memref<128x128xf32, #tpu.memory_space<vmem_shared>>)
      tpu.yield
    }) : () -> ()
    %mul3A_13 = arith.constant 640 : i32
    %mul3A_14 = arith.muli %arg1, %mul3A_13 : i32
    %add3A_15 = arith.constant 384 : i32
    %add3A_16 = arith.addi %mul3A_14, %add3A_15 : i32
    "tpu.region"() ({
      %run_scoped3A_68 = tpu.sem_alloc : memref<!tpu.dma_semaphore, #tpu.memory_space<semaphore_mem>>
      %dma_start3A = arith.constant 0 : i32
      %dma_start3A_69 = tpu.memref_slice %arg11[%add3A_16, %dma_start3A] : memref<10240x128xf32, #tpu.memory_space<vmem_shared>> -> memref<128x128xf32, #tpu.memory_space<vmem_shared>>
      %dma_start3A_70 = arith.constant 0 : i32
      %dma_start3A_71 = tpu.memref_slice %arg11[%add3A_16, %dma_start3A_70] : memref<10240x128xf32, #tpu.memory_space<vmem_shared>> -> memref<128x128xf32, #tpu.memory_space<vmem_shared>>
      tpu.enqueue_dma source(%arg10 : memref<128x128xf32, #tpu.memory_space<vmem>>) target(%dma_start3A_71 : memref<128x128xf32, #tpu.memory_space<vmem_shared>>) target_semaphore(%run_scoped3A_68 : memref<!tpu.dma_semaphore, #tpu.memory_space<semaphore_mem>>)
      %dma_wait3A = arith.constant 0 : i32
      %dma_wait3A_72 = tpu.memref_slice %arg11[%add3A_16, %dma_wait3A] : memref<10240x128xf32, #tpu.memory_space<vmem_shared>> -> memref<128x128xf32, #tpu.memory_space<vmem_shared>>
      %dma_wait3A_73 = arith.constant 0 : i32
      %dma_wait3A_74 = tpu.memref_slice %arg11[%add3A_16, %dma_wait3A_73] : memref<10240x128xf32, #tpu.memory_space<vmem_shared>> -> memref<128x128xf32, #tpu.memory_space<vmem_shared>>
      tpu.wait_dma2 semaphore(%run_scoped3A_68 : memref<!tpu.dma_semaphore, #tpu.memory_space<semaphore_mem>>) src(%arg10 : memref<128x128xf32, #tpu.memory_space<vmem>>) dst(%dma_wait3A_74 : memref<128x128xf32, #tpu.memory_space<vmem_shared>>)
      tpu.yield
    }) : () -> ()
    %mul3A_17 = arith.constant 640 : i32
    %mul3A_18 = arith.muli %arg1, %mul3A_17 : i32
    %add3A_19 = arith.constant 512 : i32
    %add3A_20 = arith.addi %mul3A_18, %add3A_19 : i32
    "tpu.region"() ({
      %run_scoped3A_68 = tpu.sem_alloc : memref<!tpu.dma_semaphore, #tpu.memory_space<semaphore_mem>>
      %dma_start3A = arith.constant 0 : i32
      %dma_start3A_69 = tpu.memref_slice %arg11[%add3A_20, %dma_start3A] : memref<10240x128xf32, #tpu.memory_space<vmem_shared>> -> memref<128x128xf32, #tpu.memory_space<vmem_shared>>
      %dma_start3A_70 = arith.constant 0 : i32
      %dma_start3A_71 = tpu.memref_slice %arg11[%add3A_20, %dma_start3A_70] : memref<10240x128xf32, #tpu.memory_space<vmem_shared>> -> memref<128x128xf32, #tpu.memory_space<vmem_shared>>
      tpu.enqueue_dma source(%arg10 : memref<128x128xf32, #tpu.memory_space<vmem>>) target(%dma_start3A_71 : memref<128x128xf32, #tpu.memory_space<vmem_shared>>) target_semaphore(%run_scoped3A_68 : memref<!tpu.dma_semaphore, #tpu.memory_space<semaphore_mem>>)
      %dma_wait3A = arith.constant 0 : i32
      %dma_wait3A_72 = tpu.memref_slice %arg11[%add3A_20, %dma_wait3A] : memref<10240x128xf32, #tpu.memory_space<vmem_shared>> -> memref<128x128xf32, #tpu.memory_space<vmem_shared>>
      %dma_wait3A_73 = arith.constant 0 : i32
      %dma_wait3A_74 = tpu.memref_slice %arg11[%add3A_20, %dma_wait3A_73] : memref<10240x128xf32, #tpu.memory_space<vmem_shared>> -> memref<128x128xf32, #tpu.memory_space<vmem_shared>>
      tpu.wait_dma2 semaphore(%run_scoped3A_68 : memref<!tpu.dma_semaphore, #tpu.memory_space<semaphore_mem>>) src(%arg10 : memref<128x128xf32, #tpu.memory_space<vmem>>) dst(%dma_wait3A_74 : memref<128x128xf32, #tpu.memory_space<vmem_shared>>)
      tpu.yield
    }) : () -> ()
    %barrier3A = arith.constant 0 : index
    tpu.barrier barrier_id(%barrier3A)
    %scan3A = arith.constant 0 : i32
    %scan3A_21 = arith.constant 0 : i32
    %scan3A_22 = arith.constant 0 : i32
    %scan3A_23 = arith.constant 40 : i32
    %scan3A_24 = arith.addi %scan3A_22, %scan3A_23 : i32
    %scan3A_25 = arith.constant 1 : i32
    scf.for %scan3A_68 = %scan3A_22 to %scan3A_24 step %scan3A_25  : i32 {
      %mul3A_69 = arith.constant 5120 : i32
      %mul3A_70 = arith.muli %add3A, %mul3A_69 : i32
      %mul3A_71 = arith.constant 128 : i32
      %mul3A_72 = arith.muli %scan3A_68, %mul3A_71 : i32
      %add3A_73 = arith.addi %mul3A_70, %mul3A_72 : i32
      "tpu.region"() ({
        %run_scoped3A_86 = tpu.sem_alloc : memref<!tpu.dma_semaphore, #tpu.memory_space<semaphore_mem>>
        %dma_start3A_87 = tpu.memref_slice %arg3[%add3A_73] : memref<163840xi32, #tpu.memory_space<hbm>> -> memref<128xi32, #tpu.memory_space<hbm>>
        %dma_start3A_88 = tpu.memref_slice %arg3[%add3A_73] : memref<163840xi32, #tpu.memory_space<hbm>> -> memref<128xi32, #tpu.memory_space<hbm>>
        tpu.enqueue_dma source(%dma_start3A_88 : memref<128xi32, #tpu.memory_space<hbm>>) target(%arg7 : memref<128xi32, #tpu.memory_space<vmem>>) target_semaphore(%run_scoped3A_86 : memref<!tpu.dma_semaphore, #tpu.memory_space<semaphore_mem>>)
        %dma_wait3A_89 = tpu.memref_slice %arg3[%add3A_73] : memref<163840xi32, #tpu.memory_space<hbm>> -> memref<128xi32, #tpu.memory_space<hbm>>
        %dma_wait3A_90 = tpu.memref_slice %arg3[%add3A_73] : memref<163840xi32, #tpu.memory_space<hbm>> -> memref<128xi32, #tpu.memory_space<hbm>>
        tpu.wait_dma2 semaphore(%run_scoped3A_86 : memref<!tpu.dma_semaphore, #tpu.memory_space<semaphore_mem>>) src(%dma_wait3A_90 : memref<128xi32, #tpu.memory_space<hbm>>) dst(%arg7 : memref<128xi32, #tpu.memory_space<vmem>>)
        tpu.yield
      }) : () -> ()
      "tpu.region"() ({
        %run_scoped3A_86 = tpu.sem_alloc : memref<!tpu.dma_semaphore, #tpu.memory_space<semaphore_mem>>
        %dma_start3A_87 = tpu.memref_slice %arg4[%add3A_73] : memref<163840xi32, #tpu.memory_space<hbm>> -> memref<128xi32, #tpu.memory_space<hbm>>
        %dma_start3A_88 = tpu.memref_slice %arg4[%add3A_73] : memref<163840xi32, #tpu.memory_space<hbm>> -> memref<128xi32, #tpu.memory_space<hbm>>
        tpu.enqueue_dma source(%dma_start3A_88 : memref<128xi32, #tpu.memory_space<hbm>>) target(%arg8 : memref<128xi32, #tpu.memory_space<vmem>>) target_semaphore(%run_scoped3A_86 : memref<!tpu.dma_semaphore, #tpu.memory_space<semaphore_mem>>)
        %dma_wait3A_89 = tpu.memref_slice %arg4[%add3A_73] : memref<163840xi32, #tpu.memory_space<hbm>> -> memref<128xi32, #tpu.memory_space<hbm>>
        %dma_wait3A_90 = tpu.memref_slice %arg4[%add3A_73] : memref<163840xi32, #tpu.memory_space<hbm>> -> memref<128xi32, #tpu.memory_space<hbm>>
        tpu.wait_dma2 semaphore(%run_scoped3A_86 : memref<!tpu.dma_semaphore, #tpu.memory_space<semaphore_mem>>) src(%dma_wait3A_90 : memref<128xi32, #tpu.memory_space<hbm>>) dst(%arg8 : memref<128xi32, #tpu.memory_space<vmem>>)
        tpu.yield
      }) : () -> ()
      %dma_start3A = arith.constant 0 : i32
      %dma_start3A_74 = arith.constant 0 : i32
      %dma_start3A_75 = tpu.memref_slice %arg2[%scan3A_21, %dma_start3A, %dma_start3A_74] : memref<2x10240x128xf32, #tpu.memory_space<hbm>> -> memref<1x10240x128xf32, #tpu.memory_space<hbm>>
      %dma_start3A_76 = tpu.memref_squeeze %dma_start3A_75 : memref<1x10240x128xf32, #tpu.memory_space<hbm>> -> memref<10240x128xf32, #tpu.memory_space<hbm>>
      %dma_start3A_77 = arith.constant 0 : i32
      %dma_start3A_78 = arith.constant 0 : i32
      %dma_start3A_79 = tpu.memref_slice %dma_start3A_76[%dma_start3A_77, %dma_start3A_78] : memref<10240x128xf32, #tpu.memory_space<hbm>> -> memref<10240x128xf32, #tpu.memory_space<hbm>>
      tpu.enqueue_indirect_dma source(%dma_start3A_79 : memref<10240x128xf32, #tpu.memory_space<hbm>>) target(%arg9 : memref<128x128xf32, #tpu.memory_space<vmem>>) offsets(%arg7 : memref<128xi32, #tpu.memory_space<vmem>>) semaphore(%arg12 : memref<!tpu.dma_semaphore, #tpu.memory_space<semaphore_mem>>)
      %dma_wait3A = arith.constant 0 : i32
      %dma_wait3A_80 = arith.constant 0 : i32
      %dma_wait3A_81 = tpu.memref_slice %arg2[%scan3A_21, %dma_wait3A, %dma_wait3A_80] : memref<2x10240x128xf32, #tpu.memory_space<hbm>> -> memref<1x10240x128xf32, #tpu.memory_space<hbm>>
      %dma_wait3A_82 = tpu.memref_squeeze %dma_wait3A_81 : memref<1x10240x128xf32, #tpu.memory_space<hbm>> -> memref<10240x128xf32, #tpu.memory_space<hbm>>
      %dma_wait3A_83 = arith.constant 0 : i32
      %dma_wait3A_84 = arith.constant 0 : i32
      %dma_wait3A_85 = tpu.memref_slice %dma_wait3A_82[%dma_wait3A_83, %dma_wait3A_84] : memref<10240x128xf32, #tpu.memory_space<hbm>> -> memref<10240x128xf32, #tpu.memory_space<hbm>>
      tpu.wait_indirect_dma semaphore(%arg12 : memref<!tpu.dma_semaphore, #tpu.memory_space<semaphore_mem>>) src(%dma_wait3A_85 : memref<10240x128xf32, #tpu.memory_space<hbm>>) dst(%arg9 : memref<128x128xf32, #tpu.memory_space<vmem>>)
      "tpu.region"() ({
        %run_scoped3A_86 = tpu.sem_alloc : memref<!tpu.dma_semaphore, #tpu.memory_space<semaphore_mem>>
        %dma_start3A_87 = arith.constant 0 : i32
        %dma_start3A_88 = arith.constant 0 : i32
        %dma_start3A_89 = tpu.memref_slice %arg11[%dma_start3A_87, %dma_start3A_88] : memref<10240x128xf32, #tpu.memory_space<vmem_shared>> -> memref<10240x128xf32, #tpu.memory_space<vmem_shared>>
        tpu.enqueue_indirect_dma source(%arg9 : memref<128x128xf32, #tpu.memory_space<vmem>>) target(%dma_start3A_89 : memref<10240x128xf32, #tpu.memory_space<vmem_shared>>) offsets(%arg8 : memref<128xi32, #tpu.memory_space<vmem>>) semaphore(%run_scoped3A_86 : memref<!tpu.dma_semaphore, #tpu.memory_space<semaphore_mem>>) {add = true}
        %dma_wait3A_90 = arith.constant 0 : i32
        %dma_wait3A_91 = arith.constant 0 : i32
        %dma_wait3A_92 = tpu.memref_slice %arg11[%dma_wait3A_90, %dma_wait3A_91] : memref<10240x128xf32, #tpu.memory_space<vmem_shared>> -> memref<10240x128xf32, #tpu.memory_space<vmem_shared>>
        tpu.wait_indirect_dma semaphore(%run_scoped3A_86 : memref<!tpu.dma_semaphore, #tpu.memory_space<semaphore_mem>>) src(%arg9 : memref<128x128xf32, #tpu.memory_space<vmem>>) dst(%dma_wait3A_92 : memref<10240x128xf32, #tpu.memory_space<vmem_shared>>)
        tpu.yield
      }) : () -> ()
    }
    %scan3A_26 = arith.constant 40 : i32
    %barrier3A_27 = arith.constant 0 : index
    tpu.barrier barrier_id(%barrier3A_27)
    %mul3A_28 = arith.constant 640 : i32
    %mul3A_29 = arith.muli %arg1, %mul3A_28 : i32
    %mul3A_30 = arith.constant 640 : i32
    %mul3A_31 = arith.muli %arg1, %mul3A_30 : i32
    %run_scoped3A = arith.constant 0 : i32
    "tpu.region"() ({
      %run_scoped3A_68 = tpu.sem_alloc : memref<!tpu.dma_semaphore, #tpu.memory_space<semaphore_mem>>
      %dma_start3A = arith.constant 0 : i32
      %dma_start3A_69 = tpu.memref_slice %arg6[%arg0, %run_scoped3A, %mul3A_31, %dma_start3A] : memref<2x2x10240x128xf32, #tpu.memory_space<hbm>> -> memref<1x1x640x128xf32, #tpu.memory_space<hbm>>
      %dma_start3A_70 = tpu.memref_squeeze %dma_start3A_69 : memref<1x1x640x128xf32, #tpu.memory_space<hbm>> -> memref<640x128xf32, #tpu.memory_space<hbm>>
      %dma_start3A_71 = arith.constant 0 : i32
      %dma_start3A_72 = tpu.memref_slice %arg11[%mul3A_29, %dma_start3A_71] : memref<10240x128xf32, #tpu.memory_space<vmem_shared>> -> memref<640x128xf32, #tpu.memory_space<vmem_shared>>
      tpu.enqueue_dma source(%dma_start3A_72 : memref<640x128xf32, #tpu.memory_space<vmem_shared>>) target(%dma_start3A_70 : memref<640x128xf32, #tpu.memory_space<hbm>>) target_semaphore(%run_scoped3A_68 : memref<!tpu.dma_semaphore, #tpu.memory_space<semaphore_mem>>)
      %dma_wait3A = arith.constant 0 : i32
      %dma_wait3A_73 = tpu.memref_slice %arg6[%arg0, %run_scoped3A, %mul3A_31, %dma_wait3A] : memref<2x2x10240x128xf32, #tpu.memory_space<hbm>> -> memref<1x1x640x128xf32, #tpu.memory_space<hbm>>
      %dma_wait3A_74 = tpu.memref_squeeze %dma_wait3A_73 : memref<1x1x640x128xf32, #tpu.memory_space<hbm>> -> memref<640x128xf32, #tpu.memory_space<hbm>>
      %dma_wait3A_75 = arith.constant 0 : i32
      %dma_wait3A_76 = tpu.memref_slice %arg11[%mul3A_29, %dma_wait3A_75] : memref<10240x128xf32, #tpu.memory_space<vmem_shared>> -> memref<640x128xf32, #tpu.memory_space<vmem_shared>>
      tpu.wait_dma2 semaphore(%run_scoped3A_68 : memref<!tpu.dma_semaphore, #tpu.memory_space<semaphore_mem>>) src(%dma_wait3A_76 : memref<640x128xf32, #tpu.memory_space<vmem_shared>>) dst(%dma_wait3A_74 : memref<640x128xf32, #tpu.memory_space<hbm>>)
      tpu.yield
    }) : () -> ()
    %barrier3A_32 = arith.constant 0 : index
    tpu.barrier barrier_id(%barrier3A_32)
    %mul3A_33 = arith.constant 640 : i32
    %mul3A_34 = arith.muli %arg1, %mul3A_33 : i32
    %add3A_35 = arith.constant 0 : i32
    %add3A_36 = arith.addi %mul3A_34, %add3A_35 : i32
    "tpu.region"() ({
      %run_scoped3A_68 = tpu.sem_alloc : memref<!tpu.dma_semaphore, #tpu.memory_space<semaphore_mem>>
      %dma_start3A = arith.constant 0 : i32
      %dma_start3A_69 = tpu.memref_slice %arg11[%add3A_36, %dma_start3A] : memref<10240x128xf32, #tpu.memory_space<vmem_shared>> -> memref<128x128xf32, #tpu.memory_space<vmem_shared>>
      %dma_start3A_70 = arith.constant 0 : i32
      %dma_start3A_71 = tpu.memref_slice %arg11[%add3A_36, %dma_start3A_70] : memref<10240x128xf32, #tpu.memory_space<vmem_shared>> -> memref<128x128xf32, #tpu.memory_space<vmem_shared>>
      tpu.enqueue_dma source(%arg10 : memref<128x128xf32, #tpu.memory_space<vmem>>) target(%dma_start3A_71 : memref<128x128xf32, #tpu.memory_space<vmem_shared>>) target_semaphore(%run_scoped3A_68 : memref<!tpu.dma_semaphore, #tpu.memory_space<semaphore_mem>>)
      %dma_wait3A = arith.constant 0 : i32
      %dma_wait3A_72 = tpu.memref_slice %arg11[%add3A_36, %dma_wait3A] : memref<10240x128xf32, #tpu.memory_space<vmem_shared>> -> memref<128x128xf32, #tpu.memory_space<vmem_shared>>
      %dma_wait3A_73 = arith.constant 0 : i32
      %dma_wait3A_74 = tpu.memref_slice %arg11[%add3A_36, %dma_wait3A_73] : memref<10240x128xf32, #tpu.memory_space<vmem_shared>> -> memref<128x128xf32, #tpu.memory_space<vmem_shared>>
      tpu.wait_dma2 semaphore(%run_scoped3A_68 : memref<!tpu.dma_semaphore, #tpu.memory_space<semaphore_mem>>) src(%arg10 : memref<128x128xf32, #tpu.memory_space<vmem>>) dst(%dma_wait3A_74 : memref<128x128xf32, #tpu.memory_space<vmem_shared>>)
      tpu.yield
    }) : () -> ()
    %mul3A_37 = arith.constant 640 : i32
    %mul3A_38 = arith.muli %arg1, %mul3A_37 : i32
    %add3A_39 = arith.constant 128 : i32
    %add3A_40 = arith.addi %mul3A_38, %add3A_39 : i32
    "tpu.region"() ({
      %run_scoped3A_68 = tpu.sem_alloc : memref<!tpu.dma_semaphore, #tpu.memory_space<semaphore_mem>>
      %dma_start3A = arith.constant 0 : i32
      %dma_start3A_69 = tpu.memref_slice %arg11[%add3A_40, %dma_start3A] : memref<10240x128xf32, #tpu.memory_space<vmem_shared>> -> memref<128x128xf32, #tpu.memory_space<vmem_shared>>
      %dma_start3A_70 = arith.constant 0 : i32
      %dma_start3A_71 = tpu.memref_slice %arg11[%add3A_40, %dma_start3A_70] : memref<10240x128xf32, #tpu.memory_space<vmem_shared>> -> memref<128x128xf32, #tpu.memory_space<vmem_shared>>
      tpu.enqueue_dma source(%arg10 : memref<128x128xf32, #tpu.memory_space<vmem>>) target(%dma_start3A_71 : memref<128x128xf32, #tpu.memory_space<vmem_shared>>) target_semaphore(%run_scoped3A_68 : memref<!tpu.dma_semaphore, #tpu.memory_space<semaphore_mem>>)
      %dma_wait3A = arith.constant 0 : i32
      %dma_wait3A_72 = tpu.memref_slice %arg11[%add3A_40, %dma_wait3A] : memref<10240x128xf32, #tpu.memory_space<vmem_shared>> -> memref<128x128xf32, #tpu.memory_space<vmem_shared>>
      %dma_wait3A_73 = arith.constant 0 : i32
      %dma_wait3A_74 = tpu.memref_slice %arg11[%add3A_40, %dma_wait3A_73] : memref<10240x128xf32, #tpu.memory_space<vmem_shared>> -> memref<128x128xf32, #tpu.memory_space<vmem_shared>>
      tpu.wait_dma2 semaphore(%run_scoped3A_68 : memref<!tpu.dma_semaphore, #tpu.memory_space<semaphore_mem>>) src(%arg10 : memref<128x128xf32, #tpu.memory_space<vmem>>) dst(%dma_wait3A_74 : memref<128x128xf32, #tpu.memory_space<vmem_shared>>)
      tpu.yield
    }) : () -> ()
    %mul3A_41 = arith.constant 640 : i32
    %mul3A_42 = arith.muli %arg1, %mul3A_41 : i32
    %add3A_43 = arith.constant 256 : i32
    %add3A_44 = arith.addi %mul3A_42, %add3A_43 : i32
    "tpu.region"() ({
      %run_scoped3A_68 = tpu.sem_alloc : memref<!tpu.dma_semaphore, #tpu.memory_space<semaphore_mem>>
      %dma_start3A = arith.constant 0 : i32
      %dma_start3A_69 = tpu.memref_slice %arg11[%add3A_44, %dma_start3A] : memref<10240x128xf32, #tpu.memory_space<vmem_shared>> -> memref<128x128xf32, #tpu.memory_space<vmem_shared>>
      %dma_start3A_70 = arith.constant 0 : i32
      %dma_start3A_71 = tpu.memref_slice %arg11[%add3A_44, %dma_start3A_70] : memref<10240x128xf32, #tpu.memory_space<vmem_shared>> -> memref<128x128xf32, #tpu.memory_space<vmem_shared>>
      tpu.enqueue_dma source(%arg10 : memref<128x128xf32, #tpu.memory_space<vmem>>) target(%dma_start3A_71 : memref<128x128xf32, #tpu.memory_space<vmem_shared>>) target_semaphore(%run_scoped3A_68 : memref<!tpu.dma_semaphore, #tpu.memory_space<semaphore_mem>>)
      %dma_wait3A = arith.constant 0 : i32
      %dma_wait3A_72 = tpu.memref_slice %arg11[%add3A_44, %dma_wait3A] : memref<10240x128xf32, #tpu.memory_space<vmem_shared>> -> memref<128x128xf32, #tpu.memory_space<vmem_shared>>
      %dma_wait3A_73 = arith.constant 0 : i32
      %dma_wait3A_74 = tpu.memref_slice %arg11[%add3A_44, %dma_wait3A_73] : memref<10240x128xf32, #tpu.memory_space<vmem_shared>> -> memref<128x128xf32, #tpu.memory_space<vmem_shared>>
      tpu.wait_dma2 semaphore(%run_scoped3A_68 : memref<!tpu.dma_semaphore, #tpu.memory_space<semaphore_mem>>) src(%arg10 : memref<128x128xf32, #tpu.memory_space<vmem>>) dst(%dma_wait3A_74 : memref<128x128xf32, #tpu.memory_space<vmem_shared>>)
      tpu.yield
    }) : () -> ()
    %mul3A_45 = arith.constant 640 : i32
    %mul3A_46 = arith.muli %arg1, %mul3A_45 : i32
    %add3A_47 = arith.constant 384 : i32
    %add3A_48 = arith.addi %mul3A_46, %add3A_47 : i32
    "tpu.region"() ({
      %run_scoped3A_68 = tpu.sem_alloc : memref<!tpu.dma_semaphore, #tpu.memory_space<semaphore_mem>>
      %dma_start3A = arith.constant 0 : i32
      %dma_start3A_69 = tpu.memref_slice %arg11[%add3A_48, %dma_start3A] : memref<10240x128xf32, #tpu.memory_space<vmem_shared>> -> memref<128x128xf32, #tpu.memory_space<vmem_shared>>
      %dma_start3A_70 = arith.constant 0 : i32
      %dma_start3A_71 = tpu.memref_slice %arg11[%add3A_48, %dma_start3A_70] : memref<10240x128xf32, #tpu.memory_space<vmem_shared>> -> memref<128x128xf32, #tpu.memory_space<vmem_shared>>
      tpu.enqueue_dma source(%arg10 : memref<128x128xf32, #tpu.memory_space<vmem>>) target(%dma_start3A_71 : memref<128x128xf32, #tpu.memory_space<vmem_shared>>) target_semaphore(%run_scoped3A_68 : memref<!tpu.dma_semaphore, #tpu.memory_space<semaphore_mem>>)
      %dma_wait3A = arith.constant 0 : i32
      %dma_wait3A_72 = tpu.memref_slice %arg11[%add3A_48, %dma_wait3A] : memref<10240x128xf32, #tpu.memory_space<vmem_shared>> -> memref<128x128xf32, #tpu.memory_space<vmem_shared>>
      %dma_wait3A_73 = arith.constant 0 : i32
      %dma_wait3A_74 = tpu.memref_slice %arg11[%add3A_48, %dma_wait3A_73] : memref<10240x128xf32, #tpu.memory_space<vmem_shared>> -> memref<128x128xf32, #tpu.memory_space<vmem_shared>>
      tpu.wait_dma2 semaphore(%run_scoped3A_68 : memref<!tpu.dma_semaphore, #tpu.memory_space<semaphore_mem>>) src(%arg10 : memref<128x128xf32, #tpu.memory_space<vmem>>) dst(%dma_wait3A_74 : memref<128x128xf32, #tpu.memory_space<vmem_shared>>)
      tpu.yield
    }) : () -> ()
    %mul3A_49 = arith.constant 640 : i32
    %mul3A_50 = arith.muli %arg1, %mul3A_49 : i32
    %add3A_51 = arith.constant 512 : i32
    %add3A_52 = arith.addi %mul3A_50, %add3A_51 : i32
    "tpu.region"() ({
      %run_scoped3A_68 = tpu.sem_alloc : memref<!tpu.dma_semaphore, #tpu.memory_space<semaphore_mem>>
      %dma_start3A = arith.constant 0 : i32
      %dma_start3A_69 = tpu.memref_slice %arg11[%add3A_52, %dma_start3A] : memref<10240x128xf32, #tpu.memory_space<vmem_shared>> -> memref<128x128xf32, #tpu.memory_space<vmem_shared>>
      %dma_start3A_70 = arith.constant 0 : i32
      %dma_start3A_71 = tpu.memref_slice %arg11[%add3A_52, %dma_start3A_70] : memref<10240x128xf32, #tpu.memory_space<vmem_shared>> -> memref<128x128xf32, #tpu.memory_space<vmem_shared>>
      tpu.enqueue_dma source(%arg10 : memref<128x128xf32, #tpu.memory_space<vmem>>) target(%dma_start3A_71 : memref<128x128xf32, #tpu.memory_space<vmem_shared>>) target_semaphore(%run_scoped3A_68 : memref<!tpu.dma_semaphore, #tpu.memory_space<semaphore_mem>>)
      %dma_wait3A = arith.constant 0 : i32
      %dma_wait3A_72 = tpu.memref_slice %arg11[%add3A_52, %dma_wait3A] : memref<10240x128xf32, #tpu.memory_space<vmem_shared>> -> memref<128x128xf32, #tpu.memory_space<vmem_shared>>
      %dma_wait3A_73 = arith.constant 0 : i32
      %dma_wait3A_74 = tpu.memref_slice %arg11[%add3A_52, %dma_wait3A_73] : memref<10240x128xf32, #tpu.memory_space<vmem_shared>> -> memref<128x128xf32, #tpu.memory_space<vmem_shared>>
      tpu.wait_dma2 semaphore(%run_scoped3A_68 : memref<!tpu.dma_semaphore, #tpu.memory_space<semaphore_mem>>) src(%arg10 : memref<128x128xf32, #tpu.memory_space<vmem>>) dst(%dma_wait3A_74 : memref<128x128xf32, #tpu.memory_space<vmem_shared>>)
      tpu.yield
    }) : () -> ()
    %barrier3A_53 = arith.constant 0 : index
    tpu.barrier barrier_id(%barrier3A_53)
    %scan3A_54 = arith.constant 0 : i32
    %scan3A_55 = arith.constant 1 : i32
    %scan3A_56 = arith.constant 0 : i32
    %scan3A_57 = arith.constant 40 : i32
    %scan3A_58 = arith.addi %scan3A_56, %scan3A_57 : i32
    %scan3A_59 = arith.constant 1 : i32
    scf.for %scan3A_68 = %scan3A_56 to %scan3A_58 step %scan3A_59  : i32 {
      %mul3A_69 = arith.constant 5120 : i32
      %mul3A_70 = arith.muli %add3A, %mul3A_69 : i32
      %mul3A_71 = arith.constant 128 : i32
      %mul3A_72 = arith.muli %scan3A_68, %mul3A_71 : i32
      %add3A_73 = arith.addi %mul3A_70, %mul3A_72 : i32
      "tpu.region"() ({
        %run_scoped3A_86 = tpu.sem_alloc : memref<!tpu.dma_semaphore, #tpu.memory_space<semaphore_mem>>
        %dma_start3A_87 = tpu.memref_slice %arg3[%add3A_73] : memref<163840xi32, #tpu.memory_space<hbm>> -> memref<128xi32, #tpu.memory_space<hbm>>
        %dma_start3A_88 = tpu.memref_slice %arg3[%add3A_73] : memref<163840xi32, #tpu.memory_space<hbm>> -> memref<128xi32, #tpu.memory_space<hbm>>
        tpu.enqueue_dma source(%dma_start3A_88 : memref<128xi32, #tpu.memory_space<hbm>>) target(%arg7 : memref<128xi32, #tpu.memory_space<vmem>>) target_semaphore(%run_scoped3A_86 : memref<!tpu.dma_semaphore, #tpu.memory_space<semaphore_mem>>)
        %dma_wait3A_89 = tpu.memref_slice %arg3[%add3A_73] : memref<163840xi32, #tpu.memory_space<hbm>> -> memref<128xi32, #tpu.memory_space<hbm>>
        %dma_wait3A_90 = tpu.memref_slice %arg3[%add3A_73] : memref<163840xi32, #tpu.memory_space<hbm>> -> memref<128xi32, #tpu.memory_space<hbm>>
        tpu.wait_dma2 semaphore(%run_scoped3A_86 : memref<!tpu.dma_semaphore, #tpu.memory_space<semaphore_mem>>) src(%dma_wait3A_90 : memref<128xi32, #tpu.memory_space<hbm>>) dst(%arg7 : memref<128xi32, #tpu.memory_space<vmem>>)
        tpu.yield
      }) : () -> ()
      "tpu.region"() ({
        %run_scoped3A_86 = tpu.sem_alloc : memref<!tpu.dma_semaphore, #tpu.memory_space<semaphore_mem>>
        %dma_start3A_87 = tpu.memref_slice %arg4[%add3A_73] : memref<163840xi32, #tpu.memory_space<hbm>> -> memref<128xi32, #tpu.memory_space<hbm>>
        %dma_start3A_88 = tpu.memref_slice %arg4[%add3A_73] : memref<163840xi32, #tpu.memory_space<hbm>> -> memref<128xi32, #tpu.memory_space<hbm>>
        tpu.enqueue_dma source(%dma_start3A_88 : memref<128xi32, #tpu.memory_space<hbm>>) target(%arg8 : memref<128xi32, #tpu.memory_space<vmem>>) target_semaphore(%run_scoped3A_86 : memref<!tpu.dma_semaphore, #tpu.memory_space<semaphore_mem>>)
        %dma_wait3A_89 = tpu.memref_slice %arg4[%add3A_73] : memref<163840xi32, #tpu.memory_space<hbm>> -> memref<128xi32, #tpu.memory_space<hbm>>
        %dma_wait3A_90 = tpu.memref_slice %arg4[%add3A_73] : memref<163840xi32, #tpu.memory_space<hbm>> -> memref<128xi32, #tpu.memory_space<hbm>>
        tpu.wait_dma2 semaphore(%run_scoped3A_86 : memref<!tpu.dma_semaphore, #tpu.memory_space<semaphore_mem>>) src(%dma_wait3A_90 : memref<128xi32, #tpu.memory_space<hbm>>) dst(%arg8 : memref<128xi32, #tpu.memory_space<vmem>>)
        tpu.yield
      }) : () -> ()
      %dma_start3A = arith.constant 0 : i32
      %dma_start3A_74 = arith.constant 0 : i32
      %dma_start3A_75 = tpu.memref_slice %arg2[%scan3A_55, %dma_start3A, %dma_start3A_74] : memref<2x10240x128xf32, #tpu.memory_space<hbm>> -> memref<1x10240x128xf32, #tpu.memory_space<hbm>>
      %dma_start3A_76 = tpu.memref_squeeze %dma_start3A_75 : memref<1x10240x128xf32, #tpu.memory_space<hbm>> -> memref<10240x128xf32, #tpu.memory_space<hbm>>
      %dma_start3A_77 = arith.constant 0 : i32
      %dma_start3A_78 = arith.constant 0 : i32
      %dma_start3A_79 = tpu.memref_slice %dma_start3A_76[%dma_start3A_77, %dma_start3A_78] : memref<10240x128xf32, #tpu.memory_space<hbm>> -> memref<10240x128xf32, #tpu.memory_space<hbm>>
      tpu.enqueue_indirect_dma source(%dma_start3A_79 : memref<10240x128xf32, #tpu.memory_space<hbm>>) target(%arg9 : memref<128x128xf32, #tpu.memory_space<vmem>>) offsets(%arg7 : memref<128xi32, #tpu.memory_space<vmem>>) semaphore(%arg12 : memref<!tpu.dma_semaphore, #tpu.memory_space<semaphore_mem>>)
      %dma_wait3A = arith.constant 0 : i32
      %dma_wait3A_80 = arith.constant 0 : i32
      %dma_wait3A_81 = tpu.memref_slice %arg2[%scan3A_55, %dma_wait3A, %dma_wait3A_80] : memref<2x10240x128xf32, #tpu.memory_space<hbm>> -> memref<1x10240x128xf32, #tpu.memory_space<hbm>>
      %dma_wait3A_82 = tpu.memref_squeeze %dma_wait3A_81 : memref<1x10240x128xf32, #tpu.memory_space<hbm>> -> memref<10240x128xf32, #tpu.memory_space<hbm>>
      %dma_wait3A_83 = arith.constant 0 : i32
      %dma_wait3A_84 = arith.constant 0 : i32
      %dma_wait3A_85 = tpu.memref_slice %dma_wait3A_82[%dma_wait3A_83, %dma_wait3A_84] : memref<10240x128xf32, #tpu.memory_space<hbm>> -> memref<10240x128xf32, #tpu.memory_space<hbm>>
      tpu.wait_indirect_dma semaphore(%arg12 : memref<!tpu.dma_semaphore, #tpu.memory_space<semaphore_mem>>) src(%dma_wait3A_85 : memref<10240x128xf32, #tpu.memory_space<hbm>>) dst(%arg9 : memref<128x128xf32, #tpu.memory_space<vmem>>)
      "tpu.region"() ({
        %run_scoped3A_86 = tpu.sem_alloc : memref<!tpu.dma_semaphore, #tpu.memory_space<semaphore_mem>>
        %dma_start3A_87 = arith.constant 0 : i32
        %dma_start3A_88 = arith.constant 0 : i32
        %dma_start3A_89 = tpu.memref_slice %arg11[%dma_start3A_87, %dma_start3A_88] : memref<10240x128xf32, #tpu.memory_space<vmem_shared>> -> memref<10240x128xf32, #tpu.memory_space<vmem_shared>>
        tpu.enqueue_indirect_dma source(%arg9 : memref<128x128xf32, #tpu.memory_space<vmem>>) target(%dma_start3A_89 : memref<10240x128xf32, #tpu.memory_space<vmem_shared>>) offsets(%arg8 : memref<128xi32, #tpu.memory_space<vmem>>) semaphore(%run_scoped3A_86 : memref<!tpu.dma_semaphore, #tpu.memory_space<semaphore_mem>>) {add = true}
        %dma_wait3A_90 = arith.constant 0 : i32
        %dma_wait3A_91 = arith.constant 0 : i32
        %dma_wait3A_92 = tpu.memref_slice %arg11[%dma_wait3A_90, %dma_wait3A_91] : memref<10240x128xf32, #tpu.memory_space<vmem_shared>> -> memref<10240x128xf32, #tpu.memory_space<vmem_shared>>
        tpu.wait_indirect_dma semaphore(%run_scoped3A_86 : memref<!tpu.dma_semaphore, #tpu.memory_space<semaphore_mem>>) src(%arg9 : memref<128x128xf32, #tpu.memory_space<vmem>>) dst(%dma_wait3A_92 : memref<10240x128xf32, #tpu.memory_space<vmem_shared>>)
        tpu.yield
      }) : () -> ()
    }
    %scan3A_60 = arith.constant 40 : i32
    %barrier3A_61 = arith.constant 0 : index
    tpu.barrier barrier_id(%barrier3A_61)
    %mul3A_62 = arith.constant 640 : i32
    %mul3A_63 = arith.muli %arg1, %mul3A_62 : i32
    %mul3A_64 = arith.constant 640 : i32
    %mul3A_65 = arith.muli %arg1, %mul3A_64 : i32
    %run_scoped3A_66 = arith.constant 1 : i32
    "tpu.region"() ({
      %run_scoped3A_68 = tpu.sem_alloc : memref<!tpu.dma_semaphore, #tpu.memory_space<semaphore_mem>>
      %dma_start3A = arith.constant 0 : i32
      %dma_start3A_69 = tpu.memref_slice %arg6[%arg0, %run_scoped3A_66, %mul3A_65, %dma_start3A] : memref<2x2x10240x128xf32, #tpu.memory_space<hbm>> -> memref<1x1x640x128xf32, #tpu.memory_space<hbm>>
      %dma_start3A_70 = tpu.memref_squeeze %dma_start3A_69 : memref<1x1x640x128xf32, #tpu.memory_space<hbm>> -> memref<640x128xf32, #tpu.memory_space<hbm>>
      %dma_start3A_71 = arith.constant 0 : i32
      %dma_start3A_72 = tpu.memref_slice %arg11[%mul3A_63, %dma_start3A_71] : memref<10240x128xf32, #tpu.memory_space<vmem_shared>> -> memref<640x128xf32, #tpu.memory_space<vmem_shared>>
      tpu.enqueue_dma source(%dma_start3A_72 : memref<640x128xf32, #tpu.memory_space<vmem_shared>>) target(%dma_start3A_70 : memref<640x128xf32, #tpu.memory_space<hbm>>) target_semaphore(%run_scoped3A_68 : memref<!tpu.dma_semaphore, #tpu.memory_space<semaphore_mem>>)
      %dma_wait3A = arith.constant 0 : i32
      %dma_wait3A_73 = tpu.memref_slice %arg6[%arg0, %run_scoped3A_66, %mul3A_65, %dma_wait3A] : memref<2x2x10240x128xf32, #tpu.memory_space<hbm>> -> memref<1x1x640x128xf32, #tpu.memory_space<hbm>>
      %dma_wait3A_74 = tpu.memref_squeeze %dma_wait3A_73 : memref<1x1x640x128xf32, #tpu.memory_space<hbm>> -> memref<640x128xf32, #tpu.memory_space<hbm>>
      %dma_wait3A_75 = arith.constant 0 : i32
      %dma_wait3A_76 = tpu.memref_slice %arg11[%mul3A_63, %dma_wait3A_75] : memref<10240x128xf32, #tpu.memory_space<vmem_shared>> -> memref<640x128xf32, #tpu.memory_space<vmem_shared>>
      tpu.wait_dma2 semaphore(%run_scoped3A_68 : memref<!tpu.dma_semaphore, #tpu.memory_space<semaphore_mem>>) src(%dma_wait3A_76 : memref<640x128xf32, #tpu.memory_space<vmem_shared>>) dst(%dma_wait3A_74 : memref<640x128xf32, #tpu.memory_space<hbm>>)
      tpu.yield
    }) : () -> ()
    %barrier3A_67 = arith.constant 0 : index
    tpu.barrier barrier_id(%barrier3A_67)
    return
  }
}

#map = affine_map<(d0, d1) -> (0, 0, 0)>
#map1 = affine_map<(d0, d1) -> (0)>
#map2 = affine_map<(d0, d1) -> (0, 0)>
#map3 = affine_map<(d0, d1) -> (0, 0, 0, 0)>
module attributes {stable_mosaic.version = 14 : i64} {
  func.func @phase(%arg0: i32, %arg1: i32, %arg2: memref<1x10240x128xf32, #tpu.memory_space<hbm>>, %arg3: memref<163840xi32, #tpu.memory_space<hbm>>, %arg4: memref<163840xi32, #tpu.memory_space<hbm>>, %arg5: memref<128x128xf32, #tpu.memory_space<hbm>>, %arg6: memref<2x1x10240x128xf32, #tpu.memory_space<hbm>>, %arg7: memref<128xi32, #tpu.memory_space<vmem>>, %arg8: memref<128xi32, #tpu.memory_space<vmem>>, %arg9: memref<128x128xf32, #tpu.memory_space<vmem>>, %arg10: memref<128x128xf32, #tpu.memory_space<vmem>>, %arg11: memref<10240x128xf32, #tpu.memory_space<vmem_shared>>, %arg12: memref<!tpu.dma_semaphore, #tpu.memory_space<semaphore_mem>>) attributes {dimension_semantics = [#tpu.dimension_semantics<core_parallel>, #tpu.dimension_semantics<subcore_parallel>], iteration_bounds = array<i64: 2, 16>, scalar_prefetch = 0 : i64, scratch_operands = 6 : i64, tpu.core_type = #tpu.core_type<sc_vector_subcore>, window_params = [{transform_indices = #map}, {transform_indices = #map1}, {transform_indices = #map1}, {transform_indices = #map2}, {transform_indices = #map3}]} {
    %mul3A = arith.constant 16 : i32
    %mul3A_0 = arith.muli %arg0, %mul3A : i32
    %add3A = arith.addi %mul3A_0, %arg1 : i32
    "tpu.region"() ({
      %run_scoped3A_33 = tpu.sem_alloc : memref<!tpu.dma_semaphore, #tpu.memory_space<semaphore_mem>>
      tpu.enqueue_dma source(%arg5 : memref<128x128xf32, #tpu.memory_space<hbm>>) target(%arg10 : memref<128x128xf32, #tpu.memory_space<vmem>>) target_semaphore(%run_scoped3A_33 : memref<!tpu.dma_semaphore, #tpu.memory_space<semaphore_mem>>)
      tpu.wait_dma2 semaphore(%run_scoped3A_33 : memref<!tpu.dma_semaphore, #tpu.memory_space<semaphore_mem>>) src(%arg5 : memref<128x128xf32, #tpu.memory_space<hbm>>) dst(%arg10 : memref<128x128xf32, #tpu.memory_space<vmem>>)
      tpu.yield
    }) : () -> ()
    %mul3A_1 = arith.constant 640 : i32
    %mul3A_2 = arith.muli %arg1, %mul3A_1 : i32
    %add3A_3 = arith.constant 0 : i32
    %add3A_4 = arith.addi %mul3A_2, %add3A_3 : i32
    "tpu.region"() ({
      %run_scoped3A_33 = tpu.sem_alloc : memref<!tpu.dma_semaphore, #tpu.memory_space<semaphore_mem>>
      %dma_start3A = arith.constant 0 : i32
      %dma_start3A_34 = tpu.memref_slice %arg11[%add3A_4, %dma_start3A] : memref<10240x128xf32, #tpu.memory_space<vmem_shared>> -> memref<128x128xf32, #tpu.memory_space<vmem_shared>>
      %dma_start3A_35 = arith.constant 0 : i32
      %dma_start3A_36 = tpu.memref_slice %arg11[%add3A_4, %dma_start3A_35] : memref<10240x128xf32, #tpu.memory_space<vmem_shared>> -> memref<128x128xf32, #tpu.memory_space<vmem_shared>>
      tpu.enqueue_dma source(%arg10 : memref<128x128xf32, #tpu.memory_space<vmem>>) target(%dma_start3A_36 : memref<128x128xf32, #tpu.memory_space<vmem_shared>>) target_semaphore(%run_scoped3A_33 : memref<!tpu.dma_semaphore, #tpu.memory_space<semaphore_mem>>)
      %dma_wait3A = arith.constant 0 : i32
      %dma_wait3A_37 = tpu.memref_slice %arg11[%add3A_4, %dma_wait3A] : memref<10240x128xf32, #tpu.memory_space<vmem_shared>> -> memref<128x128xf32, #tpu.memory_space<vmem_shared>>
      %dma_wait3A_38 = arith.constant 0 : i32
      %dma_wait3A_39 = tpu.memref_slice %arg11[%add3A_4, %dma_wait3A_38] : memref<10240x128xf32, #tpu.memory_space<vmem_shared>> -> memref<128x128xf32, #tpu.memory_space<vmem_shared>>
      tpu.wait_dma2 semaphore(%run_scoped3A_33 : memref<!tpu.dma_semaphore, #tpu.memory_space<semaphore_mem>>) src(%arg10 : memref<128x128xf32, #tpu.memory_space<vmem>>) dst(%dma_wait3A_39 : memref<128x128xf32, #tpu.memory_space<vmem_shared>>)
      tpu.yield
    }) : () -> ()
    %mul3A_5 = arith.constant 640 : i32
    %mul3A_6 = arith.muli %arg1, %mul3A_5 : i32
    %add3A_7 = arith.constant 128 : i32
    %add3A_8 = arith.addi %mul3A_6, %add3A_7 : i32
    "tpu.region"() ({
      %run_scoped3A_33 = tpu.sem_alloc : memref<!tpu.dma_semaphore, #tpu.memory_space<semaphore_mem>>
      %dma_start3A = arith.constant 0 : i32
      %dma_start3A_34 = tpu.memref_slice %arg11[%add3A_8, %dma_start3A] : memref<10240x128xf32, #tpu.memory_space<vmem_shared>> -> memref<128x128xf32, #tpu.memory_space<vmem_shared>>
      %dma_start3A_35 = arith.constant 0 : i32
      %dma_start3A_36 = tpu.memref_slice %arg11[%add3A_8, %dma_start3A_35] : memref<10240x128xf32, #tpu.memory_space<vmem_shared>> -> memref<128x128xf32, #tpu.memory_space<vmem_shared>>
      tpu.enqueue_dma source(%arg10 : memref<128x128xf32, #tpu.memory_space<vmem>>) target(%dma_start3A_36 : memref<128x128xf32, #tpu.memory_space<vmem_shared>>) target_semaphore(%run_scoped3A_33 : memref<!tpu.dma_semaphore, #tpu.memory_space<semaphore_mem>>)
      %dma_wait3A = arith.constant 0 : i32
      %dma_wait3A_37 = tpu.memref_slice %arg11[%add3A_8, %dma_wait3A] : memref<10240x128xf32, #tpu.memory_space<vmem_shared>> -> memref<128x128xf32, #tpu.memory_space<vmem_shared>>
      %dma_wait3A_38 = arith.constant 0 : i32
      %dma_wait3A_39 = tpu.memref_slice %arg11[%add3A_8, %dma_wait3A_38] : memref<10240x128xf32, #tpu.memory_space<vmem_shared>> -> memref<128x128xf32, #tpu.memory_space<vmem_shared>>
      tpu.wait_dma2 semaphore(%run_scoped3A_33 : memref<!tpu.dma_semaphore, #tpu.memory_space<semaphore_mem>>) src(%arg10 : memref<128x128xf32, #tpu.memory_space<vmem>>) dst(%dma_wait3A_39 : memref<128x128xf32, #tpu.memory_space<vmem_shared>>)
      tpu.yield
    }) : () -> ()
    %mul3A_9 = arith.constant 640 : i32
    %mul3A_10 = arith.muli %arg1, %mul3A_9 : i32
    %add3A_11 = arith.constant 256 : i32
    %add3A_12 = arith.addi %mul3A_10, %add3A_11 : i32
    "tpu.region"() ({
      %run_scoped3A_33 = tpu.sem_alloc : memref<!tpu.dma_semaphore, #tpu.memory_space<semaphore_mem>>
      %dma_start3A = arith.constant 0 : i32
      %dma_start3A_34 = tpu.memref_slice %arg11[%add3A_12, %dma_start3A] : memref<10240x128xf32, #tpu.memory_space<vmem_shared>> -> memref<128x128xf32, #tpu.memory_space<vmem_shared>>
      %dma_start3A_35 = arith.constant 0 : i32
      %dma_start3A_36 = tpu.memref_slice %arg11[%add3A_12, %dma_start3A_35] : memref<10240x128xf32, #tpu.memory_space<vmem_shared>> -> memref<128x128xf32, #tpu.memory_space<vmem_shared>>
      tpu.enqueue_dma source(%arg10 : memref<128x128xf32, #tpu.memory_space<vmem>>) target(%dma_start3A_36 : memref<128x128xf32, #tpu.memory_space<vmem_shared>>) target_semaphore(%run_scoped3A_33 : memref<!tpu.dma_semaphore, #tpu.memory_space<semaphore_mem>>)
      %dma_wait3A = arith.constant 0 : i32
      %dma_wait3A_37 = tpu.memref_slice %arg11[%add3A_12, %dma_wait3A] : memref<10240x128xf32, #tpu.memory_space<vmem_shared>> -> memref<128x128xf32, #tpu.memory_space<vmem_shared>>
      %dma_wait3A_38 = arith.constant 0 : i32
      %dma_wait3A_39 = tpu.memref_slice %arg11[%add3A_12, %dma_wait3A_38] : memref<10240x128xf32, #tpu.memory_space<vmem_shared>> -> memref<128x128xf32, #tpu.memory_space<vmem_shared>>
      tpu.wait_dma2 semaphore(%run_scoped3A_33 : memref<!tpu.dma_semaphore, #tpu.memory_space<semaphore_mem>>) src(%arg10 : memref<128x128xf32, #tpu.memory_space<vmem>>) dst(%dma_wait3A_39 : memref<128x128xf32, #tpu.memory_space<vmem_shared>>)
      tpu.yield
    }) : () -> ()
    %mul3A_13 = arith.constant 640 : i32
    %mul3A_14 = arith.muli %arg1, %mul3A_13 : i32
    %add3A_15 = arith.constant 384 : i32
    %add3A_16 = arith.addi %mul3A_14, %add3A_15 : i32
    "tpu.region"() ({
      %run_scoped3A_33 = tpu.sem_alloc : memref<!tpu.dma_semaphore, #tpu.memory_space<semaphore_mem>>
      %dma_start3A = arith.constant 0 : i32
      %dma_start3A_34 = tpu.memref_slice %arg11[%add3A_16, %dma_start3A] : memref<10240x128xf32, #tpu.memory_space<vmem_shared>> -> memref<128x128xf32, #tpu.memory_space<vmem_shared>>
      %dma_start3A_35 = arith.constant 0 : i32
      %dma_start3A_36 = tpu.memref_slice %arg11[%add3A_16, %dma_start3A_35] : memref<10240x128xf32, #tpu.memory_space<vmem_shared>> -> memref<128x128xf32, #tpu.memory_space<vmem_shared>>
      tpu.enqueue_dma source(%arg10 : memref<128x128xf32, #tpu.memory_space<vmem>>) target(%dma_start3A_36 : memref<128x128xf32, #tpu.memory_space<vmem_shared>>) target_semaphore(%run_scoped3A_33 : memref<!tpu.dma_semaphore, #tpu.memory_space<semaphore_mem>>)
      %dma_wait3A = arith.constant 0 : i32
      %dma_wait3A_37 = tpu.memref_slice %arg11[%add3A_16, %dma_wait3A] : memref<10240x128xf32, #tpu.memory_space<vmem_shared>> -> memref<128x128xf32, #tpu.memory_space<vmem_shared>>
      %dma_wait3A_38 = arith.constant 0 : i32
      %dma_wait3A_39 = tpu.memref_slice %arg11[%add3A_16, %dma_wait3A_38] : memref<10240x128xf32, #tpu.memory_space<vmem_shared>> -> memref<128x128xf32, #tpu.memory_space<vmem_shared>>
      tpu.wait_dma2 semaphore(%run_scoped3A_33 : memref<!tpu.dma_semaphore, #tpu.memory_space<semaphore_mem>>) src(%arg10 : memref<128x128xf32, #tpu.memory_space<vmem>>) dst(%dma_wait3A_39 : memref<128x128xf32, #tpu.memory_space<vmem_shared>>)
      tpu.yield
    }) : () -> ()
    %mul3A_17 = arith.constant 640 : i32
    %mul3A_18 = arith.muli %arg1, %mul3A_17 : i32
    %add3A_19 = arith.constant 512 : i32
    %add3A_20 = arith.addi %mul3A_18, %add3A_19 : i32
    "tpu.region"() ({
      %run_scoped3A_33 = tpu.sem_alloc : memref<!tpu.dma_semaphore, #tpu.memory_space<semaphore_mem>>
      %dma_start3A = arith.constant 0 : i32
      %dma_start3A_34 = tpu.memref_slice %arg11[%add3A_20, %dma_start3A] : memref<10240x128xf32, #tpu.memory_space<vmem_shared>> -> memref<128x128xf32, #tpu.memory_space<vmem_shared>>
      %dma_start3A_35 = arith.constant 0 : i32
      %dma_start3A_36 = tpu.memref_slice %arg11[%add3A_20, %dma_start3A_35] : memref<10240x128xf32, #tpu.memory_space<vmem_shared>> -> memref<128x128xf32, #tpu.memory_space<vmem_shared>>
      tpu.enqueue_dma source(%arg10 : memref<128x128xf32, #tpu.memory_space<vmem>>) target(%dma_start3A_36 : memref<128x128xf32, #tpu.memory_space<vmem_shared>>) target_semaphore(%run_scoped3A_33 : memref<!tpu.dma_semaphore, #tpu.memory_space<semaphore_mem>>)
      %dma_wait3A = arith.constant 0 : i32
      %dma_wait3A_37 = tpu.memref_slice %arg11[%add3A_20, %dma_wait3A] : memref<10240x128xf32, #tpu.memory_space<vmem_shared>> -> memref<128x128xf32, #tpu.memory_space<vmem_shared>>
      %dma_wait3A_38 = arith.constant 0 : i32
      %dma_wait3A_39 = tpu.memref_slice %arg11[%add3A_20, %dma_wait3A_38] : memref<10240x128xf32, #tpu.memory_space<vmem_shared>> -> memref<128x128xf32, #tpu.memory_space<vmem_shared>>
      tpu.wait_dma2 semaphore(%run_scoped3A_33 : memref<!tpu.dma_semaphore, #tpu.memory_space<semaphore_mem>>) src(%arg10 : memref<128x128xf32, #tpu.memory_space<vmem>>) dst(%dma_wait3A_39 : memref<128x128xf32, #tpu.memory_space<vmem_shared>>)
      tpu.yield
    }) : () -> ()
    %barrier3A = arith.constant 0 : index
    tpu.barrier barrier_id(%barrier3A)
    %scan3A = arith.constant 0 : i32
    %scan3A_21 = arith.constant 0 : i32
    %scan3A_22 = arith.constant 0 : i32
    %scan3A_23 = arith.constant 40 : i32
    %scan3A_24 = arith.addi %scan3A_22, %scan3A_23 : i32
    %scan3A_25 = arith.constant 1 : i32
    scf.for %scan3A_33 = %scan3A_22 to %scan3A_24 step %scan3A_25  : i32 {
      %mul3A_34 = arith.constant 5120 : i32
      %mul3A_35 = arith.muli %add3A, %mul3A_34 : i32
      %mul3A_36 = arith.constant 128 : i32
      %mul3A_37 = arith.muli %scan3A_33, %mul3A_36 : i32
      %add3A_38 = arith.addi %mul3A_35, %mul3A_37 : i32
      "tpu.region"() ({
        %run_scoped3A_51 = tpu.sem_alloc : memref<!tpu.dma_semaphore, #tpu.memory_space<semaphore_mem>>
        %dma_start3A_52 = tpu.memref_slice %arg3[%add3A_38] : memref<163840xi32, #tpu.memory_space<hbm>> -> memref<128xi32, #tpu.memory_space<hbm>>
        %dma_start3A_53 = tpu.memref_slice %arg3[%add3A_38] : memref<163840xi32, #tpu.memory_space<hbm>> -> memref<128xi32, #tpu.memory_space<hbm>>
        tpu.enqueue_dma source(%dma_start3A_53 : memref<128xi32, #tpu.memory_space<hbm>>) target(%arg7 : memref<128xi32, #tpu.memory_space<vmem>>) target_semaphore(%run_scoped3A_51 : memref<!tpu.dma_semaphore, #tpu.memory_space<semaphore_mem>>)
        %dma_wait3A_54 = tpu.memref_slice %arg3[%add3A_38] : memref<163840xi32, #tpu.memory_space<hbm>> -> memref<128xi32, #tpu.memory_space<hbm>>
        %dma_wait3A_55 = tpu.memref_slice %arg3[%add3A_38] : memref<163840xi32, #tpu.memory_space<hbm>> -> memref<128xi32, #tpu.memory_space<hbm>>
        tpu.wait_dma2 semaphore(%run_scoped3A_51 : memref<!tpu.dma_semaphore, #tpu.memory_space<semaphore_mem>>) src(%dma_wait3A_55 : memref<128xi32, #tpu.memory_space<hbm>>) dst(%arg7 : memref<128xi32, #tpu.memory_space<vmem>>)
        tpu.yield
      }) : () -> ()
      "tpu.region"() ({
        %run_scoped3A_51 = tpu.sem_alloc : memref<!tpu.dma_semaphore, #tpu.memory_space<semaphore_mem>>
        %dma_start3A_52 = tpu.memref_slice %arg4[%add3A_38] : memref<163840xi32, #tpu.memory_space<hbm>> -> memref<128xi32, #tpu.memory_space<hbm>>
        %dma_start3A_53 = tpu.memref_slice %arg4[%add3A_38] : memref<163840xi32, #tpu.memory_space<hbm>> -> memref<128xi32, #tpu.memory_space<hbm>>
        tpu.enqueue_dma source(%dma_start3A_53 : memref<128xi32, #tpu.memory_space<hbm>>) target(%arg8 : memref<128xi32, #tpu.memory_space<vmem>>) target_semaphore(%run_scoped3A_51 : memref<!tpu.dma_semaphore, #tpu.memory_space<semaphore_mem>>)
        %dma_wait3A_54 = tpu.memref_slice %arg4[%add3A_38] : memref<163840xi32, #tpu.memory_space<hbm>> -> memref<128xi32, #tpu.memory_space<hbm>>
        %dma_wait3A_55 = tpu.memref_slice %arg4[%add3A_38] : memref<163840xi32, #tpu.memory_space<hbm>> -> memref<128xi32, #tpu.memory_space<hbm>>
        tpu.wait_dma2 semaphore(%run_scoped3A_51 : memref<!tpu.dma_semaphore, #tpu.memory_space<semaphore_mem>>) src(%dma_wait3A_55 : memref<128xi32, #tpu.memory_space<hbm>>) dst(%arg8 : memref<128xi32, #tpu.memory_space<vmem>>)
        tpu.yield
      }) : () -> ()
      %dma_start3A = arith.constant 0 : i32
      %dma_start3A_39 = arith.constant 0 : i32
      %dma_start3A_40 = tpu.memref_slice %arg2[%scan3A_21, %dma_start3A, %dma_start3A_39] : memref<1x10240x128xf32, #tpu.memory_space<hbm>> -> memref<1x10240x128xf32, #tpu.memory_space<hbm>>
      %dma_start3A_41 = tpu.memref_squeeze %dma_start3A_40 : memref<1x10240x128xf32, #tpu.memory_space<hbm>> -> memref<10240x128xf32, #tpu.memory_space<hbm>>
      %dma_start3A_42 = arith.constant 0 : i32
      %dma_start3A_43 = arith.constant 0 : i32
      %dma_start3A_44 = tpu.memref_slice %dma_start3A_41[%dma_start3A_42, %dma_start3A_43] : memref<10240x128xf32, #tpu.memory_space<hbm>> -> memref<10240x128xf32, #tpu.memory_space<hbm>>
      tpu.enqueue_indirect_dma source(%dma_start3A_44 : memref<10240x128xf32, #tpu.memory_space<hbm>>) target(%arg9 : memref<128x128xf32, #tpu.memory_space<vmem>>) offsets(%arg7 : memref<128xi32, #tpu.memory_space<vmem>>) semaphore(%arg12 : memref<!tpu.dma_semaphore, #tpu.memory_space<semaphore_mem>>)
      %dma_wait3A = arith.constant 0 : i32
      %dma_wait3A_45 = arith.constant 0 : i32
      %dma_wait3A_46 = tpu.memref_slice %arg2[%scan3A_21, %dma_wait3A, %dma_wait3A_45] : memref<1x10240x128xf32, #tpu.memory_space<hbm>> -> memref<1x10240x128xf32, #tpu.memory_space<hbm>>
      %dma_wait3A_47 = tpu.memref_squeeze %dma_wait3A_46 : memref<1x10240x128xf32, #tpu.memory_space<hbm>> -> memref<10240x128xf32, #tpu.memory_space<hbm>>
      %dma_wait3A_48 = arith.constant 0 : i32
      %dma_wait3A_49 = arith.constant 0 : i32
      %dma_wait3A_50 = tpu.memref_slice %dma_wait3A_47[%dma_wait3A_48, %dma_wait3A_49] : memref<10240x128xf32, #tpu.memory_space<hbm>> -> memref<10240x128xf32, #tpu.memory_space<hbm>>
      tpu.wait_indirect_dma semaphore(%arg12 : memref<!tpu.dma_semaphore, #tpu.memory_space<semaphore_mem>>) src(%dma_wait3A_50 : memref<10240x128xf32, #tpu.memory_space<hbm>>) dst(%arg9 : memref<128x128xf32, #tpu.memory_space<vmem>>)
      "tpu.region"() ({
        %run_scoped3A_51 = tpu.sem_alloc : memref<!tpu.dma_semaphore, #tpu.memory_space<semaphore_mem>>
        %dma_start3A_52 = arith.constant 0 : i32
        %dma_start3A_53 = arith.constant 0 : i32
        %dma_start3A_54 = tpu.memref_slice %arg11[%dma_start3A_52, %dma_start3A_53] : memref<10240x128xf32, #tpu.memory_space<vmem_shared>> -> memref<10240x128xf32, #tpu.memory_space<vmem_shared>>
        tpu.enqueue_indirect_dma source(%arg9 : memref<128x128xf32, #tpu.memory_space<vmem>>) target(%dma_start3A_54 : memref<10240x128xf32, #tpu.memory_space<vmem_shared>>) offsets(%arg8 : memref<128xi32, #tpu.memory_space<vmem>>) semaphore(%run_scoped3A_51 : memref<!tpu.dma_semaphore, #tpu.memory_space<semaphore_mem>>) {add = true}
        %dma_wait3A_55 = arith.constant 0 : i32
        %dma_wait3A_56 = arith.constant 0 : i32
        %dma_wait3A_57 = tpu.memref_slice %arg11[%dma_wait3A_55, %dma_wait3A_56] : memref<10240x128xf32, #tpu.memory_space<vmem_shared>> -> memref<10240x128xf32, #tpu.memory_space<vmem_shared>>
        tpu.wait_indirect_dma semaphore(%run_scoped3A_51 : memref<!tpu.dma_semaphore, #tpu.memory_space<semaphore_mem>>) src(%arg9 : memref<128x128xf32, #tpu.memory_space<vmem>>) dst(%dma_wait3A_57 : memref<10240x128xf32, #tpu.memory_space<vmem_shared>>)
        tpu.yield
      }) : () -> ()
    }
    %scan3A_26 = arith.constant 40 : i32
    %barrier3A_27 = arith.constant 0 : index
    tpu.barrier barrier_id(%barrier3A_27)
    %mul3A_28 = arith.constant 640 : i32
    %mul3A_29 = arith.muli %arg1, %mul3A_28 : i32
    %mul3A_30 = arith.constant 640 : i32
    %mul3A_31 = arith.muli %arg1, %mul3A_30 : i32
    %run_scoped3A = arith.constant 0 : i32
    "tpu.region"() ({
      %run_scoped3A_33 = tpu.sem_alloc : memref<!tpu.dma_semaphore, #tpu.memory_space<semaphore_mem>>
      %dma_start3A = arith.constant 0 : i32
      %dma_start3A_34 = tpu.memref_slice %arg6[%arg0, %run_scoped3A, %mul3A_31, %dma_start3A] : memref<2x1x10240x128xf32, #tpu.memory_space<hbm>> -> memref<1x1x640x128xf32, #tpu.memory_space<hbm>>
      %dma_start3A_35 = tpu.memref_squeeze %dma_start3A_34 : memref<1x1x640x128xf32, #tpu.memory_space<hbm>> -> memref<640x128xf32, #tpu.memory_space<hbm>>
      %dma_start3A_36 = arith.constant 0 : i32
      %dma_start3A_37 = tpu.memref_slice %arg11[%mul3A_29, %dma_start3A_36] : memref<10240x128xf32, #tpu.memory_space<vmem_shared>> -> memref<640x128xf32, #tpu.memory_space<vmem_shared>>
      tpu.enqueue_dma source(%dma_start3A_37 : memref<640x128xf32, #tpu.memory_space<vmem_shared>>) target(%dma_start3A_35 : memref<640x128xf32, #tpu.memory_space<hbm>>) target_semaphore(%run_scoped3A_33 : memref<!tpu.dma_semaphore, #tpu.memory_space<semaphore_mem>>)
      %dma_wait3A = arith.constant 0 : i32
      %dma_wait3A_38 = tpu.memref_slice %arg6[%arg0, %run_scoped3A, %mul3A_31, %dma_wait3A] : memref<2x1x10240x128xf32, #tpu.memory_space<hbm>> -> memref<1x1x640x128xf32, #tpu.memory_space<hbm>>
      %dma_wait3A_39 = tpu.memref_squeeze %dma_wait3A_38 : memref<1x1x640x128xf32, #tpu.memory_space<hbm>> -> memref<640x128xf32, #tpu.memory_space<hbm>>
      %dma_wait3A_40 = arith.constant 0 : i32
      %dma_wait3A_41 = tpu.memref_slice %arg11[%mul3A_29, %dma_wait3A_40] : memref<10240x128xf32, #tpu.memory_space<vmem_shared>> -> memref<640x128xf32, #tpu.memory_space<vmem_shared>>
      tpu.wait_dma2 semaphore(%run_scoped3A_33 : memref<!tpu.dma_semaphore, #tpu.memory_space<semaphore_mem>>) src(%dma_wait3A_41 : memref<640x128xf32, #tpu.memory_space<vmem_shared>>) dst(%dma_wait3A_39 : memref<640x128xf32, #tpu.memory_space<hbm>>)
      tpu.yield
    }) : () -> ()
    %barrier3A_32 = arith.constant 0 : index
    tpu.barrier barrier_id(%barrier3A_32)
    return
  }
}

module attributes {stable_mosaic.version = 14 : i64} {
  func.func @_mm1_body(%arg0: i32, %arg1: memref<1024x256xf32, #tpu.memory_space<vmem>>, %arg2: memref<256x256xf32, #tpu.memory_space<vmem>>, %arg3: memref<2x1024x128xf32, #tpu.memory_space<vmem>>) attributes {dimension_semantics = [#tpu.dimension_semantics<arbitrary>], iteration_bounds = array<i64: 10>, scalar_prefetch = 0 : i64, scratch_operands = 0 : i64, tpu.core_type = #tpu.core_type<tc>, window_params = [{transform_indices = @transform_0, window_bounds = array<i64: 1024, 256>}, {pipeline_mode = #tpu.pipeline_mode<synchronous>, transform_indices = @transform_1, window_bounds = array<i64: 256, 256>}, {transform_indices = @transform_2, window_bounds = array<i64: 2, 1024, 128>}]} {
    %get3A = arith.constant 0 : index
    %get3A_0 = arith.constant 0 : index
    %get3A_1 = vector.load %arg1[%get3A, %get3A_0] : memref<1024x256xf32, #tpu.memory_space<vmem>>, vector<1024x256xf32>
    %get3A_2 = arith.constant 0 : index
    %get3A_3 = arith.constant 0 : index
    %get3A_4 = vector.load %arg2[%get3A_2, %get3A_3] : memref<256x256xf32, #tpu.memory_space<vmem>>, vector<256x256xf32>
    %dot_general3A = arith.constant dense<0.000000e+00> : vector<1024x256xf32>
    %dot_general3A_5 = tpu.matmul %get3A_1, %get3A_4, %dot_general3A {dimension_numbers = #tpu.dot_dimension_numbers<[1], [0], [0], [1], [0, 0, 1, 1], [], []>, transpose_lhs_hint = false} : vector<1024x256xf32>, vector<256x256xf32>, vector<1024x256xf32> -> vector<1024x256xf32>
    %slice3A = vector.extract_strided_slice %dot_general3A_5 {offsets = [0, 0], sizes = [1024, 128], strides = [1, 1]} : vector<1024x256xf32> to vector<1024x128xf32>
    %swap3A = arith.constant 0 : index
    %swap3A_6 = arith.constant 0 : index
    %swap3A_7 = arith.constant 0 : index
    %swap3A_8 = vector.load %arg3[%swap3A, %swap3A_6, %swap3A_7] : memref<2x1024x128xf32, #tpu.memory_space<vmem>>, vector<1x1024x128xf32>
    %swap3A_9 = vector.shape_cast %swap3A_8 : vector<1x1024x128xf32> to vector<1024x128xf32>
    %swap3A_10 = vector.shape_cast %slice3A : vector<1024x128xf32> to vector<1x1024x128xf32>
    tpu.vector_store %arg3[%swap3A, %swap3A_6, %swap3A_7], %swap3A_10 {strides = array<i32>} : memref<2x1024x128xf32, #tpu.memory_space<vmem>>, vector<1x1024x128xf32>,
    %slice3A_11 = vector.extract_strided_slice %dot_general3A_5 {offsets = [0, 128], sizes = [1024, 128], strides = [1, 1]} : vector<1024x256xf32> to vector<1024x128xf32>
    %swap3A_12 = arith.constant 1 : index
    %swap3A_13 = arith.constant 0 : index
    %swap3A_14 = arith.constant 0 : index
    %swap3A_15 = vector.load %arg3[%swap3A_12, %swap3A_13, %swap3A_14] : memref<2x1024x128xf32, #tpu.memory_space<vmem>>, vector<1x1024x128xf32>
    %swap3A_16 = vector.shape_cast %swap3A_15 : vector<1x1024x128xf32> to vector<1024x128xf32>
    %swap3A_17 = vector.shape_cast %slice3A_11 : vector<1024x128xf32> to vector<1x1024x128xf32>
    tpu.vector_store %arg3[%swap3A_12, %swap3A_13, %swap3A_14], %swap3A_17 {strides = array<i32>} : memref<2x1024x128xf32, #tpu.memory_space<vmem>>, vector<1x1024x128xf32>,
    return
  }
  func.func @transform_0(%arg0: i32) -> (i32, i32) {
    %c0_i32 = arith.constant 0 : i32
    %c0_i32_0 = arith.constant 0 : i32
    return %arg0, %c0_i32 : i32, i32
  }
  func.func @transform_1(%arg0: i32) -> (i32, i32) {
    %c0_i32 = arith.constant 0 : i32
    %c0_i32_0 = arith.constant 0 : i32
    %c0_i32_1 = arith.constant 0 : i32
    return %c0_i32, %c0_i32_0 : i32, i32
  }
  func.func @transform_2(%arg0: i32) -> (i32, i32, i32) {
    %c0_i32 = arith.constant 0 : i32
    %c0_i32_0 = arith.constant 0 : i32
    %c0_i32_1 = arith.constant 0 : i32
    return %c0_i32, %arg0, %c0_i32_0 : i32, i32, i32
  }
}

module attributes {stable_mosaic.version = 14 : i64} {
  func.func @_combine2_body(%arg0: i32, %arg1: memref<2x2x1024x128xf32, #tpu.memory_space<vmem>>, %arg2: memref<2x1024x8xf32, #tpu.memory_space<vmem>>, %arg3: memref<2x1024x128xf32, #tpu.memory_space<vmem>>) attributes {dimension_semantics = [#tpu.dimension_semantics<arbitrary>], iteration_bounds = array<i64: 10>, scalar_prefetch = 0 : i64, scratch_operands = 0 : i64, tpu.core_type = #tpu.core_type<tc>, window_params = [{transform_indices = @transform_0, window_bounds = array<i64: 2, 2, 1024, 128>}, {transform_indices = @transform_1, window_bounds = array<i64: 2, 1024, 8>}, {transform_indices = @transform_2, window_bounds = array<i64: 2, 1024, 128>}]} {
    %get3A = arith.constant 0 : index
    %get3A_0 = arith.constant 0 : index
    %get3A_1 = arith.constant 0 : index
    %get3A_2 = vector.load %arg2[%get3A, %get3A_0, %get3A_1] : memref<2x1024x8xf32, #tpu.memory_space<vmem>>, vector<1x1024x1xf32>
    %get3A_3 = vector.shape_cast %get3A_2 : vector<1x1024x1xf32> to vector<1024x1xf32>
    %get3A_4 = arith.constant 1 : index
    %get3A_5 = arith.constant 0 : index
    %get3A_6 = arith.constant 0 : index
    %get3A_7 = vector.load %arg2[%get3A_4, %get3A_5, %get3A_6] : memref<2x1024x8xf32, #tpu.memory_space<vmem>>, vector<1x1024x1xf32>
    %get3A_8 = vector.shape_cast %get3A_7 : vector<1x1024x1xf32> to vector<1024x1xf32>
    %add3A = arith.addf %get3A_3, %get3A_8 : vector<1024x1xf32>
    %gt3A = arith.constant 0.000000e+00 : f32
    %gt3A_9 = vector.broadcast %gt3A : f32 to vector<1024x1xf32>
    %gt3A_10 = arith.cmpf ogt, %add3A, %gt3A_9 : vector<1024x1xf32>
    %gt3A_11 = arith.constant 0.000000e+00 : f32
    %gt3A_12 = vector.broadcast %gt3A_11 : f32 to vector<1024x1xf32>
    %gt3A_13 = arith.cmpf ogt, %add3A, %gt3A_12 : vector<1024x1xf32>
    %jit3A = arith.constant 1.000000e+00 : f32
    %broadcast_in_dim3A = vector.broadcast %jit3A : f32 to vector<1024x1xf32>
    %select_n3A = arith.select %gt3A_13, %add3A, %broadcast_in_dim3A : vector<1024x1xi1>, vector<1024x1xf32>
    %div3A = arith.constant 1.000000e+00 : f32
    %div3A_14 = vector.broadcast %div3A : f32 to vector<1024x1xf32>
    %div3A_15 = arith.divf %div3A_14, %select_n3A : vector<1024x1xf32>
    %jit3A_16 = arith.constant 0.000000e+00 : f32
    %broadcast_in_dim3A_17 = vector.broadcast %jit3A_16 : f32 to vector<1024x1xf32>
    %select_n3A_18 = arith.select %gt3A_10, %div3A_15, %broadcast_in_dim3A_17 : vector<1024x1xi1>, vector<1024x1xf32>
    %get3A_19 = arith.constant 0 : index
    %get3A_20 = arith.constant 0 : index
    %get3A_21 = arith.constant 0 : index
    %get3A_22 = arith.constant 0 : index
    %get3A_23 = vector.load %arg1[%get3A_19, %get3A_20, %get3A_21, %get3A_22] : memref<2x2x1024x128xf32, #tpu.memory_space<vmem>>, vector<1x1x1024x128xf32>
    %get3A_24 = vector.shape_cast %get3A_23 : vector<1x1x1024x128xf32> to vector<1024x128xf32>
    %get3A_25 = arith.constant 1 : index
    %get3A_26 = arith.constant 0 : index
    %get3A_27 = arith.constant 0 : index
    %get3A_28 = arith.constant 0 : index
    %get3A_29 = vector.load %arg1[%get3A_25, %get3A_26, %get3A_27, %get3A_28] : memref<2x2x1024x128xf32, #tpu.memory_space<vmem>>, vector<1x1x1024x128xf32>
    %get3A_30 = vector.shape_cast %get3A_29 : vector<1x1x1024x128xf32> to vector<1024x128xf32>
    %add3A_31 = arith.addf %get3A_24, %get3A_30 : vector<1024x128xf32>
    %mul3A = vector.broadcast %select_n3A_18 : vector<1024x1xf32> to vector<1024x128xf32>
    %mul3A_32 = arith.mulf %add3A_31, %mul3A : vector<1024x128xf32>
    %swap3A = arith.constant 0 : index
    %swap3A_33 = arith.constant 0 : index
    %swap3A_34 = arith.constant 0 : index
    %swap3A_35 = vector.load %arg3[%swap3A, %swap3A_33, %swap3A_34] : memref<2x1024x128xf32, #tpu.memory_space<vmem>>, vector<1x1024x128xf32>
    %swap3A_36 = vector.shape_cast %swap3A_35 : vector<1x1024x128xf32> to vector<1024x128xf32>
    %swap3A_37 = vector.shape_cast %mul3A_32 : vector<1024x128xf32> to vector<1x1024x128xf32>
    tpu.vector_store %arg3[%swap3A, %swap3A_33, %swap3A_34], %swap3A_37 {strides = array<i32>} : memref<2x1024x128xf32, #tpu.memory_space<vmem>>, vector<1x1024x128xf32>,
    %get3A_38 = arith.constant 0 : index
    %get3A_39 = arith.constant 1 : index
    %get3A_40 = arith.constant 0 : index
    %get3A_41 = arith.constant 0 : index
    %get3A_42 = vector.load %arg1[%get3A_38, %get3A_39, %get3A_40, %get3A_41] : memref<2x2x1024x128xf32, #tpu.memory_space<vmem>>, vector<1x1x1024x128xf32>
    %get3A_43 = vector.shape_cast %get3A_42 : vector<1x1x1024x128xf32> to vector<1024x128xf32>
    %get3A_44 = arith.constant 1 : index
    %get3A_45 = arith.constant 1 : index
    %get3A_46 = arith.constant 0 : index
    %get3A_47 = arith.constant 0 : index
    %get3A_48 = vector.load %arg1[%get3A_44, %get3A_45, %get3A_46, %get3A_47] : memref<2x2x1024x128xf32, #tpu.memory_space<vmem>>, vector<1x1x1024x128xf32>
    %get3A_49 = vector.shape_cast %get3A_48 : vector<1x1x1024x128xf32> to vector<1024x128xf32>
    %add3A_50 = arith.addf %get3A_43, %get3A_49 : vector<1024x128xf32>
    %mul3A_51 = vector.broadcast %select_n3A_18 : vector<1024x1xf32> to vector<1024x128xf32>
    %mul3A_52 = arith.mulf %add3A_50, %mul3A_51 : vector<1024x128xf32>
    %swap3A_53 = arith.constant 1 : index
    %swap3A_54 = arith.constant 0 : index
    %swap3A_55 = arith.constant 0 : index
    %swap3A_56 = vector.load %arg3[%swap3A_53, %swap3A_54, %swap3A_55] : memref<2x1024x128xf32, #tpu.memory_space<vmem>>, vector<1x1024x128xf32>
    %swap3A_57 = vector.shape_cast %swap3A_56 : vector<1x1024x128xf32> to vector<1024x128xf32>
    %swap3A_58 = vector.shape_cast %mul3A_52 : vector<1024x128xf32> to vector<1x1024x128xf32>
    tpu.vector_store %arg3[%swap3A_53, %swap3A_54, %swap3A_55], %swap3A_58 {strides = array<i32>} : memref<2x1024x128xf32, #tpu.memory_space<vmem>>, vector<1x1024x128xf32>,
    return
  }
  func.func @transform_0(%arg0: i32) -> (i32, i32, i32, i32) {
    %c0_i32 = arith.constant 0 : i32
    %c0_i32_0 = arith.constant 0 : i32
    %c0_i32_1 = arith.constant 0 : i32
    %c0_i32_2 = arith.constant 0 : i32
    return %c0_i32, %c0_i32_0, %arg0, %c0_i32_1 : i32, i32, i32, i32
  }
  func.func @transform_1(%arg0: i32) -> (i32, i32, i32) {
    %c0_i32 = arith.constant 0 : i32
    %c0_i32_0 = arith.constant 0 : i32
    %c0_i32_1 = arith.constant 0 : i32
    return %c0_i32, %arg0, %c0_i32_0 : i32, i32, i32
  }
  func.func @transform_2(%arg0: i32) -> (i32, i32, i32) {
    %c0_i32 = arith.constant 0 : i32
    %c0_i32_0 = arith.constant 0 : i32
    %c0_i32_1 = arith.constant 0 : i32
    return %c0_i32, %arg0, %c0_i32_0 : i32, i32, i32
  }
}

module attributes {stable_mosaic.version = 14 : i64} {
  func.func @_fuse2_body(%arg0: i32, %arg1: memref<2x2x1024x128xf32, #tpu.memory_space<vmem>>, %arg2: memref<2x1024x8xf32, #tpu.memory_space<vmem>>, %arg3: memref<1x256xf32, #tpu.memory_space<vmem>>, %arg4: memref<256x128xf32, #tpu.memory_space<vmem>>, %arg5: memref<1x1024x128xf32, #tpu.memory_space<vmem>>) attributes {dimension_semantics = [#tpu.dimension_semantics<arbitrary>], iteration_bounds = array<i64: 10>, scalar_prefetch = 0 : i64, scratch_operands = 0 : i64, tpu.core_type = #tpu.core_type<tc>, window_params = [{transform_indices = @transform_0, window_bounds = array<i64: 2, 2, 1024, 128>}, {transform_indices = @transform_1, window_bounds = array<i64: 2, 1024, 8>}, {pipeline_mode = #tpu.pipeline_mode<synchronous>, transform_indices = @transform_2, window_bounds = array<i64: 1, 256>}, {pipeline_mode = #tpu.pipeline_mode<synchronous>, transform_indices = @transform_3, window_bounds = array<i64: 256, 128>}, {transform_indices = @transform_4, window_bounds = array<i64: 1, 1024, 128>}]} {
    %get3A = arith.constant 0 : index
    %get3A_0 = arith.constant 0 : index
    %get3A_1 = arith.constant 0 : index
    %get3A_2 = vector.load %arg2[%get3A, %get3A_0, %get3A_1] : memref<2x1024x8xf32, #tpu.memory_space<vmem>>, vector<1x1024x1xf32>
    %get3A_3 = vector.shape_cast %get3A_2 : vector<1x1024x1xf32> to vector<1024x1xf32>
    %get3A_4 = arith.constant 1 : index
    %get3A_5 = arith.constant 0 : index
    %get3A_6 = arith.constant 0 : index
    %get3A_7 = vector.load %arg2[%get3A_4, %get3A_5, %get3A_6] : memref<2x1024x8xf32, #tpu.memory_space<vmem>>, vector<1x1024x1xf32>
    %get3A_8 = vector.shape_cast %get3A_7 : vector<1x1024x1xf32> to vector<1024x1xf32>
    %add3A = arith.addf %get3A_3, %get3A_8 : vector<1024x1xf32>
    %gt3A = arith.constant 0.000000e+00 : f32
    %gt3A_9 = vector.broadcast %gt3A : f32 to vector<1024x1xf32>
    %gt3A_10 = arith.cmpf ogt, %add3A, %gt3A_9 : vector<1024x1xf32>
    %gt3A_11 = arith.constant 0.000000e+00 : f32
    %gt3A_12 = vector.broadcast %gt3A_11 : f32 to vector<1024x1xf32>
    %gt3A_13 = arith.cmpf ogt, %add3A, %gt3A_12 : vector<1024x1xf32>
    %jit3A = arith.constant 1.000000e+00 : f32
    %broadcast_in_dim3A = vector.broadcast %jit3A : f32 to vector<1024x1xf32>
    %select_n3A = arith.select %gt3A_13, %add3A, %broadcast_in_dim3A : vector<1024x1xi1>, vector<1024x1xf32>
    %div3A = arith.constant 1.000000e+00 : f32
    %div3A_14 = vector.broadcast %div3A : f32 to vector<1024x1xf32>
    %div3A_15 = arith.divf %div3A_14, %select_n3A : vector<1024x1xf32>
    %jit3A_16 = arith.constant 0.000000e+00 : f32
    %broadcast_in_dim3A_17 = vector.broadcast %jit3A_16 : f32 to vector<1024x1xf32>
    %select_n3A_18 = arith.select %gt3A_10, %div3A_15, %broadcast_in_dim3A_17 : vector<1024x1xi1>, vector<1024x1xf32>
    %get3A_19 = arith.constant 0 : index
    %get3A_20 = arith.constant 0 : index
    %get3A_21 = arith.constant 0 : index
    %get3A_22 = arith.constant 0 : index
    %get3A_23 = vector.load %arg1[%get3A_19, %get3A_20, %get3A_21, %get3A_22] : memref<2x2x1024x128xf32, #tpu.memory_space<vmem>>, vector<1x1x1024x128xf32>
    %get3A_24 = vector.shape_cast %get3A_23 : vector<1x1x1024x128xf32> to vector<1024x128xf32>
    %get3A_25 = arith.constant 1 : index
    %get3A_26 = arith.constant 0 : index
    %get3A_27 = arith.constant 0 : index
    %get3A_28 = arith.constant 0 : index
    %get3A_29 = vector.load %arg1[%get3A_25, %get3A_26, %get3A_27, %get3A_28] : memref<2x2x1024x128xf32, #tpu.memory_space<vmem>>, vector<1x1x1024x128xf32>
    %get3A_30 = vector.shape_cast %get3A_29 : vector<1x1x1024x128xf32> to vector<1024x128xf32>
    %add3A_31 = arith.addf %get3A_24, %get3A_30 : vector<1024x128xf32>
    %mul3A = vector.broadcast %select_n3A_18 : vector<1024x1xf32> to vector<1024x128xf32>
    %mul3A_32 = arith.mulf %add3A_31, %mul3A : vector<1024x128xf32>
    %get3A_33 = arith.constant 0 : index
    %get3A_34 = arith.constant 0 : index
    %get3A_35 = vector.load %arg3[%get3A_33, %get3A_34] : memref<1x256xf32, #tpu.memory_space<vmem>>, vector<1x128xf32>
    %add3A_36 = vector.broadcast %get3A_35 : vector<1x128xf32> to vector<1024x128xf32>
    %add3A_37 = arith.addf %mul3A_32, %add3A_36 : vector<1024x128xf32>
    %max3A = arith.constant 0.000000e+00 : f32
    %max3A_38 = vector.broadcast %max3A : f32 to vector<1024x128xf32>
    %max3A_39 = arith.maximumf %add3A_37, %max3A_38 : vector<1024x128xf32>
    %get3A_40 = arith.constant 0 : index
    %get3A_41 = arith.constant 1 : index
    %get3A_42 = arith.constant 0 : index
    %get3A_43 = arith.constant 0 : index
    %get3A_44 = vector.load %arg1[%get3A_40, %get3A_41, %get3A_42, %get3A_43] : memref<2x2x1024x128xf32, #tpu.memory_space<vmem>>, vector<1x1x1024x128xf32>
    %get3A_45 = vector.shape_cast %get3A_44 : vector<1x1x1024x128xf32> to vector<1024x128xf32>
    %get3A_46 = arith.constant 1 : index
    %get3A_47 = arith.constant 1 : index
    %get3A_48 = arith.constant 0 : index
    %get3A_49 = arith.constant 0 : index
    %get3A_50 = vector.load %arg1[%get3A_46, %get3A_47, %get3A_48, %get3A_49] : memref<2x2x1024x128xf32, #tpu.memory_space<vmem>>, vector<1x1x1024x128xf32>
    %get3A_51 = vector.shape_cast %get3A_50 : vector<1x1x1024x128xf32> to vector<1024x128xf32>
    %add3A_52 = arith.addf %get3A_45, %get3A_51 : vector<1024x128xf32>
    %mul3A_53 = vector.broadcast %select_n3A_18 : vector<1024x1xf32> to vector<1024x128xf32>
    %mul3A_54 = arith.mulf %add3A_52, %mul3A_53 : vector<1024x128xf32>
    %get3A_55 = arith.constant 0 : index
    %get3A_56 = arith.constant 128 : index
    %get3A_57 = vector.load %arg3[%get3A_55, %get3A_56] : memref<1x256xf32, #tpu.memory_space<vmem>>, vector<1x128xf32>
    %add3A_58 = vector.broadcast %get3A_57 : vector<1x128xf32> to vector<1024x128xf32>
    %add3A_59 = arith.addf %mul3A_54, %add3A_58 : vector<1024x128xf32>
    %max3A_60 = arith.constant 0.000000e+00 : f32
    %max3A_61 = vector.broadcast %max3A_60 : f32 to vector<1024x128xf32>
    %max3A_62 = arith.maximumf %add3A_59, %max3A_61 : vector<1024x128xf32>
    %get3A_63 = arith.constant 0 : index
    %get3A_64 = arith.constant 0 : index
    %get3A_65 = vector.load %arg4[%get3A_63, %get3A_64] : memref<256x128xf32, #tpu.memory_space<vmem>>, vector<128x128xf32>
    %dot_general3A = arith.constant dense<0.000000e+00> : vector<1024x128xf32>
    %dot_general3A_66 = tpu.matmul %max3A_39, %get3A_65, %dot_general3A {dimension_numbers = #tpu.dot_dimension_numbers<[1], [0], [0], [1], [0, 0, 1, 1], [], []>, transpose_lhs_hint = false} : vector<1024x128xf32>, vector<128x128xf32>, vector<1024x128xf32> -> vector<1024x128xf32>
    %get3A_67 = arith.constant 128 : index
    %get3A_68 = arith.constant 0 : index
    %get3A_69 = vector.load %arg4[%get3A_67, %get3A_68] : memref<256x128xf32, #tpu.memory_space<vmem>>, vector<128x128xf32>
    %dot_general3A_70 = arith.constant dense<0.000000e+00> : vector<1024x128xf32>
    %dot_general3A_71 = tpu.matmul %max3A_62, %get3A_69, %dot_general3A_70 {dimension_numbers = #tpu.dot_dimension_numbers<[1], [0], [0], [1], [0, 0, 1, 1], [], []>, transpose_lhs_hint = false} : vector<1024x128xf32>, vector<128x128xf32>, vector<1024x128xf32> -> vector<1024x128xf32>
    %add3A_72 = arith.addf %dot_general3A_66, %dot_general3A_71 : vector<1024x128xf32>
    %swap3A = arith.constant 0 : index
    %swap3A_73 = arith.constant 0 : index
    %swap3A_74 = arith.constant 0 : index
    %swap3A_75 = vector.load %arg5[%swap3A, %swap3A_73, %swap3A_74] : memref<1x1024x128xf32, #tpu.memory_space<vmem>>, vector<1x1024x128xf32>
    %swap3A_76 = vector.shape_cast %swap3A_75 : vector<1x1024x128xf32> to vector<1024x128xf32>
    %swap3A_77 = vector.shape_cast %add3A_72 : vector<1024x128xf32> to vector<1x1024x128xf32>
    tpu.vector_store %arg5[%swap3A, %swap3A_73, %swap3A_74], %swap3A_77 {strides = array<i32>} : memref<1x1024x128xf32, #tpu.memory_space<vmem>>, vector<1x1024x128xf32>,
    return
  }
  func.func @transform_0(%arg0: i32) -> (i32, i32, i32, i32) {
    %c0_i32 = arith.constant 0 : i32
    %c0_i32_0 = arith.constant 0 : i32
    %c0_i32_1 = arith.constant 0 : i32
    %c0_i32_2 = arith.constant 0 : i32
    return %c0_i32, %c0_i32_0, %arg0, %c0_i32_1 : i32, i32, i32, i32
  }
  func.func @transform_1(%arg0: i32) -> (i32, i32, i32) {
    %c0_i32 = arith.constant 0 : i32
    %c0_i32_0 = arith.constant 0 : i32
    %c0_i32_1 = arith.constant 0 : i32
    return %c0_i32, %arg0, %c0_i32_0 : i32, i32, i32
  }
  func.func @transform_2(%arg0: i32) -> (i32, i32) {
    %c0_i32 = arith.constant 0 : i32
    %c0_i32_0 = arith.constant 0 : i32
    %c0_i32_1 = arith.constant 0 : i32
    return %c0_i32, %c0_i32_0 : i32, i32
  }
  func.func @transform_3(%arg0: i32) -> (i32, i32) {
    %c0_i32 = arith.constant 0 : i32
    %c0_i32_0 = arith.constant 0 : i32
    %c0_i32_1 = arith.constant 0 : i32
    return %c0_i32, %c0_i32_0 : i32, i32
  }
  func.func @transform_4(%arg0: i32) -> (i32, i32, i32) {
    %c0_i32 = arith.constant 0 : i32
    %c0_i32_0 = arith.constant 0 : i32
    %c0_i32_1 = arith.constant 0 : i32
    return %c0_i32, %arg0, %c0_i32_0 : i32, i32, i32
  }
}

module attributes {stable_mosaic.version = 14 : i64} {
  func.func @_combine1_body(%arg0: i32, %arg1: memref<2x1x1024x128xf32, #tpu.memory_space<vmem>>, %arg2: memref<2x1024x8xf32, #tpu.memory_space<vmem>>, %arg3: memref<1x1024x128xf32, #tpu.memory_space<vmem>>) attributes {dimension_semantics = [#tpu.dimension_semantics<arbitrary>], iteration_bounds = array<i64: 10>, scalar_prefetch = 0 : i64, scratch_operands = 0 : i64, tpu.core_type = #tpu.core_type<tc>, window_params = [{transform_indices = @transform_0, window_bounds = array<i64: 2, 1, 1024, 128>}, {transform_indices = @transform_1, window_bounds = array<i64: 2, 1024, 8>}, {transform_indices = @transform_2, window_bounds = array<i64: 1, 1024, 128>}]} {
    %get3A = arith.constant 0 : index
    %get3A_0 = arith.constant 0 : index
    %get3A_1 = arith.constant 0 : index
    %get3A_2 = vector.load %arg2[%get3A, %get3A_0, %get3A_1] : memref<2x1024x8xf32, #tpu.memory_space<vmem>>, vector<1x1024x1xf32>
    %get3A_3 = vector.shape_cast %get3A_2 : vector<1x1024x1xf32> to vector<1024x1xf32>
    %get3A_4 = arith.constant 1 : index
    %get3A_5 = arith.constant 0 : index
    %get3A_6 = arith.constant 0 : index
    %get3A_7 = vector.load %arg2[%get3A_4, %get3A_5, %get3A_6] : memref<2x1024x8xf32, #tpu.memory_space<vmem>>, vector<1x1024x1xf32>
    %get3A_8 = vector.shape_cast %get3A_7 : vector<1x1024x1xf32> to vector<1024x1xf32>
    %add3A = arith.addf %get3A_3, %get3A_8 : vector<1024x1xf32>
    %gt3A = arith.constant 0.000000e+00 : f32
    %gt3A_9 = vector.broadcast %gt3A : f32 to vector<1024x1xf32>
    %gt3A_10 = arith.cmpf ogt, %add3A, %gt3A_9 : vector<1024x1xf32>
    %gt3A_11 = arith.constant 0.000000e+00 : f32
    %gt3A_12 = vector.broadcast %gt3A_11 : f32 to vector<1024x1xf32>
    %gt3A_13 = arith.cmpf ogt, %add3A, %gt3A_12 : vector<1024x1xf32>
    %jit3A = arith.constant 1.000000e+00 : f32
    %broadcast_in_dim3A = vector.broadcast %jit3A : f32 to vector<1024x1xf32>
    %select_n3A = arith.select %gt3A_13, %add3A, %broadcast_in_dim3A : vector<1024x1xi1>, vector<1024x1xf32>
    %div3A = arith.constant 1.000000e+00 : f32
    %div3A_14 = vector.broadcast %div3A : f32 to vector<1024x1xf32>
    %div3A_15 = arith.divf %div3A_14, %select_n3A : vector<1024x1xf32>
    %jit3A_16 = arith.constant 0.000000e+00 : f32
    %broadcast_in_dim3A_17 = vector.broadcast %jit3A_16 : f32 to vector<1024x1xf32>
    %select_n3A_18 = arith.select %gt3A_10, %div3A_15, %broadcast_in_dim3A_17 : vector<1024x1xi1>, vector<1024x1xf32>
    %get3A_19 = arith.constant 0 : index
    %get3A_20 = arith.constant 0 : index
    %get3A_21 = arith.constant 0 : index
    %get3A_22 = arith.constant 0 : index
    %get3A_23 = vector.load %arg1[%get3A_19, %get3A_20, %get3A_21, %get3A_22] : memref<2x1x1024x128xf32, #tpu.memory_space<vmem>>, vector<1x1x1024x128xf32>
    %get3A_24 = vector.shape_cast %get3A_23 : vector<1x1x1024x128xf32> to vector<1024x128xf32>
    %get3A_25 = arith.constant 1 : index
    %get3A_26 = arith.constant 0 : index
    %get3A_27 = arith.constant 0 : index
    %get3A_28 = arith.constant 0 : index
    %get3A_29 = vector.load %arg1[%get3A_25, %get3A_26, %get3A_27, %get3A_28] : memref<2x1x1024x128xf32, #tpu.memory_space<vmem>>, vector<1x1x1024x128xf32>
    %get3A_30 = vector.shape_cast %get3A_29 : vector<1x1x1024x128xf32> to vector<1024x128xf32>
    %add3A_31 = arith.addf %get3A_24, %get3A_30 : vector<1024x128xf32>
    %mul3A = vector.broadcast %select_n3A_18 : vector<1024x1xf32> to vector<1024x128xf32>
    %mul3A_32 = arith.mulf %add3A_31, %mul3A : vector<1024x128xf32>
    %swap3A = arith.constant 0 : index
    %swap3A_33 = arith.constant 0 : index
    %swap3A_34 = arith.constant 0 : index
    %swap3A_35 = vector.load %arg3[%swap3A, %swap3A_33, %swap3A_34] : memref<1x1024x128xf32, #tpu.memory_space<vmem>>, vector<1x1024x128xf32>
    %swap3A_36 = vector.shape_cast %swap3A_35 : vector<1x1024x128xf32> to vector<1024x128xf32>
    %swap3A_37 = vector.shape_cast %mul3A_32 : vector<1024x128xf32> to vector<1x1024x128xf32>
    tpu.vector_store %arg3[%swap3A, %swap3A_33, %swap3A_34], %swap3A_37 {strides = array<i32>} : memref<1x1024x128xf32, #tpu.memory_space<vmem>>, vector<1x1024x128xf32>,
    return
  }
  func.func @transform_0(%arg0: i32) -> (i32, i32, i32, i32) {
    %c0_i32 = arith.constant 0 : i32
    %c0_i32_0 = arith.constant 0 : i32
    %c0_i32_1 = arith.constant 0 : i32
    %c0_i32_2 = arith.constant 0 : i32
    return %c0_i32, %c0_i32_0, %arg0, %c0_i32_1 : i32, i32, i32, i32
  }
  func.func @transform_1(%arg0: i32) -> (i32, i32, i32) {
    %c0_i32 = arith.constant 0 : i32
    %c0_i32_0 = arith.constant 0 : i32
    %c0_i32_1 = arith.constant 0 : i32
    return %c0_i32, %arg0, %c0_i32_0 : i32, i32, i32
  }
  func.func @transform_2(%arg0: i32) -> (i32, i32, i32) {
    %c0_i32 = arith.constant 0 : i32
    %c0_i32_0 = arith.constant 0 : i32
    %c0_i32_1 = arith.constant 0 : i32
    return %c0_i32, %arg0, %c0_i32_0 : i32, i32, i32
  }
}

module attributes {stable_mosaic.version = 14 : i64} {
  func.func @_final_body(%arg0: i32, %arg1: memref<2x1x1024x128xf32, #tpu.memory_space<vmem>>, %arg2: memref<2x1024x8xf32, #tpu.memory_space<vmem>>, %arg3: memref<1x40xf32, #tpu.memory_space<vmem>>, %arg4: memref<1024x40xf32, #tpu.memory_space<vmem>>) attributes {dimension_semantics = [#tpu.dimension_semantics<arbitrary>], iteration_bounds = array<i64: 10>, scalar_prefetch = 0 : i64, scratch_operands = 0 : i64, tpu.core_type = #tpu.core_type<tc>, window_params = [{transform_indices = @transform_0, window_bounds = array<i64: 2, 1, 1024, 128>}, {transform_indices = @transform_1, window_bounds = array<i64: 2, 1024, 8>}, {pipeline_mode = #tpu.pipeline_mode<synchronous>, transform_indices = @transform_2, window_bounds = array<i64: 1, 40>}, {transform_indices = @transform_3, window_bounds = array<i64: 1024, 40>}]} {
    %get3A = arith.constant 0 : index
    %get3A_0 = arith.constant 0 : index
    %get3A_1 = arith.constant 0 : index
    %get3A_2 = vector.load %arg2[%get3A, %get3A_0, %get3A_1] : memref<2x1024x8xf32, #tpu.memory_space<vmem>>, vector<1x1024x1xf32>
    %get3A_3 = vector.shape_cast %get3A_2 : vector<1x1024x1xf32> to vector<1024x1xf32>
    %get3A_4 = arith.constant 1 : index
    %get3A_5 = arith.constant 0 : index
    %get3A_6 = arith.constant 0 : index
    %get3A_7 = vector.load %arg2[%get3A_4, %get3A_5, %get3A_6] : memref<2x1024x8xf32, #tpu.memory_space<vmem>>, vector<1x1024x1xf32>
    %get3A_8 = vector.shape_cast %get3A_7 : vector<1x1024x1xf32> to vector<1024x1xf32>
    %add3A = arith.addf %get3A_3, %get3A_8 : vector<1024x1xf32>
    %gt3A = arith.constant 0.000000e+00 : f32
    %gt3A_9 = vector.broadcast %gt3A : f32 to vector<1024x1xf32>
    %gt3A_10 = arith.cmpf ogt, %add3A, %gt3A_9 : vector<1024x1xf32>
    %gt3A_11 = arith.constant 0.000000e+00 : f32
    %gt3A_12 = vector.broadcast %gt3A_11 : f32 to vector<1024x1xf32>
    %gt3A_13 = arith.cmpf ogt, %add3A, %gt3A_12 : vector<1024x1xf32>
    %jit3A = arith.constant 1.000000e+00 : f32
    %broadcast_in_dim3A = vector.broadcast %jit3A : f32 to vector<1024x1xf32>
    %select_n3A = arith.select %gt3A_13, %add3A, %broadcast_in_dim3A : vector<1024x1xi1>, vector<1024x1xf32>
    %div3A = arith.constant 1.000000e+00 : f32
    %div3A_14 = vector.broadcast %div3A : f32 to vector<1024x1xf32>
    %div3A_15 = arith.divf %div3A_14, %select_n3A : vector<1024x1xf32>
    %jit3A_16 = arith.constant 0.000000e+00 : f32
    %broadcast_in_dim3A_17 = vector.broadcast %jit3A_16 : f32 to vector<1024x1xf32>
    %select_n3A_18 = arith.select %gt3A_10, %div3A_15, %broadcast_in_dim3A_17 : vector<1024x1xi1>, vector<1024x1xf32>
    %get3A_19 = arith.constant 0 : index
    %get3A_20 = arith.constant 0 : index
    %get3A_21 = arith.constant 0 : index
    %get3A_22 = arith.constant 0 : index
    %get3A_23 = vector.load %arg1[%get3A_19, %get3A_20, %get3A_21, %get3A_22] : memref<2x1x1024x128xf32, #tpu.memory_space<vmem>>, vector<1x1x1024x128xf32>
    %get3A_24 = vector.shape_cast %get3A_23 : vector<1x1x1024x128xf32> to vector<1024x128xf32>
    %get3A_25 = arith.constant 1 : index
    %get3A_26 = arith.constant 0 : index
    %get3A_27 = arith.constant 0 : index
    %get3A_28 = arith.constant 0 : index
    %get3A_29 = vector.load %arg1[%get3A_25, %get3A_26, %get3A_27, %get3A_28] : memref<2x1x1024x128xf32, #tpu.memory_space<vmem>>, vector<1x1x1024x128xf32>
    %get3A_30 = vector.shape_cast %get3A_29 : vector<1x1x1024x128xf32> to vector<1024x128xf32>
    %add3A_31 = arith.addf %get3A_24, %get3A_30 : vector<1024x128xf32>
    %slice3A = vector.extract_strided_slice %add3A_31 {offsets = [0, 0], sizes = [1024, 40], strides = [1, 1]} : vector<1024x128xf32> to vector<1024x40xf32>
    %mul3A = vector.broadcast %select_n3A_18 : vector<1024x1xf32> to vector<1024x40xf32>
    %mul3A_32 = arith.mulf %slice3A, %mul3A : vector<1024x40xf32>
    %get3A_33 = arith.constant 0 : index
    %get3A_34 = arith.constant 0 : index
    %get3A_35 = vector.load %arg3[%get3A_33, %get3A_34] : memref<1x40xf32, #tpu.memory_space<vmem>>, vector<1x40xf32>
    %add3A_36 = vector.broadcast %get3A_35 : vector<1x40xf32> to vector<1024x40xf32>
    %add3A_37 = arith.addf %mul3A_32, %add3A_36 : vector<1024x40xf32>
    %swap3A = arith.constant 0 : index
    %swap3A_38 = arith.constant 0 : index
    %swap3A_39 = vector.load %arg4[%swap3A, %swap3A_38] : memref<1024x40xf32, #tpu.memory_space<vmem>>, vector<1024x40xf32>
    tpu.vector_store %arg4[%swap3A, %swap3A_38], %add3A_37 {strides = array<i32>} : memref<1024x40xf32, #tpu.memory_space<vmem>>, vector<1024x40xf32>,
    return
  }
  func.func @transform_0(%arg0: i32) -> (i32, i32, i32, i32) {
    %c0_i32 = arith.constant 0 : i32
    %c0_i32_0 = arith.constant 0 : i32
    %c0_i32_1 = arith.constant 0 : i32
    %c0_i32_2 = arith.constant 0 : i32
    return %c0_i32, %c0_i32_0, %arg0, %c0_i32_1 : i32, i32, i32, i32
  }
  func.func @transform_1(%arg0: i32) -> (i32, i32, i32) {
    %c0_i32 = arith.constant 0 : i32
    %c0_i32_0 = arith.constant 0 : i32
    %c0_i32_1 = arith.constant 0 : i32
    return %c0_i32, %arg0, %c0_i32_0 : i32, i32, i32
  }
  func.func @transform_2(%arg0: i32) -> (i32, i32) {
    %c0_i32 = arith.constant 0 : i32
    %c0_i32_0 = arith.constant 0 : i32
    %c0_i32_1 = arith.constant 0 : i32
    return %c0_i32, %c0_i32_0 : i32, i32
  }
  func.func @transform_3(%arg0: i32) -> (i32, i32) {
    %c0_i32 = arith.constant 0 : i32
    %c0_i32_0 = arith.constant 0 : i32
    return %arg0, %c0_i32 : i32, i32
  }
}

</mosaic_0001>

<sc_bundles>
// kernel: kernel.12.cloned.1.call-start
scs
__scs_entry_jumppad:
0x0: {  	(pc) =	sbr.rel $0x88, $3  }
0x1: {  	(tag) =	ssettag $0x0;
	lr =	simm.s32 $0x1  }
0x2: {  	[smem:$0x3F9B] =	sst lr;
	_ =	strace $0xD0000000  }
0x3: {  	_ = 	snop  }
0x4: {  	_ = 	snop  }
0x5: {  	_ = 	snop  }
0x6: {  	_ = 	snop  }
0x7: {  	_ = 	snop  }
__scs_overlays_trampoline_lowered:
0x8: {  	[smem:$0x3FAA] =	sst s0  }
0x9: {  	[smem:$0x3FAB] =	sst s1  }
0xa: {  	[smem:$0x3FAC] =	sst s2  }
0xb: {  	[smem:$0x3FAD] =	sst s3  }
0xc: {  	[smem:$0x3FAE] =	sst s4  }
0xd: {  	[smem:$0x3FAF] =	sst s5  }
0xe: {  	[smem:$0x3FB0] =	sst s6  }
0xf: {  	[smem:$0x3FB1] =	sst s7  }
0x10: {  	[smem:$0x3FB2] =	sst s8  }
0x11: {  	[smem:$0x3FB3] =	sst s9;
	s0 =	simm.s32 @!p0 $0x0  }
0x12: {  	s1 =	sld [smem:$0x3F99];
	s0 =	simm.s32 @p0 $0x1  }
0x13: {  	[smem:$0x3FB4] =	sst s0;
	s0 =	simm.s32 @!p1 $0x0  }
0x14: {  	s2 =	sld [smem:$0x3F98];
	s0 =	simm.s32 @p1 $0x1  }
0x15: {  	[smem:$0x3FB5] =	sst s0;
	s0 =	simm.s32 @!p2 $0x0  }
0x16: {  	s3 =	sld [smem:$0x3FDB];
	s0 =	simm.s32 @p2 $0x1  }
0x17: {  	s4 =	simm.s32 $0x1BF5;
	[smem:$0x3FB7] =	sst s0  }
0x18: {  	s0 =	sld [smem:$0x3F9A];
	_ =	swait.ge [sflag:s4], $0x0  }
0x19: {  	s7 =	sld [smem:$0x3F9B]  }
0x1a: {  	s8 =	sadd.s32 $0xFFFFE003, lr  }
0x1b: {  	s9 =	sadd.s32 $0xFFFFFEF7, lr;
	s5 =	simm.s32 $0xFFFFFFFF;
	p2 =	slt.u32 s8, $0xFFFFF086  }
0x1c: {  	p1 =	slt.u32 s9, $0xF7A;
	s5 =	simm.s32 @!p2 $0x0  }
0x1d: {  	s5 =	simm.s32 @p1 $0x1;
	p0 =	seq.s32 s7, s2  }
0x1e: {  	s7 =	smul.u32 @!p0 $0xF7A, s2;
	p2 =	seq.s32 @!p0 s5, $0x0  }
0x1f: {  	s9 =	smul.u32 $0xF7A, s1;
	s8 =	simm.s32 @!p0 $0x1BF5;
	p2 =	por !p2, p0  }
0x20: {  	[sflag:s8] =	ssyncset.s32 @!p0 $0xFFFFF086;
	s6 =	sadd.s32 @!p0 s3, s7;
	s7 =	simm.s32 @!p0 $0x108  }
0x21: {  	s3 =	sadd.s32 s3, s9;
	s6 =	sadd.s32 @!p0 $0x88, s6;
	s7 =	simm.s32 @p2 $0x1082  }
0x22: {  	[simem:s7], [sflag:s8] =	dma.local @!p0 [hbm:s6], $0xF7A  }
0x23: {  	s9 =	sor.u32 $0xD0000000, s2;
	s6 =	simm.s32 $0x108;
	_ =	swait.ge @!p0 [sflag:s8], $0x0  }
0x24: {  	s3 =	sadd.s32 $0x88, s3;
	s6 =	simm.s32 @!p1 $0x1082;
	[sflag:s4] =	ssyncset.s32 $0xFFFFF086  }
0x25: {  	[simem:s6], [sflag:s4] =	dma.local [hbm:s3], $0xF7A  }
0x26: {  	[smem:$0x3F9B] =	sst s1;
	(tag) =	ssettag s2;
	_ =	strace s9  }
0x27: {  	s1 =	sld [smem:$0x3FAB]  }
0x28: {  	s2 =	sld [smem:$0x3FAC]  }
0x29: {  	s4 =	sld [smem:$0x3FAE]  }
0x2a: {  	p0 =	seq.s32 s5, $0x0;
	s5 =	sld [smem:$0x3FAF]  }
0x2b: {  	s6 =	sld [smem:$0x3FB0]  }
0x2c: {  	s7 =	sld [smem:$0x3FB1]  }
0x2d: {  	s3 =	simm.s32 $0x108;
	s8 =	sld [smem:$0x3FB2]  }
0x2e: {  	s3 =	simm.s32 @!p0 $0x1082;
	s9 =	sld [smem:$0x3FB3]  }
0x2f: {  	lr =	sadd.s32 s0, s3;
	s0 =	sld [smem:$0x3FAA]  }
0x30: {  	s3 =	sld [smem:$0x3FAD]  }
0x31: {  	[smem:$0x3FB6] =	sst s10  }
0x32: {  	s10 =	sld [smem:$0x3FB4];
	_ =	sdelay $0x3  }
0x33: {  	p0 =	seq.s32 s10, $0x1;
	s10 =	sld [smem:$0x3FB6];
	_ =	sdelay $0x3  }
0x34: {  	[smem:$0x3FB6] =	sst s10  }
0x35: {  	s10 =	sld [smem:$0x3FB5];
	_ =	sdelay $0x3  }
0x36: {  	p1 =	seq.s32 s10, $0x1;
	s10 =	sld [smem:$0x3FB6];
	_ =	sdelay $0x3  }
0x37: {  	[smem:$0x3FB6] =	sst s10  }
0x38: {  	s10 =	sld [smem:$0x3FB7]  }
0x39: {  	_ = 	snop;
	(pc) =	sbr.ind lr, $3  }
0x3a: {  	_ = 	snop  }
0x3b: {  	_ = 	snop  }
0x3c: {  	p2 =	seq.s32 s10, $0x1;
	s10 =	sld [smem:$0x3FB6]  }
0x3d: {  	_ =	shalt  }
0x3e: {  	_ =	shalt  }
0x3f: {  	_ =	shalt  }
0x40: {  	_ =	shalt  }
0x41: {  	_ =	shalt  }
0x42: {  	_ =	shalt  }
0x43: {  	_ =	shalt  }
0x44: {  	_ =	shalt  }
0x45: {  	_ =	shalt  }
0x46: {  	_ =	shalt  }
0x47: {  	_ =	shalt  }
0x48: {  	_ =	shalt  }
0x49: {  	_ =	shalt  }
0x4a: {  	_ =	shalt  }
0x4b: {  	_ =	shalt  }
0x4c: {  	_ =	shalt  }
0x4d: {  	_ =	shalt  }
0x4e: {  	_ =	shalt  }
0x4f: {  	_ =	shalt  }
0x50: {  	_ =	shalt  }
0x51: {  	_ =	shalt  }
0x52: {  	_ =	shalt  }
0x53: {  	_ =	shalt  }
0x54: {  	_ =	shalt  }
0x55: {  	_ =	shalt  }
0x56: {  	_ =	shalt  }
0x57: {  	_ =	shalt  }
0x58: {  	_ =	shalt  }
0x59: {  	_ =	shalt  }
0x5a: {  	_ =	shalt  }
0x5b: {  	_ =	shalt  }
0x5c: {  	_ =	shalt  }
0x5d: {  	_ =	shalt  }
0x5e: {  	_ =	shalt  }
0x5f: {  	_ =	shalt  }
0x60: {  	_ =	shalt  }
0x61: {  	_ =	shalt  }
0x62: {  	_ =	shalt  }
0x63: {  	_ =	shalt  }
0x64: {  	_ =	shalt  }
0x65: {  	_ =	shalt  }
0x66: {  	_ =	shalt  }
0x67: {  	_ =	shalt  }
0x68: {  	_ =	shalt  }
0x69: {  	_ =	shalt  }
0x6a: {  	_ =	shalt  }
0x6b: {  	_ =	shalt  }
0x6c: {  	_ =	shalt  }
0x6d: {  	_ =	shalt  }
0x6e: {  	_ =	shalt  }
0x6f: {  	_ =	shalt  }
0x70: {  	_ =	shalt  }
0x71: {  	_ =	shalt  }
0x72: {  	_ =	shalt  }
0x73: {  	_ =	shalt  }
0x74: {  	_ =	shalt  }
0x75: {  	_ =	shalt  }
0x76: {  	_ =	shalt  }
0x77: {  	_ =	shalt  }
0x78: {  	_ =	shalt  }
0x79: {  	_ =	shalt  }
0x7a: {  	_ =	shalt  }
0x7b: {  	_ =	shalt  }
0x7c: {  	_ =	shalt  }
0x7d: {  	_ =	shalt  }
0x7e: {  	_ =	shalt  }
0x7f: {  	_ =	shalt  }
0x80: {  	_ =	shalt  }
0x81: {  	_ =	shalt  }
0x82: {  	_ =	shalt  }
0x83: {  	_ =	shalt  }
0x84: {  	_ =	shalt  }
0x85: {  	_ =	shalt  }
0x86: {  	_ =	shalt  }
0x87: {  	_ =	shalt  }
.Lfunc_end0:
.L_simem_size_0:
called_computation_lowered:
.L_overlay_start_0:
0x88: {  	s2 =	sld [smem:$0x3FD9]  }
0x89: {  	s3 =	sld [smem:$0x3FFE];
	_ =	sdelay $0x1  }
0x8a: {  	s1 =	srdreg.scid  }
0x8b: {  	s0 =	sand.u32 $0x1, s1  }
0x8c: {  	s17 =	sshll.u32 s0, $0xA;
	s2 =	sadd.s32 s3, s2  }
0x8d: {  	s2 =	sadd.s32 s2, s17  }
0x8e: {  	[smem:$0x3FC2] =	sst s2  }
0x8f: {  	_ = 	snop  }
0x90: {  	s2 =	sld [smem:$0x3FD0];
	(tm) =	ssettm $0x1  }
0x91: {  	s18 =	sld [smem:$0x3FFB];
	_ =	sdelay $0x3  }
0x92: {  	_ =	strace s18  }
0x93: {  	s3 =	sld [smem:$0x3FFC];
	_ =	sdelay $0x3  }
0x94: {  	_ =	strace s3  }
0x95: {  	s3 =	sld [smem:$0x3FFD];
	_ =	sdelay $0x3  }
0x96: {  	_ =	strace s3  }
0x97: {  	_ =	strace $0x8FFFFFFF  }
0x98: {  	s19 =	sld [smem:$0x3FDB];
	_ =	sdelay $0x1  }
0x99: {  	s4 =	simm.s32 $_scs_section_size  }
0x9a: {  	s5 =	simm.s32 $_size__tile_overlayer_lowered;
	s6 =	simm.s32 $_tile_overlayer_lowered  }
0x9b: {  	s22 =	simm.s32 $0x1BFF;
	s21 =	sshll.u32 s6, $0x1;
	s3 =	sadd.s32 s4, s19  }
0x9c: {  	s7 =	simm.s32 $0x0;
	s20 =	sshll.u32 s5, $0x1;
	s5 =	sadd.s32 s21, s3  }
0x9d: {  	[timem:s7], [sflag:s22] =	dma.local [hbm:s5], s20  }
0x9e: {  	_ =	swait.ge [sflag:s22], s20  }
0x9f: {  	s4 =	ssub.s32 $0x0, s20;
	[sflag:s22] =	ssyncset.done $0x0  }
0xa0: {  	[sflag:s22] =	ssyncadd.s32 s4;
	_ =	sdelay $0x1  }
0xa1: {  	s23 =	simm.s32 $0x1B8B  }
0xa2: {  	_ =	swait.ge [sflag:s23], $0x1  }
0xa3: {  	[sflag:s23] =	ssyncset.done $0x0  }
0xa4: {  	s25 =	simm.s32 $0x1B8E;
	s24 =	sld [smem:$0x3FFE];
	[sflag:s23] =	ssyncadd.s32 $0xFFFFFFFF  }
0xa5: {  	s26 =	simm.s32 $execute0_lowered;
	[smem:$0x3FD2] =	sst s25  }
0xa6: {  	s5 =	sshll.u32 s26, $0x1;
	_ =	strace $0x80000046;
	[dreg:$0x1] =	wrdreg $0xFFFFFFFF  }
0xa7: {  	s28 =	simm.s32 $_size_execute0_lowered;
	s3 =	sadd.s32 s3, s5;
	[dreg:$0x0] =	wrdreg $0x0  }
0xa8: {  	s5 =	sshll.u32 s28, $0x1;
	[dreg:$0x2] =	wrdreg s3  }
0xa9: {  	[dreg:$0x3] =	wrdreg s5  }
0xaa: {  	[dreg:$0x4] =	wrdreg $0xC0  }
0xab: {  	_ =	task [dreg:s7], $0x5FFFF  }
0xac: {  	[dreg:$0x1] =	wrdreg $0xFFFFFFFF  }
0xad: {  	[dreg:$0x0] =	wrdreg $0x60  }
0xae: {  	[dreg:$0x2] =	wrdreg s24  }
0xaf: {  	[dreg:$0x3] =	wrdreg s2  }
0xb0: {  	[dreg:$0x4] =	wrdreg $0x80800  }
0xb1: {  	[dreg:$0x5] =	wrdreg $0x9  }
0xb2: {  	_ =	task.clear_ibuf [dreg:s7], $0x6FFFF;
	_ =	strace $0x90000046  }
0xb3: {  	s29 =	simm.s32 $0x9;
	_ =	strace $0x80000048  }
0xb4: {  	_ =	swait.ge [sflag:s29], $0x1  }
0xb5: {  	[sflag:s29] =	ssyncadd.s32 $0xFFFFFFFF  }
0xb6: {  	_ =	strace $0x90000048  }
0xb7: {  	_ =	sfence  }
0xb8: {  	s30 =	sld [smem:$0x0];
	_ =	sdelay $0x2  }
0xb9: {  	s31 =	sshll.u32 s1, $0xD;
	s1 =	sshrl.u32 s1, $0x2  }
0xba: {  	s3 =	sand.u32 $0x4000, s31;
	s1 =	sadd.s32 s1, s30  }
0xbb: {  	s0 =	sor.u32 s3, s0;
	s1 =	sshll.u32 s1, $0x11  }
0xbc: {  	s0 =	sor.u32 s1, s0  }
0xbd: {  	s0 =	sadd.s32 $0x8F2B, s0  }
0xbe: {  	[sflag:s0] =	ssyncadd.remote.s32 $0x1  }
0xbf: {  	_ =	sfence.sel $0xFFFF  }
0xc0: {  	[dreg:$0x0] =	wrdreg $0xFFFFFFFF;
	(pc) =	sbr.abs _section_cstart, $3  }
0xc1: {  	[dreg:$0x1] =	wrdreg $0xFFFFFFFF  }
0xc2: {  	_ =	task.clear_ibuf [dreg:s7], $0x2FFFF;
	_ =	strace $0x9FFFFFFF  }
0xc3: {  	(tm) =	ssettm $0x7FFFFFFF  }
tec
execute0_lowered:
.L_overlay_start_1:
0x0: {  	(tag) =	ssettag $0x1  }
0x1: {  	s7 =	rddreg [dreg:$0x0]  }
0x2: {  	s14 =	rddreg [dreg:$0x1];
	s0 =	srdreg.scid  }
0x3: {  	s1 =	rddreg [dreg:$0x2];
	s2 =	stileid.u32  }
0x4: {  	s3 =	simm.s32 $0x0;
	s18 =	simm.s32 $0x4080;
	s9 =	smul.u32 $0x14000, s2  }
0x5: {  	s6 =	sand.u32 $0x1, s0;
	s0 =	rddreg [dreg:$0x3];
	s10 =	smul.u32 $0x50000, s2  }
0x6: {  	s21 =	simm.s32 $0x0;
	[smem:$0x7FF] =	sst s3;
	s17 =	smul.u32 $0x280, s2  }
0x7: {  	s4 =	sadd.s32 $0x8C00, s7;
	s5 =	sadd.s32 $0x8400, s7;
	s15 =	smul.u32 $0x2800, s6  }
0x8: {  	s19 =	sshll.u32 s2, $0x6;
	s8 =	smul.u32 $0x140000, s6;
	_ =	strace $0x80000047  }
0x9: {  	s29 =	ssub.s32 $0x2, s6;
	s19 =	sor.u32 $0x1C01, s19;
	s30 =	sshrl.u32 s10, $0x2  }
0xa: {  	s31 =	sshrl.u32 s29, $0x1;
	s16 =	sadd.s32 s15, s7;
	s8 =	sadd.s32 s9, s8  }
0xb: {  	s6 =	sadd.s32 s30, s1;
	s13 =	ssub.s32 s29, s31;
	s15 =	sadd.s32 s15, s14  }
0xc: {  	s8 =	sshrl.u32 s8, $0x3;
	s9 =	sadd.s32 $0xC000, s6;
	s10 =	sadd.s32 $0x10000, s6  }
0xd: {  	s13 =	smax.u32 s13, $0x1;
	s16 =	sadd.s32 s17, s16;
	s15 =	sadd.s32 s17, s15  }
0xe: {  	s17 =	simm.s32 $0x1;
	s20 =	sshrl.u32 s6, $0x3;
	s12 =	sadd.s32 s8, s7  }
0xf: {  	s7 =	sadd.s32 $0x4000, s6;
	s8 =	sadd.s32 $0x8000, s6;
	s14 =	sadd.s32 $0x3400, s16  }
0x10: {  	s16 =	simm.s32 $0x80;
	s11 =	sadd.s32 $0x59400, s12;
	s12 =	sadd.s32 $0x9400, s12  }
.LBB2_1:
0x11: {  	[tilespmem:s16], [sflag:$0x1] =	stream.linear.gather [hbm4b:s4+s3], $0x4000, $0x38;
	[tilespmem:$0x1C080] =	vst v63  }
0x12: {  	_ =	swait.ge [sflag:s17], $0x4000  }
0x13: {  	[sflag:s17] =	ssyncset.done $0x0  }
0x14: {  	[sflag:s17] =	ssyncadd.s32 $0xFFFFC000  }
0x15: {  	[tilespmem:s18], [sflag:$0x1] =	stream.linear.gather [hbm4b:s5+s3], $0x4000, $0x38;
	[tilespmem:$0x1C080] =	vst v63  }
0x16: {  	_ =	swait.ge [sflag:s17], $0x4000  }
0x17: {  	[sflag:s17] =	ssyncset.done $0x0  }
0x18: {  	[sflag:s17] =	ssyncadd.s32 $0xFFFFC000  }
0x19: {  	[spmem:s6] =	stream.linear.scatter [tilespmem:s18], [sflag:$0x1], $0x4000, $0x38;
	[tilespmem:$0x1C080] =	vst v63  }
0x1a: {  	_ =	swait.ge [sflag:s17], $0x4000  }
0x1b: {  	[sflag:s17] =	ssyncset.done $0x0  }
0x1c: {  	[sflag:s17] =	ssyncadd.s32 $0xFFFFC000  }
0x1d: {  	[spmem:s7] =	stream.linear.scatter [tilespmem:s18], [sflag:$0x1], $0x4000, $0x38;
	[tilespmem:$0x1C080] =	vst v63  }
0x1e: {  	_ =	swait.ge [sflag:s17], $0x4000  }
0x1f: {  	[sflag:s17] =	ssyncset.done $0x0  }
0x20: {  	[sflag:s17] =	ssyncadd.s32 $0xFFFFC000  }
0x21: {  	[spmem:s8] =	stream.linear.scatter [tilespmem:s18], [sflag:$0x1], $0x4000, $0x38;
	[tilespmem:$0x1C080] =	vst v63  }
0x22: {  	_ =	swait.ge [sflag:s17], $0x4000  }
0x23: {  	[sflag:s17] =	ssyncset.done $0x0  }
0x24: {  	[sflag:s17] =	ssyncadd.s32 $0xFFFFC000  }
0x25: {  	[spmem:s9] =	stream.linear.scatter [tilespmem:s18], [sflag:$0x1], $0x4000, $0x38;
	[tilespmem:$0x1C080] =	vst v63  }
0x26: {  	_ =	swait.ge [sflag:s17], $0x4000  }
0x27: {  	[sflag:s17] =	ssyncset.done $0x0  }
0x28: {  	[sflag:s17] =	ssyncadd.s32 $0xFFFFC000  }
0x29: {  	[spmem:s10] =	stream.linear.scatter [tilespmem:s18], [sflag:$0x1], $0x4000, $0x38;
	[tilespmem:$0x1C080] =	vst v63  }
0x2a: {  	_ =	swait.ge [sflag:s17], $0x4000  }
0x2b: {  	[sflag:s17] =	ssyncset.done $0x0  }
0x2c: {  	[sflag:s17] =	ssyncadd.s32 $0xFFFFC000  }
0x2d: {  	s22 =	sadd.s32 $0x0, s14;
	[bflag:$0x0] =	sbarrier.arrive $0xFFFF  }
0x2e: {  	[tilespmem:s3], [sflag:$0x1] =	stream.linear.gather [hbm4b:s22+s3], $0x80, $0x38;
	[tilespmem:$0x1C080] =	vst v63  }
0x2f: {  	_ =	swait.ge [sflag:s17], $0x80  }
0x30: {  	[sflag:s17] =	ssyncset.done $0x0  }
0x31: {  	[sflag:s17] =	ssyncadd.s32 $0xFFFFFF80  }
0x32: {  	[spmem:s1] =	stream.indirect.scatter.add.f32 [tilespmem:s16], [sflag:$0x1], $0x80, s3, s16, $0xb8;
	[tilespmem:$0x1C080] =	vst v63  }
0x33: {  	_ =	swait.ge [sflag:s17], $0x4000  }
0x34: {  	s23 =	simm.s32 $0x20;
	s22 =	simm.s32 $0x10;
	[sflag:s17] =	ssyncset.done $0x0  }
.LBB2_2:
0x35: {  	s24 =	sadd.s32 s22, s14  }
0x36: {  	[sflag:s17] =	ssyncadd.s32 $0xFFFFC000;
	s22 =	smov.u32 s23;
	s25 =	sadd.s32 $0x10, s23  }
0x37: {  	[tilespmem:s3], [sflag:$0x1] =	stream.linear.gather [hbm4b:s24+s3], $0x80, $0x38;
	[tilespmem:$0x1C080] =	vst v63  }
0x38: {  	p0 =	sne.s32 s23, $0x270;
	_ =	swait.ge [sflag:s17], $0x80  }
.Ltmp0:
0x39: {  	[sflag:s17] =	ssyncset.done $0x0;
	(pc) =	sbr.rel @p0 .LBB2_2-.Ltmp0, $4  }
0x3a: {  	[sflag:s17] =	ssyncadd.s32 $0xFFFFFF80  }
0x3b: {  	[spmem:s1] =	stream.indirect.scatter.add.f32 [tilespmem:s16], [sflag:$0x1], $0x80, s3, s16, $0xb8;
	[tilespmem:$0x1C080] =	vst v63  }
0x3c: {  	_ =	swait.ge [sflag:s17], $0x4000  }
0x3d: {  	s23 =	smov.u32 s25;
	[sflag:s17] =	ssyncset.done $0x0  }
0x3e: {  	s22 =	sadd.s32 s22, s14;
	[sflag:s17] =	ssyncadd.s32 $0xFFFFC000  }
0x3f: {  	[tilespmem:s3], [sflag:$0x1] =	stream.linear.gather [hbm4b:s22+s3], $0x80, $0x38;
	[tilespmem:$0x1C080] =	vst v63  }
0x40: {  	_ =	swait.ge [sflag:s17], $0x80  }
0x41: {  	[sflag:s17] =	ssyncset.done $0x0  }
0x42: {  	[sflag:s17] =	ssyncadd.s32 $0xFFFFFF80  }
0x43: {  	[spmem:s1] =	stream.indirect.scatter.add.f32 [tilespmem:s16], [sflag:$0x1], $0x80, s3, s16, $0xb8;
	[tilespmem:$0x1C080] =	vst v63  }
0x44: {  	_ =	swait.ge [sflag:s17], $0x4000  }
0x45: {  	[sflag:s17] =	ssyncset.done $0x0  }
0x46: {  	[sflag:s17] =	ssyncadd.s32 $0xFFFFC000  }
0x47: {  	[bflag:$0x0] =	sbarrier.arrive $0xFFFF  }
0x48: {  	[hbm:s11], [sflag:s19] =	dma.local [spmem:s20], $0x2800  }
0x49: {  	_ =	swait.ge [sflag:s17], $0x2800  }
0x4a: {  	[sflag:s17] =	ssyncset.done $0x0  }
0x4b: {  	[sflag:s17] =	ssyncadd.s32 $0xFFFFD800  }
0x4c: {  	[bflag:$0x0] =	sbarrier.arrive $0xFFFF  }
0x4d: {  	[spmem:s6] =	stream.linear.scatter [tilespmem:s18], [sflag:$0x1], $0x4000, $0x38;
	[tilespmem:$0x1C080] =	vst v63  }
0x4e: {  	_ =	swait.ge [sflag:s17], $0x4000  }
0x4f: {  	[sflag:s17] =	ssyncset.done $0x0  }
0x50: {  	[sflag:s17] =	ssyncadd.s32 $0xFFFFC000  }
0x51: {  	[spmem:s7] =	stream.linear.scatter [tilespmem:s18], [sflag:$0x1], $0x4000, $0x38;
	[tilespmem:$0x1C080] =	vst v63  }
0x52: {  	_ =	swait.ge [sflag:s17], $0x4000  }
0x53: {  	[sflag:s17] =	ssyncset.done $0x0  }
0x54: {  	[sflag:s17] =	ssyncadd.s32 $0xFFFFC000  }
0x55: {  	[spmem:s8] =	stream.linear.scatter [tilespmem:s18], [sflag:$0x1], $0x4000, $0x38;
	[tilespmem:$0x1C080] =	vst v63  }
0x56: {  	_ =	swait.ge [sflag:s17], $0x4000  }
0x57: {  	[sflag:s17] =	ssyncset.done $0x0  }
0x58: {  	[sflag:s17] =	ssyncadd.s32 $0xFFFFC000  }
0x59: {  	[spmem:s9] =	stream.linear.scatter [tilespmem:s18], [sflag:$0x1], $0x4000, $0x38;
	[tilespmem:$0x1C080] =	vst v63  }
0x5a: {  	_ =	swait.ge [sflag:s17], $0x4000  }
0x5b: {  	[sflag:s17] =	ssyncset.done $0x0  }
0x5c: {  	[sflag:s17] =	ssyncadd.s32 $0xFFFFC000  }
0x5d: {  	[spmem:s10] =	stream.linear.scatter [tilespmem:s18], [sflag:$0x1], $0x4000, $0x38;
	[tilespmem:$0x1C080] =	vst v63  }
0x5e: {  	_ =	swait.ge [sflag:s17], $0x4000  }
0x5f: {  	[sflag:s17] =	ssyncset.done $0x0  }
0x60: {  	[sflag:s17] =	ssyncadd.s32 $0xFFFFC000  }
0x61: {  	s31 =	sadd.s32 $0x0, s15;
	[bflag:$0x0] =	sbarrier.arrive $0xFFFF  }
0x62: {  	[tilespmem:s3], [sflag:$0x1] =	stream.linear.gather [hbm4b:s31+s3], $0x80, $0x38;
	[tilespmem:$0x1C080] =	vst v63  }
0x63: {  	_ =	swait.ge [sflag:s17], $0x80  }
0x64: {  	[sflag:s17] =	ssyncset.done $0x0  }
0x65: {  	[sflag:s17] =	ssyncadd.s32 $0xFFFFFF80  }
0x66: {  	[spmem:s1] =	stream.indirect.scatter.add.f32 [tilespmem:s16], [sflag:$0x1], $0x80, s3, s16, $0xb8;
	[tilespmem:$0x1C080] =	vst v63  }
0x67: {  	_ =	swait.ge [sflag:s17], $0x4000  }
0x68: {  	s23 =	simm.s32 $0x20;
	s22 =	simm.s32 $0x10;
	[sflag:s17] =	ssyncset.done $0x0  }
.LBB2_4:
0x69: {  	s24 =	sadd.s32 s22, s15  }
0x6a: {  	[sflag:s17] =	ssyncadd.s32 $0xFFFFC000;
	s22 =	smov.u32 s23;
	s25 =	sadd.s32 $0x10, s23  }
0x6b: {  	[tilespmem:s3], [sflag:$0x1] =	stream.linear.gather [hbm4b:s24+s3], $0x80, $0x38;
	[tilespmem:$0x1C080] =	vst v63  }
0x6c: {  	p0 =	sne.s32 s23, $0x270;
	_ =	swait.ge [sflag:s17], $0x80  }
.Ltmp1:
0x6d: {  	[sflag:s17] =	ssyncset.done $0x0;
	(pc) =	sbr.rel @p0 .LBB2_4-.Ltmp1, $4  }
0x6e: {  	[sflag:s17] =	ssyncadd.s32 $0xFFFFFF80  }
0x6f: {  	[spmem:s1] =	stream.indirect.scatter.add.f32 [tilespmem:s16], [sflag:$0x1], $0x80, s3, s16, $0xb8;
	[tilespmem:$0x1C080] =	vst v63  }
0x70: {  	_ =	swait.ge [sflag:s17], $0x4000  }
0x71: {  	s23 =	smov.u32 s25;
	[sflag:s17] =	ssyncset.done $0x0  }
0x72: {  	s22 =	sadd.s32 s22, s15;
	[sflag:s17] =	ssyncadd.s32 $0xFFFFC000  }
0x73: {  	[tilespmem:s3], [sflag:$0x1] =	stream.linear.gather [hbm4b:s22+s3], $0x80, $0x38;
	[tilespmem:$0x1C080] =	vst v63  }
0x74: {  	_ =	swait.ge [sflag:s17], $0x80  }
0x75: {  	[sflag:s17] =	ssyncset.done $0x0  }
0x76: {  	[sflag:s17] =	ssyncadd.s32 $0xFFFFFF80  }
0x77: {  	[spmem:s1] =	stream.indirect.scatter.add.f32 [tilespmem:s16], [sflag:$0x1], $0x80, s3, s16, $0xb8;
	[tilespmem:$0x1C080] =	vst v63  }
0x78: {  	_ =	swait.ge [sflag:s17], $0x4000  }
0x79: {  	[sflag:s17] =	ssyncset.done $0x0  }
0x7a: {  	s21 =	sadd.s32 $0x1, s21;
	[sflag:s17] =	ssyncadd.s32 $0xFFFFC000  }
0x7b: {  	p0 =	sne.s32 s21, s13;
	[bflag:$0x0] =	sbarrier.arrive $0xFFFF  }
0x7c: {  	[hbm:s12], [sflag:s19] =	dma.local [spmem:s20], $0x2800  }
.Ltmp2:
0x7d: {  	_ =	swait.ge [sflag:s17], $0x2800;
	(pc) =	sbr.rel @p0 .LBB2_1-.Ltmp2, $3  }
0x7e: {  	[sflag:s17] =	ssyncset.done $0x0  }
0x7f: {  	[sflag:s17] =	ssyncadd.s32 $0xFFFFD800  }
0x80: {  	[bflag:$0x0] =	sbarrier.arrive $0xFFFF;
	_ =	sdelay $0x1  }
0x81: {  	_ =	sfence.sel $0x180000  }
0x82: {  	[bflag:$0x0] =	sbarrier.arrive $0xFFFF  }
0x83: {  	p0 =	sne.s32 s2, $0x0;
	_ =	strace $0x90000047  }
0x84: {  	s0 =	sadd.s32 @!p0 $0x100000, s0;
	[bflag:$0x2] =	sbarrier.arrive $0xFFFF  }
0x85: {  	[sflag:s0] =	ssyncadd.tile.s32 @!p0 $0x1;
	_ =	shalt  }
.Lfunc_end2:
_tile_overlayer_lowered:
.L_overlay_start_2:
0x86: {  	(tag) =	ssettag $0x2  }
0x87: {  	s0 =	rddreg [dreg:$0x0];
	s2 =	stileid.u32  }
0x88: {  	s1 =	rddreg [dreg:$0x1];
	p0 =	sne.s32 s2, $0x0  }
0x89: {  	s3 =	rddreg [dreg:$0x2];
	[bflag:$0x3] =	sbarrier.arrive $0xFFFF;
	s2 =	simm.s32 @!p0 $0x1C01  }
0x8a: {  	[timem:s3], [sflag:s2] =	dma.local @!p0 [hbm:s0], s1  }
0x8b: {  	s0 =	simm.s32 @!p0 $0x1  }
0x8c: {  	_ =	swait.ge @!p0 [sflag:s0], s1  }
0x8d: {  	s1 =	ssub.s32 @!p0 $0x0, s1;
	[sflag:s0] =	ssyncset.done @!p0 $0x0  }
0x8e: {  	[sflag:s0] =	ssyncadd.s32 @!p0 s1  }
0x8f: {  	[bflag:$0x3] =	sbarrier.arrive $0xFFFF  }
0x90: {  	_ =	shalt  }

// kernel: kernel.15.cloned.1.call-start
scs
__scs_entry_jumppad:
0x0: {  	(pc) =	sbr.rel $0x88, $3  }
0x1: {  	(tag) =	ssettag $0x0;
	lr =	simm.s32 $0x1  }
0x2: {  	[smem:$0x3F9B] =	sst lr;
	_ =	strace $0xD0000000  }
0x3: {  	_ = 	snop  }
0x4: {  	_ = 	snop  }
0x5: {  	_ = 	snop  }
0x6: {  	_ = 	snop  }
0x7: {  	_ = 	snop  }
__scs_overlays_trampoline_lowered:
0x8: {  	[smem:$0x3FAA] =	sst s0  }
0x9: {  	[smem:$0x3FAB] =	sst s1  }
0xa: {  	[smem:$0x3FAC] =	sst s2  }
0xb: {  	[smem:$0x3FAD] =	sst s3  }
0xc: {  	[smem:$0x3FAE] =	sst s4  }
0xd: {  	[smem:$0x3FAF] =	sst s5  }
0xe: {  	[smem:$0x3FB0] =	sst s6  }
0xf: {  	[smem:$0x3FB1] =	sst s7  }
0x10: {  	[smem:$0x3FB2] =	sst s8  }
0x11: {  	[smem:$0x3FB3] =	sst s9;
	s0 =	simm.s32 @!p0 $0x0  }
0x12: {  	s1 =	sld [smem:$0x3F99];
	s0 =	simm.s32 @p0 $0x1  }
0x13: {  	[smem:$0x3FB4] =	sst s0;
	s0 =	simm.s32 @!p1 $0x0  }
0x14: {  	s2 =	sld [smem:$0x3F98];
	s0 =	simm.s32 @p1 $0x1  }
0x15: {  	[smem:$0x3FB5] =	sst s0;
	s0 =	simm.s32 @!p2 $0x0  }
0x16: {  	s3 =	sld [smem:$0x3FDB];
	s0 =	simm.s32 @p2 $0x1  }
0x17: {  	s4 =	simm.s32 $0x1BF5;
	[smem:$0x3FB7] =	sst s0  }
0x18: {  	s0 =	sld [smem:$0x3F9A];
	_ =	swait.ge [sflag:s4], $0x0  }
0x19: {  	s7 =	sld [smem:$0x3F9B]  }
0x1a: {  	s8 =	sadd.s32 $0xFFFFE003, lr  }
0x1b: {  	s9 =	sadd.s32 $0xFFFFFEF7, lr;
	s5 =	simm.s32 $0xFFFFFFFF;
	p2 =	slt.u32 s8, $0xFFFFF086  }
0x1c: {  	p1 =	slt.u32 s9, $0xF7A;
	s5 =	simm.s32 @!p2 $0x0  }
0x1d: {  	s5 =	simm.s32 @p1 $0x1;
	p0 =	seq.s32 s7, s2  }
0x1e: {  	s7 =	smul.u32 @!p0 $0xF7A, s2;
	p2 =	seq.s32 @!p0 s5, $0x0  }
0x1f: {  	s9 =	smul.u32 $0xF7A, s1;
	s8 =	simm.s32 @!p0 $0x1BF5;
	p2 =	por !p2, p0  }
0x20: {  	[sflag:s8] =	ssyncset.s32 @!p0 $0xFFFFF086;
	s6 =	sadd.s32 @!p0 s3, s7;
	s7 =	simm.s32 @!p0 $0x108  }
0x21: {  	s3 =	sadd.s32 s3, s9;
	s6 =	sadd.s32 @!p0 $0x88, s6;
	s7 =	simm.s32 @p2 $0x1082  }
0x22: {  	[simem:s7], [sflag:s8] =	dma.local @!p0 [hbm:s6], $0xF7A  }
0x23: {  	s9 =	sor.u32 $0xD0000000, s2;
	s6 =	simm.s32 $0x108;
	_ =	swait.ge @!p0 [sflag:s8], $0x0  }
0x24: {  	s3 =	sadd.s32 $0x88, s3;
	s6 =	simm.s32 @!p1 $0x1082;
	[sflag:s4] =	ssyncset.s32 $0xFFFFF086  }
0x25: {  	[simem:s6], [sflag:s4] =	dma.local [hbm:s3], $0xF7A  }
0x26: {  	[smem:$0x3F9B] =	sst s1;
	(tag) =	ssettag s2;
	_ =	strace s9  }
0x27: {  	s1 =	sld [smem:$0x3FAB]  }
0x28: {  	s2 =	sld [smem:$0x3FAC]  }
0x29: {  	s4 =	sld [smem:$0x3FAE]  }
0x2a: {  	p0 =	seq.s32 s5, $0x0;
	s5 =	sld [smem:$0x3FAF]  }
0x2b: {  	s6 =	sld [smem:$0x3FB0]  }
0x2c: {  	s7 =	sld [smem:$0x3FB1]  }
0x2d: {  	s3 =	simm.s32 $0x108;
	s8 =	sld [smem:$0x3FB2]  }
0x2e: {  	s3 =	simm.s32 @!p0 $0x1082;
	s9 =	sld [smem:$0x3FB3]  }
0x2f: {  	lr =	sadd.s32 s0, s3;
	s0 =	sld [smem:$0x3FAA]  }
0x30: {  	s3 =	sld [smem:$0x3FAD]  }
0x31: {  	[smem:$0x3FB6] =	sst s10  }
0x32: {  	s10 =	sld [smem:$0x3FB4];
	_ =	sdelay $0x3  }
0x33: {  	p0 =	seq.s32 s10, $0x1;
	s10 =	sld [smem:$0x3FB6];
	_ =	sdelay $0x3  }
0x34: {  	[smem:$0x3FB6] =	sst s10  }
0x35: {  	s10 =	sld [smem:$0x3FB5];
	_ =	sdelay $0x3  }
0x36: {  	p1 =	seq.s32 s10, $0x1;
	s10 =	sld [smem:$0x3FB6];
	_ =	sdelay $0x3  }
0x37: {  	[smem:$0x3FB6] =	sst s10  }
0x38: {  	s10 =	sld [smem:$0x3FB7]  }
0x39: {  	_ = 	snop;
	(pc) =	sbr.ind lr, $3  }
0x3a: {  	_ = 	snop  }
0x3b: {  	_ = 	snop  }
0x3c: {  	p2 =	seq.s32 s10, $0x1;
	s10 =	sld [smem:$0x3FB6]  }
0x3d: {  	_ =	shalt  }
0x3e: {  	_ =	shalt  }
0x3f: {  	_ =	shalt  }
0x40: {  	_ =	shalt  }
0x41: {  	_ =	shalt  }
0x42: {  	_ =	shalt  }
0x43: {  	_ =	shalt  }
0x44: {  	_ =	shalt  }
0x45: {  	_ =	shalt  }
0x46: {  	_ =	shalt  }
0x47: {  	_ =	shalt  }
0x48: {  	_ =	shalt  }
0x49: {  	_ =	shalt  }
0x4a: {  	_ =	shalt  }
0x4b: {  	_ =	shalt  }
0x4c: {  	_ =	shalt  }
0x4d: {  	_ =	shalt  }
0x4e: {  	_ =	shalt  }
0x4f: {  	_ =	shalt  }
0x50: {  	_ =	shalt  }
0x51: {  	_ =	shalt  }
0x52: {  	_ =	shalt  }
0x53: {  	_ =	shalt  }
0x54: {  	_ =	shalt  }
0x55: {  	_ =	shalt  }
0x56: {  	_ =	shalt  }
0x57: {  	_ =	shalt  }
0x58: {  	_ =	shalt  }
0x59: {  	_ =	shalt  }
0x5a: {  	_ =	shalt  }
0x5b: {  	_ =	shalt  }
0x5c: {  	_ =	shalt  }
0x5d: {  	_ =	shalt  }
0x5e: {  	_ =	shalt  }
0x5f: {  	_ =	shalt  }
0x60: {  	_ =	shalt  }
0x61: {  	_ =	shalt  }
0x62: {  	_ =	shalt  }
0x63: {  	_ =	shalt  }
0x64: {  	_ =	shalt  }
0x65: {  	_ =	shalt  }
0x66: {  	_ =	shalt  }
0x67: {  	_ =	shalt  }
0x68: {  	_ =	shalt  }
0x69: {  	_ =	shalt  }
0x6a: {  	_ =	shalt  }
0x6b: {  	_ =	shalt  }
0x6c: {  	_ =	shalt  }
0x6d: {  	_ =	shalt  }
0x6e: {  	_ =	shalt  }
0x6f: {  	_ =	shalt  }
0x70: {  	_ =	shalt  }
0x71: {  	_ =	shalt  }
0x72: {  	_ =	shalt  }
0x73: {  	_ =	shalt  }
0x74: {  	_ =	shalt  }
0x75: {  	_ =	shalt  }
0x76: {  	_ =	shalt  }
0x77: {  	_ =	shalt  }
0x78: {  	_ =	shalt  }
0x79: {  	_ =	shalt  }
0x7a: {  	_ =	shalt  }
0x7b: {  	_ =	shalt  }
0x7c: {  	_ =	shalt  }
0x7d: {  	_ =	shalt  }
0x7e: {  	_ =	shalt  }
0x7f: {  	_ =	shalt  }
0x80: {  	_ =	shalt  }
0x81: {  	_ =	shalt  }
0x82: {  	_ =	shalt  }
0x83: {  	_ =	shalt  }
0x84: {  	_ =	shalt  }
0x85: {  	_ =	shalt  }
0x86: {  	_ =	shalt  }
0x87: {  	_ =	shalt  }
.Lfunc_end0:
.L_simem_size_0:
called_computation.1_lowered:
.L_overlay_start_0:
0x88: {  	s2 =	sld [smem:$0x3FD9]  }
0x89: {  	s3 =	sld [smem:$0x3FFE];
	_ =	sdelay $0x1  }
0x8a: {  	s1 =	srdreg.scid  }
0x8b: {  	s0 =	sand.u32 $0x1, s1  }
0x8c: {  	s17 =	sshll.u32 s0, $0xA;
	s2 =	sadd.s32 s3, s2  }
0x8d: {  	s2 =	sadd.s32 s2, s17  }
0x8e: {  	[smem:$0x3FC2] =	sst s2  }
0x8f: {  	_ = 	snop  }
0x90: {  	s18 =	sld [smem:$0x3FD0];
	(tm) =	ssettm $0x1  }
0x91: {  	s19 =	sld [smem:$0x3FFB];
	_ =	sdelay $0x3  }
0x92: {  	_ =	strace s19  }
0x93: {  	s2 =	sld [smem:$0x3FFC];
	_ =	sdelay $0x3  }
0x94: {  	_ =	strace s2  }
0x95: {  	s2 =	sld [smem:$0x3FFD];
	_ =	sdelay $0x3  }
0x96: {  	_ =	strace s2  }
0x97: {  	_ =	strace $0x8FFFFFFF  }
0x98: {  	s20 =	sld [smem:$0x3FDB];
	_ =	sdelay $0x1  }
0x99: {  	s4 =	simm.s32 $_scs_section_size  }
0x9a: {  	s5 =	simm.s32 $_size__tile_overlayer_lowered;
	s6 =	simm.s32 $_tile_overlayer_lowered  }
0x9b: {  	s7 =	simm.s32 $0x1BFF;
	s21 =	sshll.u32 s6, $0x1;
	s4 =	sadd.s32 s4, s20  }
0x9c: {  	s22 =	simm.s32 $0x0;
	s5 =	sshll.u32 s5, $0x1;
	s6 =	sadd.s32 s21, s4  }
0x9d: {  	[timem:s22], [sflag:s7] =	dma.local [hbm:s6], s5  }
0x9e: {  	_ =	swait.ge [sflag:s7], s5  }
0x9f: {  	s5 =	ssub.s32 $0x0, s5;
	[sflag:s7] =	ssyncset.done $0x0  }
0xa0: {  	[sflag:s7] =	ssyncadd.s32 s5;
	_ =	sdelay $0x1  }
0xa1: {  	s23 =	simm.s32 $0x1B8B  }
0xa2: {  	_ =	swait.ge [sflag:s23], $0x1  }
0xa3: {  	[sflag:s23] =	ssyncset.done $0x0  }
0xa4: {  	[sflag:s23] =	ssyncadd.s32 $0xFFFFFFFF  }
0xa5: {  	s5 =	sld [smem:$0x0]  }
0xa6: {  	s6 =	sand.u32 $0xFFFFFFFE, s1  }
0xa7: {  	p0 =	sne.s32 s1, s6  }
0xa8: {  	s6 =	sshll.u32 @p0 s6, $0xE  }
0xa9: {  	s6 =	sadd.s32 @p0 $0x11B8D, s6;
	s7 =	sshll.u32 @p0 s5, $0x11  }
0xaa: {  	s6 =	sor.u32 @p0 s7, s6  }
0xab: {  	[sflag:s6] =	ssyncadd.remote.s32 @p0 $0x1;
	_ =	sdelay $0x1  }
0xac: {  	s6 =	simm.s32 @p0 $0x1B8D  }
0xad: {  	_ =	swait.eq @p0 [sflag:s6], $0x1  }
0xae: {  	[sflag:s6] =	ssyncadd.s32 @p0 $0xFFFFFFFF  }
0xaf: {  	s7 =	sshll.u32 @!p0 s1, $0xE  }
0xb0: {  	s7 =	sor.u32 @!p0 $0x4000, s7;
	s6 =	simm.s32 @!p0 $0x1B8D  }
0xb1: {  	s5 =	sshll.u32 @!p0 s5, $0x11;
	s7 =	sadd.s32 @!p0 $0x11B8D, s7;
	_ =	swait.eq @!p0 [sflag:s6], $0x1  }
0xb2: {  	s5 =	sor.u32 @!p0 s5, s7;
	[sflag:s6] =	ssyncadd.s32 @!p0 $0xFFFFFFFF  }
0xb3: {  	s25 =	simm.s32 $0x1B8E;
	s24 =	sld [smem:$0x3FFE];
	[sflag:s5] =	ssyncadd.remote.s32 @!p0 $0x1  }
0xb4: {  	s26 =	simm.s32 $execute0_lowered;
	[smem:$0x3FD2] =	sst s25  }
0xb5: {  	s6 =	sshll.u32 s26, $0x1;
	_ =	strace $0x80000049;
	[dreg:$0x1] =	wrdreg $0xFFFFFFFF  }
0xb6: {  	s28 =	simm.s32 $_size_execute0_lowered;
	s4 =	sadd.s32 s4, s6;
	[dreg:$0x0] =	wrdreg $0x0  }
0xb7: {  	s6 =	sshll.u32 s28, $0x1;
	[dreg:$0x2] =	wrdreg s4  }
0xb8: {  	[dreg:$0x3] =	wrdreg s6  }
0xb9: {  	[dreg:$0x4] =	wrdreg $0xC0  }
0xba: {  	_ =	task [dreg:s22], $0x5FFFF  }
0xbb: {  	[dreg:$0x1] =	wrdreg $0xFFFFFFFF  }
0xbc: {  	[dreg:$0x0] =	wrdreg $0x60  }
0xbd: {  	[dreg:$0x2] =	wrdreg s24  }
0xbe: {  	[dreg:$0x3] =	wrdreg s18  }
0xbf: {  	[dreg:$0x4] =	wrdreg $0x81000  }
0xc0: {  	[dreg:$0x5] =	wrdreg $0xA  }
0xc1: {  	_ =	task.clear_ibuf [dreg:s22], $0x6FFFF;
	_ =	strace $0x90000049  }
0xc2: {  	s29 =	simm.s32 $0xA;
	_ =	strace $0x8000004B  }
0xc3: {  	_ =	swait.ge [sflag:s29], $0x1  }
0xc4: {  	[sflag:s29] =	ssyncadd.s32 $0xFFFFFFFF  }
0xc5: {  	_ =	strace $0x9000004B  }
0xc6: {  	_ =	sfence  }
0xc7: {  	s30 =	sld [smem:$0x0];
	_ =	sdelay $0x2  }
0xc8: {  	s31 =	sshll.u32 s1, $0xD;
	s1 =	sshrl.u32 s1, $0x2  }
0xc9: {  	s4 =	sand.u32 $0x4000, s31;
	s1 =	sadd.s32 s1, s30  }
0xca: {  	s0 =	sor.u32 s4, s0;
	s1 =	sshll.u32 s1, $0x11  }
0xcb: {  	s0 =	sor.u32 s1, s0  }
0xcc: {  	s0 =	sadd.s32 $0x8F2B, s0  }
0xcd: {  	[sflag:s0] =	ssyncadd.remote.s32 $0x1  }
0xce: {  	_ =	sfence.sel $0xFFFF  }
0xcf: {  	[dreg:$0x0] =	wrdreg $0xFFFFFFFF;
	(pc) =	sbr.abs _section_cstart, $3  }
0xd0: {  	[dreg:$0x1] =	wrdreg $0xFFFFFFFF  }
0xd1: {  	_ =	task.clear_ibuf [dreg:s22], $0x2FFFF;
	_ =	strace $0x9FFFFFFF  }
0xd2: {  	(tm) =	ssettm $0x7FFFFFFF  }
0xd3: {  	_ =	shalt  }
tec
execute0_lowered:
.L_overlay_start_1:
0x0: {  	(tag) =	ssettag $0x1  }
0x1: {  	s12 =	rddreg [dreg:$0x0]  }
0x2: {  	s14 =	rddreg [dreg:$0x1]  }
0x3: {  	s1 =	rddreg [dreg:$0x2];
	s2 =	srdreg.scid  }
0x4: {  	s0 =	rddreg [dreg:$0x3];
	s3 =	simm.s32 $0x0;
	s19 =	simm.s32 $0x80  }
0x5: {  	s20 =	simm.s32 $0x100;
	s21 =	simm.s32 $0x1;
	s6 =	sand.u32 $0x1, s2  }
0x6: {  	s23 =	simm.s32 $0x0;
	[smem:$0x7FF] =	sst s3;
	s15 =	smul.u32 $0x2800, s6  }
0x7: {  	s2 =	stileid.u32;
	s4 =	sadd.s32 $0xA9400, s12;
	s7 =	smul.u32 $0x280000, s6  }
0x8: {  	s5 =	sadd.s32 $0x8400, s12;
	_ =	strace $0x8000004A;
	s8 =	smul.u32 $0x14000, s2  }
0x9: {  	s9 =	smul.u32 $0x50000, s2;
	s6 =	ssub.s32 $0x2, s6;
	s22 =	sshll.u32 s2, $0x6  }
0xa: {  	s18 =	smul.u32 $0x280, s2;
	s31 =	sshrl.u32 s6, $0x1;
	s22 =	sor.u32 $0x1C02, s22  }
0xb: {  	s16 =	sadd.s32 s15, s12;
	s7 =	sadd.s32 s8, s7;
	s9 =	sshrl.u32 s9, $0x2  }
0xc: {  	s17 =	ssub.s32 s6, s31;
	s15 =	sadd.s32 s15, s14;
	s7 =	sshrl.u32 s7, $0x3  }
0xd: {  	s6 =	sadd.s32 s9, s1;
	s14 =	smax.u32 s17, $0x1;
	s15 =	sadd.s32 s18, s15  }
0xe: {  	s16 =	sadd.s32 s18, s16;
	s17 =	simm.s32 $0x4100;
	s18 =	simm.s32 $0x2  }
0xf: {  	s13 =	sadd.s32 s7, s12;
	s7 =	sadd.s32 $0x4000, s6;
	s8 =	sadd.s32 $0x8000, s6  }
0x10: {  	s9 =	sadd.s32 $0xC000, s6;
	s10 =	sadd.s32 $0x10000, s6;
	s12 =	sadd.s32 $0xD1400, s12  }
0x11: {  	s16 =	sadd.s32 $0x3400, s16;
	s11 =	sadd.s32 $0xF9400, s13;
	s13 =	sadd.s32 $0x121400, s13  }
.LBB2_1:
0x12: {  	[tilespmem:s17], [sflag:$0x2] =	stream.linear.gather [hbm4b:s5+s3], $0x4000, $0x38;
	[tilespmem:$0x1C100] =	vst v63  }
0x13: {  	_ =	swait.ge [sflag:s18], $0x4000  }
0x14: {  	[sflag:s18] =	ssyncset.done $0x0  }
0x15: {  	[sflag:s18] =	ssyncadd.s32 $0xFFFFC000  }
0x16: {  	[spmem:s6] =	stream.linear.scatter [tilespmem:s17], [sflag:$0x2], $0x4000, $0x38;
	[tilespmem:$0x1C100] =	vst v63  }
0x17: {  	_ =	swait.ge [sflag:s18], $0x4000  }
0x18: {  	[sflag:s18] =	ssyncset.done $0x0  }
0x19: {  	[sflag:s18] =	ssyncadd.s32 $0xFFFFC000  }
0x1a: {  	[spmem:s7] =	stream.linear.scatter [tilespmem:s17], [sflag:$0x2], $0x4000, $0x38;
	[tilespmem:$0x1C100] =	vst v63  }
0x1b: {  	_ =	swait.ge [sflag:s18], $0x4000  }
0x1c: {  	[sflag:s18] =	ssyncset.done $0x0  }
0x1d: {  	[sflag:s18] =	ssyncadd.s32 $0xFFFFC000  }
0x1e: {  	[spmem:s8] =	stream.linear.scatter [tilespmem:s17], [sflag:$0x2], $0x4000, $0x38;
	[tilespmem:$0x1C100] =	vst v63  }
0x1f: {  	_ =	swait.ge [sflag:s18], $0x4000  }
0x20: {  	[sflag:s18] =	ssyncset.done $0x0  }
0x21: {  	[sflag:s18] =	ssyncadd.s32 $0xFFFFC000  }
0x22: {  	[spmem:s9] =	stream.linear.scatter [tilespmem:s17], [sflag:$0x2], $0x4000, $0x38;
	[tilespmem:$0x1C100] =	vst v63  }
0x23: {  	_ =	swait.ge [sflag:s18], $0x4000  }
0x24: {  	[sflag:s18] =	ssyncset.done $0x0  }
0x25: {  	[sflag:s18] =	ssyncadd.s32 $0xFFFFC000  }
0x26: {  	[spmem:s10] =	stream.linear.scatter [tilespmem:s17], [sflag:$0x2], $0x4000, $0x38;
	[tilespmem:$0x1C100] =	vst v63  }
0x27: {  	_ =	swait.ge [sflag:s18], $0x4000  }
0x28: {  	[sflag:s18] =	ssyncset.done $0x0  }
0x29: {  	[sflag:s18] =	ssyncadd.s32 $0xFFFFC000  }
0x2a: {  	s24 =	sadd.s32 $0x0, s16;
	[bflag:$0x0] =	sbarrier.arrive $0xFFFF  }
0x2b: {  	[tilespmem:s3], [sflag:$0x2] =	stream.linear.gather [hbm4b:s24+s3], $0x80, $0x38;
	[tilespmem:$0x1C100] =	vst v63  }
0x2c: {  	_ =	swait.ge [sflag:s18], $0x80  }
0x2d: {  	[sflag:s18] =	ssyncset.done $0x0  }
0x2e: {  	s31 =	sadd.s32 $0x0, s15;
	[sflag:s18] =	ssyncadd.s32 $0xFFFFFF80  }
0x2f: {  	[tilespmem:s19], [sflag:$0x2] =	stream.linear.gather [hbm4b:s31+s3], $0x80, $0x38;
	[tilespmem:$0x1C100] =	vst v63  }
0x30: {  	_ =	swait.ge [sflag:s18], $0x80  }
0x31: {  	[sflag:s18] =	ssyncset.done $0x0  }
0x32: {  	[sflag:s18] =	ssyncadd.s32 $0xFFFFFF80  }
0x33: {  	[tilespmem:s20], [sflag:$0x1] =	stream.indirect.gather [hbm4b:s4+s19], $0x80, s3, s19, $0xb8;
	[tilespmem:$0x1C100] =	vst v63  }
0x34: {  	_ =	swait.ge [sflag:s21], $0x4000  }
0x35: {  	[sflag:s21] =	ssyncset.done $0x0  }
0x36: {  	[sflag:s21] =	ssyncadd.s32 $0xFFFFC000  }
0x37: {  	[spmem:s1] =	stream.indirect.scatter.add.f32 [tilespmem:s20], [sflag:$0x2], $0x80, s19, s19, $0xb8;
	[tilespmem:$0x1C100] =	vst v63  }
0x38: {  	_ =	swait.ge [sflag:s18], $0x4000  }
0x39: {  	s25 =	simm.s32 $0x20;
	s24 =	simm.s32 $0x10;
	[sflag:s18] =	ssyncset.done $0x0  }
.LBB2_2:
0x3a: {  	s26 =	sadd.s32 s24, s16  }
0x3b: {  	[sflag:s18] =	ssyncadd.s32 $0xFFFFC000;
	s28 =	smov.u32 s25;
	s29 =	sadd.s32 $0x10, s25  }
0x3c: {  	[tilespmem:s3], [sflag:$0x2] =	stream.linear.gather [hbm4b:s26+s3], $0x80, $0x38;
	[tilespmem:$0x1C100] =	vst v63  }
0x3d: {  	p0 =	sne.s32 s25, $0x270;
	_ =	swait.ge [sflag:s18], $0x80  }
0x3e: {  	[sflag:s18] =	ssyncset.done $0x0  }
0x3f: {  	s25 =	sadd.s32 s24, s15;
	s24 =	smov.u32 s28;
	[sflag:s18] =	ssyncadd.s32 $0xFFFFFF80  }
0x40: {  	[tilespmem:s19], [sflag:$0x2] =	stream.linear.gather [hbm4b:s25+s3], $0x80, $0x38;
	[tilespmem:$0x1C100] =	vst v63  }
0x41: {  	_ =	swait.ge [sflag:s18], $0x80  }
0x42: {  	[sflag:s18] =	ssyncset.done $0x0  }
0x43: {  	[sflag:s18] =	ssyncadd.s32 $0xFFFFFF80  }
0x44: {  	[tilespmem:s20], [sflag:$0x1] =	stream.indirect.gather [hbm4b:s4+s19], $0x80, s3, s19, $0xb8;
	[tilespmem:$0x1C100] =	vst v63  }
0x45: {  	_ =	swait.ge [sflag:s21], $0x4000  }
.Ltmp0:
0x46: {  	[sflag:s21] =	ssyncset.done $0x0;
	(pc) =	sbr.rel @p0 .LBB2_2-.Ltmp0, $4  }
0x47: {  	[sflag:s21] =	ssyncadd.s32 $0xFFFFC000  }
0x48: {  	[spmem:s1] =	stream.indirect.scatter.add.f32 [tilespmem:s20], [sflag:$0x2], $0x80, s19, s19, $0xb8;
	[tilespmem:$0x1C100] =	vst v63  }
0x49: {  	_ =	swait.ge [sflag:s18], $0x4000  }
0x4a: {  	s25 =	smov.u32 s29;
	[sflag:s18] =	ssyncset.done $0x0  }
0x4b: {  	s25 =	sadd.s32 s24, s16;
	[sflag:s18] =	ssyncadd.s32 $0xFFFFC000  }
0x4c: {  	[tilespmem:s3], [sflag:$0x2] =	stream.linear.gather [hbm4b:s25+s3], $0x80, $0x38;
	[tilespmem:$0x1C100] =	vst v63  }
0x4d: {  	_ =	swait.ge [sflag:s18], $0x80  }
0x4e: {  	[sflag:s18] =	ssyncset.done $0x0  }
0x4f: {  	s29 =	sadd.s32 s24, s15;
	[sflag:s18] =	ssyncadd.s32 $0xFFFFFF80  }
0x50: {  	[tilespmem:s19], [sflag:$0x2] =	stream.linear.gather [hbm4b:s29+s3], $0x80, $0x38;
	[tilespmem:$0x1C100] =	vst v63  }
0x51: {  	_ =	swait.ge [sflag:s18], $0x80  }
0x52: {  	[sflag:s18] =	ssyncset.done $0x0  }
0x53: {  	[sflag:s18] =	ssyncadd.s32 $0xFFFFFF80  }
0x54: {  	[tilespmem:s20], [sflag:$0x1] =	stream.indirect.gather [hbm4b:s4+s19], $0x80, s3, s19, $0xb8;
	[tilespmem:$0x1C100] =	vst v63  }
0x55: {  	_ =	swait.ge [sflag:s21], $0x4000  }
0x56: {  	[sflag:s21] =	ssyncset.done $0x0  }
0x57: {  	[sflag:s21] =	ssyncadd.s32 $0xFFFFC000  }
0x58: {  	[spmem:s1] =	stream.indirect.scatter.add.f32 [tilespmem:s20], [sflag:$0x2], $0x80, s19, s19, $0xb8;
	[tilespmem:$0x1C100] =	vst v63  }
0x59: {  	_ =	swait.ge [sflag:s18], $0x4000  }
0x5a: {  	[sflag:s18] =	ssyncset.done $0x0  }
0x5b: {  	[sflag:s18] =	ssyncadd.s32 $0xFFFFC000  }
0x5c: {  	s24 =	sshrl.u32 s6, $0x3;
	[bflag:$0x0] =	sbarrier.arrive $0xFFFF  }
0x5d: {  	[hbm:s11], [sflag:s22] =	dma.local [spmem:s24], $0x2800  }
0x5e: {  	_ =	swait.ge [sflag:s18], $0x2800  }
0x5f: {  	[sflag:s18] =	ssyncset.done $0x0  }
0x60: {  	[sflag:s18] =	ssyncadd.s32 $0xFFFFD800  }
0x61: {  	[bflag:$0x0] =	sbarrier.arrive $0xFFFF  }
0x62: {  	[spmem:s6] =	stream.linear.scatter [tilespmem:s17], [sflag:$0x2], $0x4000, $0x38;
	[tilespmem:$0x1C100] =	vst v63  }
0x63: {  	_ =	swait.ge [sflag:s18], $0x4000  }
0x64: {  	[sflag:s18] =	ssyncset.done $0x0  }
0x65: {  	[sflag:s18] =	ssyncadd.s32 $0xFFFFC000  }
0x66: {  	[spmem:s7] =	stream.linear.scatter [tilespmem:s17], [sflag:$0x2], $0x4000, $0x38;
	[tilespmem:$0x1C100] =	vst v63  }
0x67: {  	_ =	swait.ge [sflag:s18], $0x4000  }
0x68: {  	[sflag:s18] =	ssyncset.done $0x0  }
0x69: {  	[sflag:s18] =	ssyncadd.s32 $0xFFFFC000  }
0x6a: {  	[spmem:s8] =	stream.linear.scatter [tilespmem:s17], [sflag:$0x2], $0x4000, $0x38;
	[tilespmem:$0x1C100] =	vst v63  }
0x6b: {  	_ =	swait.ge [sflag:s18], $0x4000  }
0x6c: {  	[sflag:s18] =	ssyncset.done $0x0  }
0x6d: {  	[sflag:s18] =	ssyncadd.s32 $0xFFFFC000  }
0x6e: {  	[spmem:s9] =	stream.linear.scatter [tilespmem:s17], [sflag:$0x2], $0x4000, $0x38;
	[tilespmem:$0x1C100] =	vst v63  }
0x6f: {  	_ =	swait.ge [sflag:s18], $0x4000  }
0x70: {  	[sflag:s18] =	ssyncset.done $0x0  }
0x71: {  	[sflag:s18] =	ssyncadd.s32 $0xFFFFC000  }
0x72: {  	[spmem:s10] =	stream.linear.scatter [tilespmem:s17], [sflag:$0x2], $0x4000, $0x38;
	[tilespmem:$0x1C100] =	vst v63  }
0x73: {  	_ =	swait.ge [sflag:s18], $0x4000  }
0x74: {  	[sflag:s18] =	ssyncset.done $0x0  }
0x75: {  	[sflag:s18] =	ssyncadd.s32 $0xFFFFC000  }
0x76: {  	s30 =	sadd.s32 $0x0, s16;
	[bflag:$0x0] =	sbarrier.arrive $0xFFFF  }
0x77: {  	[tilespmem:s3], [sflag:$0x2] =	stream.linear.gather [hbm4b:s30+s3], $0x80, $0x38;
	[tilespmem:$0x1C100] =	vst v63  }
0x78: {  	_ =	swait.ge [sflag:s18], $0x80  }
0x79: {  	[sflag:s18] =	ssyncset.done $0x0  }
0x7a: {  	s31 =	sadd.s32 $0x0, s15;
	[sflag:s18] =	ssyncadd.s32 $0xFFFFFF80  }
0x7b: {  	[tilespmem:s19], [sflag:$0x2] =	stream.linear.gather [hbm4b:s31+s3], $0x80, $0x38;
	[tilespmem:$0x1C100] =	vst v63  }
0x7c: {  	_ =	swait.ge [sflag:s18], $0x80  }
0x7d: {  	[sflag:s18] =	ssyncset.done $0x0  }
0x7e: {  	[sflag:s18] =	ssyncadd.s32 $0xFFFFFF80  }
0x7f: {  	[tilespmem:s20], [sflag:$0x1] =	stream.indirect.gather [hbm4b:s12+s19], $0x80, s3, s19, $0xb8;
	[tilespmem:$0x1C100] =	vst v63  }
0x80: {  	_ =	swait.ge [sflag:s21], $0x4000  }
0x81: {  	[sflag:s21] =	ssyncset.done $0x0  }
0x82: {  	[sflag:s21] =	ssyncadd.s32 $0xFFFFC000  }
0x83: {  	[spmem:s1] =	stream.indirect.scatter.add.f32 [tilespmem:s20], [sflag:$0x2], $0x80, s19, s19, $0xb8;
	[tilespmem:$0x1C100] =	vst v63  }
0x84: {  	_ =	swait.ge [sflag:s18], $0x4000  }
0x85: {  	s26 =	simm.s32 $0x20;
	s25 =	simm.s32 $0x10;
	[sflag:s18] =	ssyncset.done $0x0  }
.LBB2_4:
0x86: {  	s28 =	sadd.s32 s25, s16  }
0x87: {  	[sflag:s18] =	ssyncadd.s32 $0xFFFFC000;
	s29 =	smov.u32 s26;
	s30 =	sadd.s32 $0x10, s26  }
0x88: {  	[tilespmem:s3], [sflag:$0x2] =	stream.linear.gather [hbm4b:s28+s3], $0x80, $0x38;
	[tilespmem:$0x1C100] =	vst v63  }
0x89: {  	p0 =	sne.s32 s26, $0x270;
	_ =	swait.ge [sflag:s18], $0x80  }
0x8a: {  	[sflag:s18] =	ssyncset.done $0x0  }
0x8b: {  	s26 =	sadd.s32 s25, s15;
	s25 =	smov.u32 s29;
	[sflag:s18] =	ssyncadd.s32 $0xFFFFFF80  }
0x8c: {  	[tilespmem:s19], [sflag:$0x2] =	stream.linear.gather [hbm4b:s26+s3], $0x80, $0x38;
	[tilespmem:$0x1C100] =	vst v63  }
0x8d: {  	_ =	swait.ge [sflag:s18], $0x80  }
0x8e: {  	[sflag:s18] =	ssyncset.done $0x0  }
0x8f: {  	[sflag:s18] =	ssyncadd.s32 $0xFFFFFF80  }
0x90: {  	[tilespmem:s20], [sflag:$0x1] =	stream.indirect.gather [hbm4b:s12+s19], $0x80, s3, s19, $0xb8;
	[tilespmem:$0x1C100] =	vst v63  }
0x91: {  	_ =	swait.ge [sflag:s21], $0x4000  }
.Ltmp1:
0x92: {  	[sflag:s21] =	ssyncset.done $0x0;
	(pc) =	sbr.rel @p0 .LBB2_4-.Ltmp1, $4  }
0x93: {  	[sflag:s21] =	ssyncadd.s32 $0xFFFFC000  }
0x94: {  	[spmem:s1] =	stream.indirect.scatter.add.f32 [tilespmem:s20], [sflag:$0x2], $0x80, s19, s19, $0xb8;
	[tilespmem:$0x1C100] =	vst v63  }
0x95: {  	_ =	swait.ge [sflag:s18], $0x4000  }
0x96: {  	s26 =	smov.u32 s30;
	[sflag:s18] =	ssyncset.done $0x0  }
0x97: {  	s26 =	sadd.s32 s25, s16;
	[sflag:s18] =	ssyncadd.s32 $0xFFFFC000  }
0x98: {  	[tilespmem:s3], [sflag:$0x2] =	stream.linear.gather [hbm4b:s26+s3], $0x80, $0x38;
	[tilespmem:$0x1C100] =	vst v63  }
0x99: {  	_ =	swait.ge [sflag:s18], $0x80  }
0x9a: {  	[sflag:s18] =	ssyncset.done $0x0  }
0x9b: {  	s31 =	sadd.s32 s25, s15;
	[sflag:s18] =	ssyncadd.s32 $0xFFFFFF80  }
0x9c: {  	[tilespmem:s19], [sflag:$0x2] =	stream.linear.gather [hbm4b:s31+s3], $0x80, $0x38;
	[tilespmem:$0x1C100] =	vst v63  }
0x9d: {  	_ =	swait.ge [sflag:s18], $0x80  }
0x9e: {  	[sflag:s18] =	ssyncset.done $0x0  }
0x9f: {  	[sflag:s18] =	ssyncadd.s32 $0xFFFFFF80  }
0xa0: {  	[tilespmem:s20], [sflag:$0x1] =	stream.indirect.gather [hbm4b:s12+s19], $0x80, s3, s19, $0xb8;
	[tilespmem:$0x1C100] =	vst v63  }
0xa1: {  	_ =	swait.ge [sflag:s21], $0x4000  }
0xa2: {  	[sflag:s21] =	ssyncset.done $0x0  }
0xa3: {  	[sflag:s21] =	ssyncadd.s32 $0xFFFFC000  }
0xa4: {  	[spmem:s1] =	stream.indirect.scatter.add.f32 [tilespmem:s20], [sflag:$0x2], $0x80, s19, s19, $0xb8;
	[tilespmem:$0x1C100] =	vst v63  }
0xa5: {  	_ =	swait.ge [sflag:s18], $0x4000  }
0xa6: {  	[sflag:s18] =	ssyncset.done $0x0  }
0xa7: {  	s23 =	sadd.s32 $0x1, s23;
	[sflag:s18] =	ssyncadd.s32 $0xFFFFC000  }
0xa8: {  	p0 =	sne.s32 s23, s14;
	[bflag:$0x0] =	sbarrier.arrive $0xFFFF  }
0xa9: {  	[hbm:s13], [sflag:s22] =	dma.local [spmem:s24], $0x2800  }
.Ltmp2:
0xaa: {  	_ =	swait.ge [sflag:s18], $0x2800;
	(pc) =	sbr.rel @p0 .LBB2_1-.Ltmp2, $3  }
0xab: {  	[sflag:s18] =	ssyncset.done $0x0  }
0xac: {  	[sflag:s18] =	ssyncadd.s32 $0xFFFFD800  }
0xad: {  	[bflag:$0x0] =	sbarrier.arrive $0xFFFF;
	_ =	sdelay $0x1  }
0xae: {  	_ =	sfence.sel $0x180000  }
0xaf: {  	[bflag:$0x0] =	sbarrier.arrive $0xFFFF  }
0xb0: {  	p0 =	sne.s32 s2, $0x0;
	_ =	strace $0x9000004A  }
0xb1: {  	s0 =	sadd.s32 @!p0 $0x100000, s0;
	[bflag:$0x2] =	sbarrier.arrive $0xFFFF  }
0xb2: {  	[sflag:s0] =	ssyncadd.tile.s32 @!p0 $0x1;
	_ =	shalt  }
.Lfunc_end2:
_tile_overlayer_lowered:
.L_overlay_start_2:
0xb3: {  	(tag) =	ssettag $0x2  }
0xb4: {  	s0 =	rddreg [dreg:$0x0];
	s2 =	stileid.u32  }
0xb5: {  	s1 =	rddreg [dreg:$0x1];
	p0 =	sne.s32 s2, $0x0  }
0xb6: {  	s3 =	rddreg [dreg:$0x2];
	[bflag:$0x3] =	sbarrier.arrive $0xFFFF;
	s2 =	simm.s32 @!p0 $0x1C02  }
0xb7: {  	[timem:s3], [sflag:s2] =	dma.local @!p0 [hbm:s0], s1  }
0xb8: {  	s0 =	simm.s32 @!p0 $0x2  }
0xb9: {  	_ =	swait.ge @!p0 [sflag:s0], s1  }
0xba: {  	s1 =	ssub.s32 @!p0 $0x0, s1;
	[sflag:s0] =	ssyncset.done @!p0 $0x0  }
0xbb: {  	[sflag:s0] =	ssyncadd.s32 @!p0 s1  }
0xbc: {  	[bflag:$0x3] =	sbarrier.arrive $0xFFFF  }
0xbd: {  	_ =	shalt  }

// kernel: kernel.18.cloned.1.call-start
scs
__scs_entry_jumppad:
0x0: {  	(pc) =	sbr.rel $0x88, $3  }
0x1: {  	(tag) =	ssettag $0x0;
	lr =	simm.s32 $0x1  }
0x2: {  	[smem:$0x3F9B] =	sst lr;
	_ =	strace $0xD0000000  }
0x3: {  	_ = 	snop  }
0x4: {  	_ = 	snop  }
0x5: {  	_ = 	snop  }
0x6: {  	_ = 	snop  }
0x7: {  	_ = 	snop  }
__scs_overlays_trampoline_lowered:
0x8: {  	[smem:$0x3FAA] =	sst s0  }
0x9: {  	[smem:$0x3FAB] =	sst s1  }
0xa: {  	[smem:$0x3FAC] =	sst s2  }
0xb: {  	[smem:$0x3FAD] =	sst s3  }
0xc: {  	[smem:$0x3FAE] =	sst s4  }
0xd: {  	[smem:$0x3FAF] =	sst s5  }
0xe: {  	[smem:$0x3FB0] =	sst s6  }
0xf: {  	[smem:$0x3FB1] =	sst s7  }
0x10: {  	[smem:$0x3FB2] =	sst s8  }
0x11: {  	[smem:$0x3FB3] =	sst s9;
	s0 =	simm.s32 @!p0 $0x0  }
0x12: {  	s1 =	sld [smem:$0x3F99];
	s0 =	simm.s32 @p0 $0x1  }
0x13: {  	[smem:$0x3FB4] =	sst s0;
	s0 =	simm.s32 @!p1 $0x0  }
0x14: {  	s2 =	sld [smem:$0x3F98];
	s0 =	simm.s32 @p1 $0x1  }
0x15: {  	[smem:$0x3FB5] =	sst s0;
	s0 =	simm.s32 @!p2 $0x0  }
0x16: {  	s3 =	sld [smem:$0x3FDB];
	s0 =	simm.s32 @p2 $0x1  }
0x17: {  	s4 =	simm.s32 $0x1BF5;
	[smem:$0x3FB7] =	sst s0  }
0x18: {  	s0 =	sld [smem:$0x3F9A];
	_ =	swait.ge [sflag:s4], $0x0  }
0x19: {  	s7 =	sld [smem:$0x3F9B]  }
0x1a: {  	s8 =	sadd.s32 $0xFFFFE003, lr  }
0x1b: {  	s9 =	sadd.s32 $0xFFFFFEF7, lr;
	s5 =	simm.s32 $0xFFFFFFFF;
	p2 =	slt.u32 s8, $0xFFFFF086  }
0x1c: {  	p1 =	slt.u32 s9, $0xF7A;
	s5 =	simm.s32 @!p2 $0x0  }
0x1d: {  	s5 =	simm.s32 @p1 $0x1;
	p0 =	seq.s32 s7, s2  }
0x1e: {  	s7 =	smul.u32 @!p0 $0xF7A, s2;
	p2 =	seq.s32 @!p0 s5, $0x0  }
0x1f: {  	s9 =	smul.u32 $0xF7A, s1;
	s8 =	simm.s32 @!p0 $0x1BF5;
	p2 =	por !p2, p0  }
0x20: {  	[sflag:s8] =	ssyncset.s32 @!p0 $0xFFFFF086;
	s6 =	sadd.s32 @!p0 s3, s7;
	s7 =	simm.s32 @!p0 $0x108  }
0x21: {  	s3 =	sadd.s32 s3, s9;
	s6 =	sadd.s32 @!p0 $0x88, s6;
	s7 =	simm.s32 @p2 $0x1082  }
0x22: {  	[simem:s7], [sflag:s8] =	dma.local @!p0 [hbm:s6], $0xF7A  }
0x23: {  	s9 =	sor.u32 $0xD0000000, s2;
	s6 =	simm.s32 $0x108;
	_ =	swait.ge @!p0 [sflag:s8], $0x0  }
0x24: {  	s3 =	sadd.s32 $0x88, s3;
	s6 =	simm.s32 @!p1 $0x1082;
	[sflag:s4] =	ssyncset.s32 $0xFFFFF086  }
0x25: {  	[simem:s6], [sflag:s4] =	dma.local [hbm:s3], $0xF7A  }
0x26: {  	[smem:$0x3F9B] =	sst s1;
	(tag) =	ssettag s2;
	_ =	strace s9  }
0x27: {  	s1 =	sld [smem:$0x3FAB]  }
0x28: {  	s2 =	sld [smem:$0x3FAC]  }
0x29: {  	s4 =	sld [smem:$0x3FAE]  }
0x2a: {  	p0 =	seq.s32 s5, $0x0;
	s5 =	sld [smem:$0x3FAF]  }
0x2b: {  	s6 =	sld [smem:$0x3FB0]  }
0x2c: {  	s7 =	sld [smem:$0x3FB1]  }
0x2d: {  	s3 =	simm.s32 $0x108;
	s8 =	sld [smem:$0x3FB2]  }
0x2e: {  	s3 =	simm.s32 @!p0 $0x1082;
	s9 =	sld [smem:$0x3FB3]  }
0x2f: {  	lr =	sadd.s32 s0, s3;
	s0 =	sld [smem:$0x3FAA]  }
0x30: {  	s3 =	sld [smem:$0x3FAD]  }
0x31: {  	[smem:$0x3FB6] =	sst s10  }
0x32: {  	s10 =	sld [smem:$0x3FB4];
	_ =	sdelay $0x3  }
0x33: {  	p0 =	seq.s32 s10, $0x1;
	s10 =	sld [smem:$0x3FB6];
	_ =	sdelay $0x3  }
0x34: {  	[smem:$0x3FB6] =	sst s10  }
0x35: {  	s10 =	sld [smem:$0x3FB5];
	_ =	sdelay $0x3  }
0x36: {  	p1 =	seq.s32 s10, $0x1;
	s10 =	sld [smem:$0x3FB6];
	_ =	sdelay $0x3  }
0x37: {  	[smem:$0x3FB6] =	sst s10  }
0x38: {  	s10 =	sld [smem:$0x3FB7]  }
0x39: {  	_ = 	snop;
	(pc) =	sbr.ind lr, $3  }
0x3a: {  	_ = 	snop  }
0x3b: {  	_ = 	snop  }
0x3c: {  	p2 =	seq.s32 s10, $0x1;
	s10 =	sld [smem:$0x3FB6]  }
0x3d: {  	_ =	shalt  }
0x3e: {  	_ =	shalt  }
0x3f: {  	_ =	shalt  }
0x40: {  	_ =	shalt  }
0x41: {  	_ =	shalt  }
0x42: {  	_ =	shalt  }
0x43: {  	_ =	shalt  }
0x44: {  	_ =	shalt  }
0x45: {  	_ =	shalt  }
0x46: {  	_ =	shalt  }
0x47: {  	_ =	shalt  }
0x48: {  	_ =	shalt  }
0x49: {  	_ =	shalt  }
0x4a: {  	_ =	shalt  }
0x4b: {  	_ =	shalt  }
0x4c: {  	_ =	shalt  }
0x4d: {  	_ =	shalt  }
0x4e: {  	_ =	shalt  }
0x4f: {  	_ =	shalt  }
0x50: {  	_ =	shalt  }
0x51: {  	_ =	shalt  }
0x52: {  	_ =	shalt  }
0x53: {  	_ =	shalt  }
0x54: {  	_ =	shalt  }
0x55: {  	_ =	shalt  }
0x56: {  	_ =	shalt  }
0x57: {  	_ =	shalt  }
0x58: {  	_ =	shalt  }
0x59: {  	_ =	shalt  }
0x5a: {  	_ =	shalt  }
0x5b: {  	_ =	shalt  }
0x5c: {  	_ =	shalt  }
0x5d: {  	_ =	shalt  }
0x5e: {  	_ =	shalt  }
0x5f: {  	_ =	shalt  }
0x60: {  	_ =	shalt  }
0x61: {  	_ =	shalt  }
0x62: {  	_ =	shalt  }
0x63: {  	_ =	shalt  }
0x64: {  	_ =	shalt  }
0x65: {  	_ =	shalt  }
0x66: {  	_ =	shalt  }
0x67: {  	_ =	shalt  }
0x68: {  	_ =	shalt  }
0x69: {  	_ =	shalt  }
0x6a: {  	_ =	shalt  }
0x6b: {  	_ =	shalt  }
0x6c: {  	_ =	shalt  }
0x6d: {  	_ =	shalt  }
0x6e: {  	_ =	shalt  }
0x6f: {  	_ =	shalt  }
0x70: {  	_ =	shalt  }
0x71: {  	_ =	shalt  }
0x72: {  	_ =	shalt  }
0x73: {  	_ =	shalt  }
0x74: {  	_ =	shalt  }
0x75: {  	_ =	shalt  }
0x76: {  	_ =	shalt  }
0x77: {  	_ =	shalt  }
0x78: {  	_ =	shalt  }
0x79: {  	_ =	shalt  }
0x7a: {  	_ =	shalt  }
0x7b: {  	_ =	shalt  }
0x7c: {  	_ =	shalt  }
0x7d: {  	_ =	shalt  }
0x7e: {  	_ =	shalt  }
0x7f: {  	_ =	shalt  }
0x80: {  	_ =	shalt  }
0x81: {  	_ =	shalt  }
0x82: {  	_ =	shalt  }
0x83: {  	_ =	shalt  }
0x84: {  	_ =	shalt  }
0x85: {  	_ =	shalt  }
0x86: {  	_ =	shalt  }
0x87: {  	_ =	shalt  }
.Lfunc_end0:
.L_simem_size_0:
called_computation.2_lowered:
.L_overlay_start_0:
0x88: {  	s2 =	sld [smem:$0x3FD9]  }
0x89: {  	s3 =	sld [smem:$0x3FFE];
	_ =	sdelay $0x1  }
0x8a: {  	s1 =	srdreg.scid  }
0x8b: {  	s0 =	sand.u32 $0x1, s1  }
0x8c: {  	s17 =	sshll.u32 s0, $0xA;
	s2 =	sadd.s32 s3, s2  }
0x8d: {  	s2 =	sadd.s32 s2, s17  }
0x8e: {  	[smem:$0x3FC2] =	sst s2  }
0x8f: {  	_ = 	snop  }
0x90: {  	s2 =	sld [smem:$0x3FD0];
	(tm) =	ssettm $0x1  }
0x91: {  	s18 =	sld [smem:$0x3FFB];
	_ =	sdelay $0x3  }
0x92: {  	_ =	strace s18  }
0x93: {  	s3 =	sld [smem:$0x3FFC];
	_ =	sdelay $0x3  }
0x94: {  	_ =	strace s3  }
0x95: {  	s3 =	sld [smem:$0x3FFD];
	_ =	sdelay $0x3  }
0x96: {  	_ =	strace s3  }
0x97: {  	_ =	strace $0x8FFFFFFF  }
0x98: {  	s19 =	sld [smem:$0x3FDB];
	_ =	sdelay $0x1  }
0x99: {  	s4 =	simm.s32 $_scs_section_size  }
0x9a: {  	s5 =	simm.s32 $_size__tile_overlayer_lowered;
	s6 =	simm.s32 $_tile_overlayer_lowered  }
0x9b: {  	s22 =	simm.s32 $0x1BFF;
	s21 =	sshll.u32 s6, $0x1;
	s3 =	sadd.s32 s4, s19  }
0x9c: {  	s7 =	simm.s32 $0x0;
	s20 =	sshll.u32 s5, $0x1;
	s5 =	sadd.s32 s21, s3  }
0x9d: {  	[timem:s7], [sflag:s22] =	dma.local [hbm:s5], s20  }
0x9e: {  	_ =	swait.ge [sflag:s22], s20  }
0x9f: {  	s4 =	ssub.s32 $0x0, s20;
	[sflag:s22] =	ssyncset.done $0x0  }
0xa0: {  	[sflag:s22] =	ssyncadd.s32 s4;
	_ =	sdelay $0x1  }
0xa1: {  	s23 =	simm.s32 $0x1B8B  }
0xa2: {  	_ =	swait.ge [sflag:s23], $0x1  }
0xa3: {  	[sflag:s23] =	ssyncset.done $0x0  }
0xa4: {  	s25 =	simm.s32 $0x1B8E;
	s24 =	sld [smem:$0x3FFE];
	[sflag:s23] =	ssyncadd.s32 $0xFFFFFFFF  }
0xa5: {  	s26 =	simm.s32 $execute0_lowered;
	[smem:$0x3FD2] =	sst s25  }
0xa6: {  	s5 =	sshll.u32 s26, $0x1;
	_ =	strace $0x8000004C;
	[dreg:$0x1] =	wrdreg $0xFFFFFFFF  }
0xa7: {  	s28 =	simm.s32 $_size_execute0_lowered;
	s3 =	sadd.s32 s3, s5;
	[dreg:$0x0] =	wrdreg $0x0  }
0xa8: {  	s5 =	sshll.u32 s28, $0x1;
	[dreg:$0x2] =	wrdreg s3  }
0xa9: {  	[dreg:$0x3] =	wrdreg s5  }
0xaa: {  	[dreg:$0x4] =	wrdreg $0xC0  }
0xab: {  	_ =	task [dreg:s7], $0x5FFFF  }
0xac: {  	[dreg:$0x1] =	wrdreg $0xFFFFFFFF  }
0xad: {  	[dreg:$0x0] =	wrdreg $0x60  }
0xae: {  	[dreg:$0x2] =	wrdreg s24  }
0xaf: {  	[dreg:$0x3] =	wrdreg s2  }
0xb0: {  	[dreg:$0x4] =	wrdreg $0x81000  }
0xb1: {  	[dreg:$0x5] =	wrdreg $0x9  }
0xb2: {  	_ =	task.clear_ibuf [dreg:s7], $0x6FFFF;
	_ =	strace $0x9000004C  }
0xb3: {  	s29 =	simm.s32 $0x9;
	_ =	strace $0x8000004E  }
0xb4: {  	_ =	swait.ge [sflag:s29], $0x1  }
0xb5: {  	[sflag:s29] =	ssyncadd.s32 $0xFFFFFFFF  }
0xb6: {  	_ =	strace $0x9000004E  }
0xb7: {  	_ =	sfence  }
0xb8: {  	s30 =	sld [smem:$0x0];
	_ =	sdelay $0x2  }
0xb9: {  	s31 =	sshll.u32 s1, $0xD;
	s1 =	sshrl.u32 s1, $0x2  }
0xba: {  	s3 =	sand.u32 $0x4000, s31;
	s1 =	sadd.s32 s1, s30  }
0xbb: {  	s0 =	sor.u32 s3, s0;
	s1 =	sshll.u32 s1, $0x11  }
0xbc: {  	s0 =	sor.u32 s1, s0  }
0xbd: {  	s0 =	sadd.s32 $0x8F2B, s0  }
0xbe: {  	[sflag:s0] =	ssyncadd.remote.s32 $0x1  }
0xbf: {  	_ =	sfence.sel $0xFFFF  }
0xc0: {  	[dreg:$0x0] =	wrdreg $0xFFFFFFFF;
	(pc) =	sbr.abs _section_cstart, $3  }
0xc1: {  	[dreg:$0x1] =	wrdreg $0xFFFFFFFF  }
0xc2: {  	_ =	task.clear_ibuf [dreg:s7], $0x2FFFF;
	_ =	strace $0x9FFFFFFF  }
0xc3: {  	(tm) =	ssettm $0x7FFFFFFF  }
tec
execute0_lowered:
.L_overlay_start_1:
0x0: {  	(tag) =	ssettag $0x1  }
0x1: {  	s12 =	rddreg [dreg:$0x0]  }
0x2: {  	s16 =	rddreg [dreg:$0x1]  }
0x3: {  	s1 =	rddreg [dreg:$0x2];
	s2 =	srdreg.scid  }
0x4: {  	s0 =	rddreg [dreg:$0x3];
	s3 =	simm.s32 $0x0;
	s6 =	sand.u32 $0x1, s2  }
0x5: {  	s20 =	simm.s32 $0x100;
	s21 =	simm.s32 $0x1;
	s17 =	smul.u32 $0x2800, s6  }
0x6: {  	s23 =	simm.s32 $0x0;
	s2 =	stileid.u32;
	s7 =	smul.u32 $0x280000, s6  }
0x7: {  	[smem:$0x7FF] =	sst s3;
	s4 =	sadd.s32 $0xA9400, s12;
	s8 =	smul.u32 $0x14000, s2  }
0x8: {  	s5 =	sadd.s32 $0x8400, s12;
	_ =	strace $0x8000004D;
	s9 =	smul.u32 $0x50000, s2  }
0x9: {  	s6 =	ssub.s32 $0x2, s6;
	s18 =	smul.u32 $0x280, s2;
	s22 =	sshll.u32 s2, $0x6  }
0xa: {  	s31 =	sshrl.u32 s6, $0x1;
	s22 =	sor.u32 $0x1C02, s22;
	s14 =	sadd.s32 s17, s12  }
0xb: {  	s7 =	sadd.s32 s8, s7;
	s9 =	sshrl.u32 s9, $0x2;
	s15 =	ssub.s32 s6, s31  }
0xc: {  	s16 =	sadd.s32 s17, s16;
	s17 =	simm.s32 $0x4100;
	s7 =	sshrl.u32 s7, $0x3  }
0xd: {  	s6 =	sadd.s32 s9, s1;
	s19 =	sadd.s32 s18, s14;
	s14 =	smax.u32 s15, $0x1  }
0xe: {  	s16 =	sadd.s32 s18, s16;
	s18 =	simm.s32 $0x2;
	s13 =	sadd.s32 s7, s12  }
0xf: {  	s7 =	sadd.s32 $0x4000, s6;
	s8 =	sadd.s32 $0x8000, s6;
	s9 =	sadd.s32 $0xC000, s6  }
0x10: {  	s10 =	sadd.s32 $0x10000, s6;
	s12 =	sadd.s32 $0xD1400, s12;
	s15 =	sadd.s32 $0x3400, s19  }
0x11: {  	s19 =	simm.s32 $0x80;
	s11 =	sadd.s32 $0xF9400, s13;
	s13 =	sadd.s32 $0x121400, s13  }
.LBB2_1:
0x12: {  	[tilespmem:s17], [sflag:$0x2] =	stream.linear.gather [hbm4b:s5+s3], $0x4000, $0x38;
	[tilespmem:$0x1C100] =	vst v63  }
0x13: {  	_ =	swait.ge [sflag:s18], $0x4000  }
0x14: {  	[sflag:s18] =	ssyncset.done $0x0  }
0x15: {  	[sflag:s18] =	ssyncadd.s32 $0xFFFFC000  }
0x16: {  	[spmem:s6] =	stream.linear.scatter [tilespmem:s17], [sflag:$0x2], $0x4000, $0x38;
	[tilespmem:$0x1C100] =	vst v63  }
0x17: {  	_ =	swait.ge [sflag:s18], $0x4000  }
0x18: {  	[sflag:s18] =	ssyncset.done $0x0  }
0x19: {  	[sflag:s18] =	ssyncadd.s32 $0xFFFFC000  }
0x1a: {  	[spmem:s7] =	stream.linear.scatter [tilespmem:s17], [sflag:$0x2], $0x4000, $0x38;
	[tilespmem:$0x1C100] =	vst v63  }
0x1b: {  	_ =	swait.ge [sflag:s18], $0x4000  }
0x1c: {  	[sflag:s18] =	ssyncset.done $0x0  }
0x1d: {  	[sflag:s18] =	ssyncadd.s32 $0xFFFFC000  }
0x1e: {  	[spmem:s8] =	stream.linear.scatter [tilespmem:s17], [sflag:$0x2], $0x4000, $0x38;
	[tilespmem:$0x1C100] =	vst v63  }
0x1f: {  	_ =	swait.ge [sflag:s18], $0x4000  }
0x20: {  	[sflag:s18] =	ssyncset.done $0x0  }
0x21: {  	[sflag:s18] =	ssyncadd.s32 $0xFFFFC000  }
0x22: {  	[spmem:s9] =	stream.linear.scatter [tilespmem:s17], [sflag:$0x2], $0x4000, $0x38;
	[tilespmem:$0x1C100] =	vst v63  }
0x23: {  	_ =	swait.ge [sflag:s18], $0x4000  }
0x24: {  	[sflag:s18] =	ssyncset.done $0x0  }
0x25: {  	[sflag:s18] =	ssyncadd.s32 $0xFFFFC000  }
0x26: {  	[spmem:s10] =	stream.linear.scatter [tilespmem:s17], [sflag:$0x2], $0x4000, $0x38;
	[tilespmem:$0x1C100] =	vst v63  }
0x27: {  	_ =	swait.ge [sflag:s18], $0x4000  }
0x28: {  	[sflag:s18] =	ssyncset.done $0x0  }
0x29: {  	[sflag:s18] =	ssyncadd.s32 $0xFFFFC000  }
0x2a: {  	s24 =	sadd.s32 $0x0, s16;
	[bflag:$0x0] =	sbarrier.arrive $0xFFFF  }
0x2b: {  	[tilespmem:s3], [sflag:$0x2] =	stream.linear.gather [hbm4b:s24+s3], $0x80, $0x38;
	[tilespmem:$0x1C100] =	vst v63  }
0x2c: {  	_ =	swait.ge [sflag:s18], $0x80  }
0x2d: {  	[sflag:s18] =	ssyncset.done $0x0  }
0x2e: {  	s31 =	sadd.s32 $0x0, s15;
	[sflag:s18] =	ssyncadd.s32 $0xFFFFFF80  }
0x2f: {  	[tilespmem:s19], [sflag:$0x2] =	stream.linear.gather [hbm4b:s31+s3], $0x80, $0x38;
	[tilespmem:$0x1C100] =	vst v63  }
0x30: {  	_ =	swait.ge [sflag:s18], $0x80  }
0x31: {  	[sflag:s18] =	ssyncset.done $0x0  }
0x32: {  	[sflag:s18] =	ssyncadd.s32 $0xFFFFFF80  }
0x33: {  	[tilespmem:s20], [sflag:$0x1] =	stream.indirect.gather [hbm4b:s4+s19], $0x80, s3, s19, $0xb8;
	[tilespmem:$0x1C100] =	vst v63  }
0x34: {  	_ =	swait.ge [sflag:s21], $0x4000  }
0x35: {  	[sflag:s21] =	ssyncset.done $0x0  }
0x36: {  	[sflag:s21] =	ssyncadd.s32 $0xFFFFC000  }
0x37: {  	[spmem:s1] =	stream.indirect.scatter.add.f32 [tilespmem:s20], [sflag:$0x2], $0x80, s19, s19, $0xb8;
	[tilespmem:$0x1C100] =	vst v63  }
0x38: {  	_ =	swait.ge [sflag:s18], $0x4000  }
0x39: {  	s25 =	simm.s32 $0x20;
	s24 =	simm.s32 $0x10;
	[sflag:s18] =	ssyncset.done $0x0  }
.LBB2_2:
0x3a: {  	s26 =	sadd.s32 s24, s16  }
0x3b: {  	[sflag:s18] =	ssyncadd.s32 $0xFFFFC000;
	s28 =	smov.u32 s25;
	s29 =	sadd.s32 $0x10, s25  }
0x3c: {  	[tilespmem:s3], [sflag:$0x2] =	stream.linear.gather [hbm4b:s26+s3], $0x80, $0x38;
	[tilespmem:$0x1C100] =	vst v63  }
0x3d: {  	p0 =	sne.s32 s25, $0x270;
	_ =	swait.ge [sflag:s18], $0x80  }
0x3e: {  	[sflag:s18] =	ssyncset.done $0x0  }
0x3f: {  	s25 =	sadd.s32 s24, s15;
	s24 =	smov.u32 s28;
	[sflag:s18] =	ssyncadd.s32 $0xFFFFFF80  }
0x40: {  	[tilespmem:s19], [sflag:$0x2] =	stream.linear.gather [hbm4b:s25+s3], $0x80, $0x38;
	[tilespmem:$0x1C100] =	vst v63  }
0x41: {  	_ =	swait.ge [sflag:s18], $0x80  }
0x42: {  	[sflag:s18] =	ssyncset.done $0x0  }
0x43: {  	[sflag:s18] =	ssyncadd.s32 $0xFFFFFF80  }
0x44: {  	[tilespmem:s20], [sflag:$0x1] =	stream.indirect.gather [hbm4b:s4+s19], $0x80, s3, s19, $0xb8;
	[tilespmem:$0x1C100] =	vst v63  }
0x45: {  	_ =	swait.ge [sflag:s21], $0x4000  }
.Ltmp0:
0x46: {  	[sflag:s21] =	ssyncset.done $0x0;
	(pc) =	sbr.rel @p0 .LBB2_2-.Ltmp0, $4  }
0x47: {  	[sflag:s21] =	ssyncadd.s32 $0xFFFFC000  }
0x48: {  	[spmem:s1] =	stream.indirect.scatter.add.f32 [tilespmem:s20], [sflag:$0x2], $0x80, s19, s19, $0xb8;
	[tilespmem:$0x1C100] =	vst v63  }
0x49: {  	_ =	swait.ge [sflag:s18], $0x4000  }
0x4a: {  	s25 =	smov.u32 s29;
	[sflag:s18] =	ssyncset.done $0x0  }
0x4b: {  	s25 =	sadd.s32 s24, s16;
	[sflag:s18] =	ssyncadd.s32 $0xFFFFC000  }
0x4c: {  	[tilespmem:s3], [sflag:$0x2] =	stream.linear.gather [hbm4b:s25+s3], $0x80, $0x38;
	[tilespmem:$0x1C100] =	vst v63  }
0x4d: {  	_ =	swait.ge [sflag:s18], $0x80  }
0x4e: {  	[sflag:s18] =	ssyncset.done $0x0  }
0x4f: {  	s29 =	sadd.s32 s24, s15;
	[sflag:s18] =	ssyncadd.s32 $0xFFFFFF80  }
0x50: {  	[tilespmem:s19], [sflag:$0x2] =	stream.linear.gather [hbm4b:s29+s3], $0x80, $0x38;
	[tilespmem:$0x1C100] =	vst v63  }
0x51: {  	_ =	swait.ge [sflag:s18], $0x80  }
0x52: {  	[sflag:s18] =	ssyncset.done $0x0  }
0x53: {  	[sflag:s18] =	ssyncadd.s32 $0xFFFFFF80  }
0x54: {  	[tilespmem:s20], [sflag:$0x1] =	stream.indirect.gather [hbm4b:s4+s19], $0x80, s3, s19, $0xb8;
	[tilespmem:$0x1C100] =	vst v63  }
0x55: {  	_ =	swait.ge [sflag:s21], $0x4000  }
0x56: {  	[sflag:s21] =	ssyncset.done $0x0  }
0x57: {  	[sflag:s21] =	ssyncadd.s32 $0xFFFFC000  }
0x58: {  	[spmem:s1] =	stream.indirect.scatter.add.f32 [tilespmem:s20], [sflag:$0x2], $0x80, s19, s19, $0xb8;
	[tilespmem:$0x1C100] =	vst v63  }
0x59: {  	_ =	swait.ge [sflag:s18], $0x4000  }
0x5a: {  	[sflag:s18] =	ssyncset.done $0x0  }
0x5b: {  	[sflag:s18] =	ssyncadd.s32 $0xFFFFC000  }
0x5c: {  	s24 =	sshrl.u32 s6, $0x3;
	[bflag:$0x0] =	sbarrier.arrive $0xFFFF  }
0x5d: {  	[hbm:s11], [sflag:s22] =	dma.local [spmem:s24], $0x2800  }
0x5e: {  	_ =	swait.ge [sflag:s18], $0x2800  }
0x5f: {  	[sflag:s18] =	ssyncset.done $0x0  }
0x60: {  	[sflag:s18] =	ssyncadd.s32 $0xFFFFD800  }
0x61: {  	[bflag:$0x0] =	sbarrier.arrive $0xFFFF  }
0x62: {  	[spmem:s6] =	stream.linear.scatter [tilespmem:s17], [sflag:$0x2], $0x4000, $0x38;
	[tilespmem:$0x1C100] =	vst v63  }
0x63: {  	_ =	swait.ge [sflag:s18], $0x4000  }
0x64: {  	[sflag:s18] =	ssyncset.done $0x0  }
0x65: {  	[sflag:s18] =	ssyncadd.s32 $0xFFFFC000  }
0x66: {  	[spmem:s7] =	stream.linear.scatter [tilespmem:s17], [sflag:$0x2], $0x4000, $0x38;
	[tilespmem:$0x1C100] =	vst v63  }
0x67: {  	_ =	swait.ge [sflag:s18], $0x4000  }
0x68: {  	[sflag:s18] =	ssyncset.done $0x0  }
0x69: {  	[sflag:s18] =	ssyncadd.s32 $0xFFFFC000  }
0x6a: {  	[spmem:s8] =	stream.linear.scatter [tilespmem:s17], [sflag:$0x2], $0x4000, $0x38;
	[tilespmem:$0x1C100] =	vst v63  }
0x6b: {  	_ =	swait.ge [sflag:s18], $0x4000  }
0x6c: {  	[sflag:s18] =	ssyncset.done $0x0  }
0x6d: {  	[sflag:s18] =	ssyncadd.s32 $0xFFFFC000  }
0x6e: {  	[spmem:s9] =	stream.linear.scatter [tilespmem:s17], [sflag:$0x2], $0x4000, $0x38;
	[tilespmem:$0x1C100] =	vst v63  }
0x6f: {  	_ =	swait.ge [sflag:s18], $0x4000  }
0x70: {  	[sflag:s18] =	ssyncset.done $0x0  }
0x71: {  	[sflag:s18] =	ssyncadd.s32 $0xFFFFC000  }
0x72: {  	[spmem:s10] =	stream.linear.scatter [tilespmem:s17], [sflag:$0x2], $0x4000, $0x38;
	[tilespmem:$0x1C100] =	vst v63  }
0x73: {  	_ =	swait.ge [sflag:s18], $0x4000  }
0x74: {  	[sflag:s18] =	ssyncset.done $0x0  }
0x75: {  	[sflag:s18] =	ssyncadd.s32 $0xFFFFC000  }
0x76: {  	s30 =	sadd.s32 $0x0, s16;
	[bflag:$0x0] =	sbarrier.arrive $0xFFFF  }
0x77: {  	[tilespmem:s3], [sflag:$0x2] =	stream.linear.gather [hbm4b:s30+s3], $0x80, $0x38;
	[tilespmem:$0x1C100] =	vst v63  }
0x78: {  	_ =	swait.ge [sflag:s18], $0x80  }
0x79: {  	[sflag:s18] =	ssyncset.done $0x0  }
0x7a: {  	s31 =	sadd.s32 $0x0, s15;
	[sflag:s18] =	ssyncadd.s32 $0xFFFFFF80  }
0x7b: {  	[tilespmem:s19], [sflag:$0x2] =	stream.linear.gather [hbm4b:s31+s3], $0x80, $0x38;
	[tilespmem:$0x1C100] =	vst v63  }
0x7c: {  	_ =	swait.ge [sflag:s18], $0x80  }
0x7d: {  	[sflag:s18] =	ssyncset.done $0x0  }
0x7e: {  	[sflag:s18] =	ssyncadd.s32 $0xFFFFFF80  }
0x7f: {  	[tilespmem:s20], [sflag:$0x1] =	stream.indirect.gather [hbm4b:s12+s19], $0x80, s3, s19, $0xb8;
	[tilespmem:$0x1C100] =	vst v63  }
0x80: {  	_ =	swait.ge [sflag:s21], $0x4000  }
0x81: {  	[sflag:s21] =	ssyncset.done $0x0  }
0x82: {  	[sflag:s21] =	ssyncadd.s32 $0xFFFFC000  }
0x83: {  	[spmem:s1] =	stream.indirect.scatter.add.f32 [tilespmem:s20], [sflag:$0x2], $0x80, s19, s19, $0xb8;
	[tilespmem:$0x1C100] =	vst v63  }
0x84: {  	_ =	swait.ge [sflag:s18], $0x4000  }
0x85: {  	s26 =	simm.s32 $0x20;
	s25 =	simm.s32 $0x10;
	[sflag:s18] =	ssyncset.done $0x0  }
.LBB2_4:
0x86: {  	s28 =	sadd.s32 s25, s16  }
0x87: {  	[sflag:s18] =	ssyncadd.s32 $0xFFFFC000;
	s29 =	smov.u32 s26;
	s30 =	sadd.s32 $0x10, s26  }
0x88: {  	[tilespmem:s3], [sflag:$0x2] =	stream.linear.gather [hbm4b:s28+s3], $0x80, $0x38;
	[tilespmem:$0x1C100] =	vst v63  }
0x89: {  	p0 =	sne.s32 s26, $0x270;
	_ =	swait.ge [sflag:s18], $0x80  }
0x8a: {  	[sflag:s18] =	ssyncset.done $0x0  }
0x8b: {  	s26 =	sadd.s32 s25, s15;
	s25 =	smov.u32 s29;
	[sflag:s18] =	ssyncadd.s32 $0xFFFFFF80  }
0x8c: {  	[tilespmem:s19], [sflag:$0x2] =	stream.linear.gather [hbm4b:s26+s3], $0x80, $0x38;
	[tilespmem:$0x1C100] =	vst v63  }
0x8d: {  	_ =	swait.ge [sflag:s18], $0x80  }
0x8e: {  	[sflag:s18] =	ssyncset.done $0x0  }
0x8f: {  	[sflag:s18] =	ssyncadd.s32 $0xFFFFFF80  }
0x90: {  	[tilespmem:s20], [sflag:$0x1] =	stream.indirect.gather [hbm4b:s12+s19], $0x80, s3, s19, $0xb8;
	[tilespmem:$0x1C100] =	vst v63  }
0x91: {  	_ =	swait.ge [sflag:s21], $0x4000  }
.Ltmp1:
0x92: {  	[sflag:s21] =	ssyncset.done $0x0;
	(pc) =	sbr.rel @p0 .LBB2_4-.Ltmp1, $4  }
0x93: {  	[sflag:s21] =	ssyncadd.s32 $0xFFFFC000  }
0x94: {  	[spmem:s1] =	stream.indirect.scatter.add.f32 [tilespmem:s20], [sflag:$0x2], $0x80, s19, s19, $0xb8;
	[tilespmem:$0x1C100] =	vst v63  }
0x95: {  	_ =	swait.ge [sflag:s18], $0x4000  }
0x96: {  	s26 =	smov.u32 s30;
	[sflag:s18] =	ssyncset.done $0x0  }
0x97: {  	s26 =	sadd.s32 s25, s16;
	[sflag:s18] =	ssyncadd.s32 $0xFFFFC000  }
0x98: {  	[tilespmem:s3], [sflag:$0x2] =	stream.linear.gather [hbm4b:s26+s3], $0x80, $0x38;
	[tilespmem:$0x1C100] =	vst v63  }
0x99: {  	_ =	swait.ge [sflag:s18], $0x80  }
0x9a: {  	[sflag:s18] =	ssyncset.done $0x0  }
0x9b: {  	s31 =	sadd.s32 s25, s15;
	[sflag:s18] =	ssyncadd.s32 $0xFFFFFF80  }
0x9c: {  	[tilespmem:s19], [sflag:$0x2] =	stream.linear.gather [hbm4b:s31+s3], $0x80, $0x38;
	[tilespmem:$0x1C100] =	vst v63  }
0x9d: {  	_ =	swait.ge [sflag:s18], $0x80  }
0x9e: {  	[sflag:s18] =	ssyncset.done $0x0  }
0x9f: {  	[sflag:s18] =	ssyncadd.s32 $0xFFFFFF80  }
0xa0: {  	[tilespmem:s20], [sflag:$0x1] =	stream.indirect.gather [hbm4b:s12+s19], $0x80, s3, s19, $0xb8;
	[tilespmem:$0x1C100] =	vst v63  }
0xa1: {  	_ =	swait.ge [sflag:s21], $0x4000  }
0xa2: {  	[sflag:s21] =	ssyncset.done $0x0  }
0xa3: {  	[sflag:s21] =	ssyncadd.s32 $0xFFFFC000  }
0xa4: {  	[spmem:s1] =	stream.indirect.scatter.add.f32 [tilespmem:s20], [sflag:$0x2], $0x80, s19, s19, $0xb8;
	[tilespmem:$0x1C100] =	vst v63  }
0xa5: {  	_ =	swait.ge [sflag:s18], $0x4000  }
0xa6: {  	[sflag:s18] =	ssyncset.done $0x0  }
0xa7: {  	s23 =	sadd.s32 $0x1, s23;
	[sflag:s18] =	ssyncadd.s32 $0xFFFFC000  }
0xa8: {  	p0 =	sne.s32 s23, s14;
	[bflag:$0x0] =	sbarrier.arrive $0xFFFF  }
0xa9: {  	[hbm:s13], [sflag:s22] =	dma.local [spmem:s24], $0x2800  }
.Ltmp2:
0xaa: {  	_ =	swait.ge [sflag:s18], $0x2800;
	(pc) =	sbr.rel @p0 .LBB2_1-.Ltmp2, $3  }
0xab: {  	[sflag:s18] =	ssyncset.done $0x0  }
0xac: {  	[sflag:s18] =	ssyncadd.s32 $0xFFFFD800  }
0xad: {  	[bflag:$0x0] =	sbarrier.arrive $0xFFFF;
	_ =	sdelay $0x1  }
0xae: {  	_ =	sfence.sel $0x180000  }
0xaf: {  	[bflag:$0x0] =	sbarrier.arrive $0xFFFF  }
0xb0: {  	p0 =	sne.s32 s2, $0x0;
	_ =	strace $0x9000004D  }
0xb1: {  	s0 =	sadd.s32 @!p0 $0x100000, s0;
	[bflag:$0x2] =	sbarrier.arrive $0xFFFF  }
0xb2: {  	[sflag:s0] =	ssyncadd.tile.s32 @!p0 $0x1;
	_ =	shalt  }
.Lfunc_end2:
_tile_overlayer_lowered:
.L_overlay_start_2:
0xb3: {  	(tag) =	ssettag $0x2  }
0xb4: {  	s0 =	rddreg [dreg:$0x0];
	s2 =	stileid.u32  }
0xb5: {  	s1 =	rddreg [dreg:$0x1];
	p0 =	sne.s32 s2, $0x0  }
0xb6: {  	s3 =	rddreg [dreg:$0x2];
	[bflag:$0x3] =	sbarrier.arrive $0xFFFF;
	s2 =	simm.s32 @!p0 $0x1C02  }
0xb7: {  	[timem:s3], [sflag:s2] =	dma.local @!p0 [hbm:s0], s1  }
0xb8: {  	s0 =	simm.s32 @!p0 $0x2  }
0xb9: {  	_ =	swait.ge @!p0 [sflag:s0], s1  }
0xba: {  	s1 =	ssub.s32 @!p0 $0x0, s1;
	[sflag:s0] =	ssyncset.done @!p0 $0x0  }
0xbb: {  	[sflag:s0] =	ssyncadd.s32 @!p0 s1  }
0xbc: {  	[bflag:$0x3] =	sbarrier.arrive $0xFFFF  }
0xbd: {  	_ =	shalt  }

// kernel: kernel.21.cloned.1.call-start
scs
__scs_entry_jumppad:
0x0: {  	(pc) =	sbr.rel $0x88, $3  }
0x1: {  	(tag) =	ssettag $0x0;
	lr =	simm.s32 $0x1  }
0x2: {  	[smem:$0x3F9B] =	sst lr;
	_ =	strace $0xD0000000  }
0x3: {  	_ = 	snop  }
0x4: {  	_ = 	snop  }
0x5: {  	_ = 	snop  }
0x6: {  	_ = 	snop  }
0x7: {  	_ = 	snop  }
__scs_overlays_trampoline_lowered:
0x8: {  	[smem:$0x3FAA] =	sst s0  }
0x9: {  	[smem:$0x3FAB] =	sst s1  }
0xa: {  	[smem:$0x3FAC] =	sst s2  }
0xb: {  	[smem:$0x3FAD] =	sst s3  }
0xc: {  	[smem:$0x3FAE] =	sst s4  }
0xd: {  	[smem:$0x3FAF] =	sst s5  }
0xe: {  	[smem:$0x3FB0] =	sst s6  }
0xf: {  	[smem:$0x3FB1] =	sst s7  }
0x10: {  	[smem:$0x3FB2] =	sst s8  }
0x11: {  	[smem:$0x3FB3] =	sst s9;
	s0 =	simm.s32 @!p0 $0x0  }
0x12: {  	s1 =	sld [smem:$0x3F99];
	s0 =	simm.s32 @p0 $0x1  }
0x13: {  	[smem:$0x3FB4] =	sst s0;
	s0 =	simm.s32 @!p1 $0x0  }
0x14: {  	s2 =	sld [smem:$0x3F98];
	s0 =	simm.s32 @p1 $0x1  }
0x15: {  	[smem:$0x3FB5] =	sst s0;
	s0 =	simm.s32 @!p2 $0x0  }
0x16: {  	s3 =	sld [smem:$0x3FDB];
	s0 =	simm.s32 @p2 $0x1  }
0x17: {  	s4 =	simm.s32 $0x1BF5;
	[smem:$0x3FB7] =	sst s0  }
0x18: {  	s0 =	sld [smem:$0x3F9A];
	_ =	swait.ge [sflag:s4], $0x0  }
0x19: {  	s7 =	sld [smem:$0x3F9B]  }
0x1a: {  	s8 =	sadd.s32 $0xFFFFE003, lr  }
0x1b: {  	s9 =	sadd.s32 $0xFFFFFEF7, lr;
	s5 =	simm.s32 $0xFFFFFFFF;
	p2 =	slt.u32 s8, $0xFFFFF086  }
0x1c: {  	p1 =	slt.u32 s9, $0xF7A;
	s5 =	simm.s32 @!p2 $0x0  }
0x1d: {  	s5 =	simm.s32 @p1 $0x1;
	p0 =	seq.s32 s7, s2  }
0x1e: {  	s7 =	smul.u32 @!p0 $0xF7A, s2;
	p2 =	seq.s32 @!p0 s5, $0x0  }
0x1f: {  	s9 =	smul.u32 $0xF7A, s1;
	s8 =	simm.s32 @!p0 $0x1BF5;
	p2 =	por !p2, p0  }
0x20: {  	[sflag:s8] =	ssyncset.s32 @!p0 $0xFFFFF086;
	s6 =	sadd.s32 @!p0 s3, s7;
	s7 =	simm.s32 @!p0 $0x108  }
0x21: {  	s3 =	sadd.s32 s3, s9;
	s6 =	sadd.s32 @!p0 $0x88, s6;
	s7 =	simm.s32 @p2 $0x1082  }
0x22: {  	[simem:s7], [sflag:s8] =	dma.local @!p0 [hbm:s6], $0xF7A  }
0x23: {  	s9 =	sor.u32 $0xD0000000, s2;
	s6 =	simm.s32 $0x108;
	_ =	swait.ge @!p0 [sflag:s8], $0x0  }
0x24: {  	s3 =	sadd.s32 $0x88, s3;
	s6 =	simm.s32 @!p1 $0x1082;
	[sflag:s4] =	ssyncset.s32 $0xFFFFF086  }
0x25: {  	[simem:s6], [sflag:s4] =	dma.local [hbm:s3], $0xF7A  }
0x26: {  	[smem:$0x3F9B] =	sst s1;
	(tag) =	ssettag s2;
	_ =	strace s9  }
0x27: {  	s1 =	sld [smem:$0x3FAB]  }
0x28: {  	s2 =	sld [smem:$0x3FAC]  }
0x29: {  	s4 =	sld [smem:$0x3FAE]  }
0x2a: {  	p0 =	seq.s32 s5, $0x0;
	s5 =	sld [smem:$0x3FAF]  }
0x2b: {  	s6 =	sld [smem:$0x3FB0]  }
0x2c: {  	s7 =	sld [smem:$0x3FB1]  }
0x2d: {  	s3 =	simm.s32 $0x108;
	s8 =	sld [smem:$0x3FB2]  }
0x2e: {  	s3 =	simm.s32 @!p0 $0x1082;
	s9 =	sld [smem:$0x3FB3]  }
0x2f: {  	lr =	sadd.s32 s0, s3;
	s0 =	sld [smem:$0x3FAA]  }
0x30: {  	s3 =	sld [smem:$0x3FAD]  }
0x31: {  	[smem:$0x3FB6] =	sst s10  }
0x32: {  	s10 =	sld [smem:$0x3FB4];
	_ =	sdelay $0x3  }
0x33: {  	p0 =	seq.s32 s10, $0x1;
	s10 =	sld [smem:$0x3FB6];
	_ =	sdelay $0x3  }
0x34: {  	[smem:$0x3FB6] =	sst s10  }
0x35: {  	s10 =	sld [smem:$0x3FB5];
	_ =	sdelay $0x3  }
0x36: {  	p1 =	seq.s32 s10, $0x1;
	s10 =	sld [smem:$0x3FB6];
	_ =	sdelay $0x3  }
0x37: {  	[smem:$0x3FB6] =	sst s10  }
0x38: {  	s10 =	sld [smem:$0x3FB7]  }
0x39: {  	_ = 	snop;
	(pc) =	sbr.ind lr, $3  }
0x3a: {  	_ = 	snop  }
0x3b: {  	_ = 	snop  }
0x3c: {  	p2 =	seq.s32 s10, $0x1;
	s10 =	sld [smem:$0x3FB6]  }
0x3d: {  	_ =	shalt  }
0x3e: {  	_ =	shalt  }
0x3f: {  	_ =	shalt  }
0x40: {  	_ =	shalt  }
0x41: {  	_ =	shalt  }
0x42: {  	_ =	shalt  }
0x43: {  	_ =	shalt  }
0x44: {  	_ =	shalt  }
0x45: {  	_ =	shalt  }
0x46: {  	_ =	shalt  }
0x47: {  	_ =	shalt  }
0x48: {  	_ =	shalt  }
0x49: {  	_ =	shalt  }
0x4a: {  	_ =	shalt  }
0x4b: {  	_ =	shalt  }
0x4c: {  	_ =	shalt  }
0x4d: {  	_ =	shalt  }
0x4e: {  	_ =	shalt  }
0x4f: {  	_ =	shalt  }
0x50: {  	_ =	shalt  }
0x51: {  	_ =	shalt  }
0x52: {  	_ =	shalt  }
0x53: {  	_ =	shalt  }
0x54: {  	_ =	shalt  }
0x55: {  	_ =	shalt  }
0x56: {  	_ =	shalt  }
0x57: {  	_ =	shalt  }
0x58: {  	_ =	shalt  }
0x59: {  	_ =	shalt  }
0x5a: {  	_ =	shalt  }
0x5b: {  	_ =	shalt  }
0x5c: {  	_ =	shalt  }
0x5d: {  	_ =	shalt  }
0x5e: {  	_ =	shalt  }
0x5f: {  	_ =	shalt  }
0x60: {  	_ =	shalt  }
0x61: {  	_ =	shalt  }
0x62: {  	_ =	shalt  }
0x63: {  	_ =	shalt  }
0x64: {  	_ =	shalt  }
0x65: {  	_ =	shalt  }
0x66: {  	_ =	shalt  }
0x67: {  	_ =	shalt  }
0x68: {  	_ =	shalt  }
0x69: {  	_ =	shalt  }
0x6a: {  	_ =	shalt  }
0x6b: {  	_ =	shalt  }
0x6c: {  	_ =	shalt  }
0x6d: {  	_ =	shalt  }
0x6e: {  	_ =	shalt  }
0x6f: {  	_ =	shalt  }
0x70: {  	_ =	shalt  }
0x71: {  	_ =	shalt  }
0x72: {  	_ =	shalt  }
0x73: {  	_ =	shalt  }
0x74: {  	_ =	shalt  }
0x75: {  	_ =	shalt  }
0x76: {  	_ =	shalt  }
0x77: {  	_ =	shalt  }
0x78: {  	_ =	shalt  }
0x79: {  	_ =	shalt  }
0x7a: {  	_ =	shalt  }
0x7b: {  	_ =	shalt  }
0x7c: {  	_ =	shalt  }
0x7d: {  	_ =	shalt  }
0x7e: {  	_ =	shalt  }
0x7f: {  	_ =	shalt  }
0x80: {  	_ =	shalt  }
0x81: {  	_ =	shalt  }
0x82: {  	_ =	shalt  }
0x83: {  	_ =	shalt  }
0x84: {  	_ =	shalt  }
0x85: {  	_ =	shalt  }
0x86: {  	_ =	shalt  }
0x87: {  	_ =	shalt  }
.Lfunc_end0:
.L_simem_size_0:
called_computation.3_lowered:
.L_overlay_start_0:
0x88: {  	s2 =	sld [smem:$0x3FD9]  }
0x89: {  	s3 =	sld [smem:$0x3FFE];
	_ =	sdelay $0x1  }
0x8a: {  	s1 =	srdreg.scid  }
0x8b: {  	s0 =	sand.u32 $0x1, s1  }
0x8c: {  	s17 =	sshll.u32 s0, $0xA;
	s2 =	sadd.s32 s3, s2  }
0x8d: {  	s2 =	sadd.s32 s2, s17  }
0x8e: {  	[smem:$0x3FC2] =	sst s2  }
0x8f: {  	_ = 	snop  }
0x90: {  	s2 =	sld [smem:$0x3FD0];
	(tm) =	ssettm $0x1  }
0x91: {  	s18 =	sld [smem:$0x3FFB];
	_ =	sdelay $0x3  }
0x92: {  	_ =	strace s18  }
0x93: {  	s3 =	sld [smem:$0x3FFC];
	_ =	sdelay $0x3  }
0x94: {  	_ =	strace s3  }
0x95: {  	s3 =	sld [smem:$0x3FFD];
	_ =	sdelay $0x3  }
0x96: {  	_ =	strace s3  }
0x97: {  	_ =	strace $0x8FFFFFFF  }
0x98: {  	s19 =	sld [smem:$0x3FDB];
	_ =	sdelay $0x1  }
0x99: {  	s4 =	simm.s32 $_scs_section_size  }
0x9a: {  	s5 =	simm.s32 $_size__tile_overlayer_lowered;
	s6 =	simm.s32 $_tile_overlayer_lowered  }
0x9b: {  	s22 =	simm.s32 $0x1BFF;
	s21 =	sshll.u32 s6, $0x1;
	s3 =	sadd.s32 s4, s19  }
0x9c: {  	s7 =	simm.s32 $0x0;
	s20 =	sshll.u32 s5, $0x1;
	s5 =	sadd.s32 s21, s3  }
0x9d: {  	[timem:s7], [sflag:s22] =	dma.local [hbm:s5], s20  }
0x9e: {  	_ =	swait.ge [sflag:s22], s20  }
0x9f: {  	s4 =	ssub.s32 $0x0, s20;
	[sflag:s22] =	ssyncset.done $0x0  }
0xa0: {  	[sflag:s22] =	ssyncadd.s32 s4;
	_ =	sdelay $0x1  }
0xa1: {  	s23 =	simm.s32 $0x1B8B  }
0xa2: {  	_ =	swait.ge [sflag:s23], $0x1  }
0xa3: {  	[sflag:s23] =	ssyncset.done $0x0  }
0xa4: {  	s25 =	simm.s32 $0x1B8E;
	s24 =	sld [smem:$0x3FFE];
	[sflag:s23] =	ssyncadd.s32 $0xFFFFFFFF  }
0xa5: {  	s26 =	simm.s32 $execute0_lowered;
	[smem:$0x3FD2] =	sst s25  }
0xa6: {  	s5 =	sshll.u32 s26, $0x1;
	_ =	strace $0x8000004F;
	[dreg:$0x1] =	wrdreg $0xFFFFFFFF  }
0xa7: {  	s28 =	simm.s32 $_size_execute0_lowered;
	s3 =	sadd.s32 s3, s5;
	[dreg:$0x0] =	wrdreg $0x0  }
0xa8: {  	s5 =	sshll.u32 s28, $0x1;
	[dreg:$0x2] =	wrdreg s3  }
0xa9: {  	[dreg:$0x3] =	wrdreg s5  }
0xaa: {  	[dreg:$0x4] =	wrdreg $0xC0  }
0xab: {  	_ =	task [dreg:s7], $0x5FFFF  }
0xac: {  	[dreg:$0x1] =	wrdreg $0xFFFFFFFF  }
0xad: {  	[dreg:$0x0] =	wrdreg $0x60  }
0xae: {  	[dreg:$0x2] =	wrdreg s24  }
0xaf: {  	[dreg:$0x3] =	wrdreg s2  }
0xb0: {  	[dreg:$0x4] =	wrdreg $0x81000  }
0xb1: {  	[dreg:$0x5] =	wrdreg $0x9  }
0xb2: {  	_ =	task.clear_ibuf [dreg:s7], $0x6FFFF;
	_ =	strace $0x9000004F  }
0xb3: {  	s29 =	simm.s32 $0x9;
	_ =	strace $0x80000051  }
0xb4: {  	_ =	swait.ge [sflag:s29], $0x1  }
0xb5: {  	[sflag:s29] =	ssyncadd.s32 $0xFFFFFFFF  }
0xb6: {  	_ =	strace $0x90000051  }
0xb7: {  	_ =	sfence  }
0xb8: {  	s30 =	sld [smem:$0x0];
	_ =	sdelay $0x2  }
0xb9: {  	s31 =	sshll.u32 s1, $0xD;
	s1 =	sshrl.u32 s1, $0x2  }
0xba: {  	s3 =	sand.u32 $0x4000, s31;
	s1 =	sadd.s32 s1, s30  }
0xbb: {  	s0 =	sor.u32 s3, s0;
	s1 =	sshll.u32 s1, $0x11  }
0xbc: {  	s0 =	sor.u32 s1, s0  }
0xbd: {  	s0 =	sadd.s32 $0x8F2B, s0  }
0xbe: {  	[sflag:s0] =	ssyncadd.remote.s32 $0x1  }
0xbf: {  	_ =	sfence.sel $0xFFFF  }
0xc0: {  	[dreg:$0x0] =	wrdreg $0xFFFFFFFF;
	(pc) =	sbr.abs _section_cstart, $3  }
0xc1: {  	[dreg:$0x1] =	wrdreg $0xFFFFFFFF  }
0xc2: {  	_ =	task.clear_ibuf [dreg:s7], $0x2FFFF;
	_ =	strace $0x9FFFFFFF  }
0xc3: {  	(tm) =	ssettm $0x7FFFFFFF  }
tec
execute0_lowered:
.L_overlay_start_1:
0x0: {  	(tag) =	ssettag $0x1  }
0x1: {  	s6 =	rddreg [dreg:$0x0]  }
0x2: {  	s12 =	rddreg [dreg:$0x1];
	s0 =	srdreg.scid  }
0x3: {  	s1 =	rddreg [dreg:$0x2];
	s3 =	simm.s32 $0x0;
	s2 =	stileid.u32  }
0x4: {  	s17 =	simm.s32 $0x80;
	s18 =	simm.s32 $0x100;
	s9 =	smul.u32 $0x14000, s2  }
0x5: {  	s19 =	simm.s32 $0x1;
	s22 =	simm.s32 $0x0;
	s10 =	smul.u32 $0x50000, s2  }
0x6: {  	s7 =	sand.u32 $0x1, s0;
	s0 =	rddreg [dreg:$0x3];
	s16 =	smul.u32 $0x280, s2  }
0x7: {  	[smem:$0x7FF] =	sst s3;
	s4 =	sadd.s32 $0xA9400, s6;
	s13 =	smul.u32 $0x2800, s7  }
0x8: {  	s5 =	sadd.s32 $0x8400, s6;
	s20 =	sshll.u32 s2, $0x6;
	s8 =	smul.u32 $0x140000, s7  }
0x9: {  	_ =	strace $0x80000050;
	s7 =	ssub.s32 $0x2, s7;
	s20 =	sor.u32 $0x1C02, s20  }
0xa: {  	s30 =	sshrl.u32 s10, $0x2;
	s31 =	sshrl.u32 s7, $0x1;
	s14 =	sadd.s32 s13, s6  }
0xb: {  	s8 =	sadd.s32 s9, s8;
	s15 =	ssub.s32 s7, s31;
	s13 =	sadd.s32 s13, s12  }
0xc: {  	s8 =	sshrl.u32 s8, $0x3;
	s14 =	sadd.s32 s16, s14;
	s12 =	smax.u32 s15, $0x1  }
0xd: {  	s13 =	sadd.s32 s16, s13;
	s15 =	simm.s32 $0x4100;
	s16 =	simm.s32 $0x2  }
0xe: {  	s11 =	sadd.s32 s8, s6;
	s6 =	sadd.s32 s30, s1;
	s14 =	sadd.s32 $0x3400, s14  }
0xf: {  	s7 =	sadd.s32 $0x4000, s6;
	s8 =	sadd.s32 $0x8000, s6;
	s9 =	sadd.s32 $0xC000, s6  }
0x10: {  	s10 =	sadd.s32 $0x10000, s6;
	s11 =	sadd.s32 $0xD1400, s11;
	s21 =	sshrl.u32 s6, $0x3  }
.LBB2_1:
0x11: {  	[tilespmem:s15], [sflag:$0x2] =	stream.linear.gather [hbm4b:s5+s3], $0x4000, $0x38;
	[tilespmem:$0x1C100] =	vst v63  }
0x12: {  	_ =	swait.ge [sflag:s16], $0x4000  }
0x13: {  	[sflag:s16] =	ssyncset.done $0x0  }
0x14: {  	[sflag:s16] =	ssyncadd.s32 $0xFFFFC000  }
0x15: {  	[spmem:s6] =	stream.linear.scatter [tilespmem:s15], [sflag:$0x2], $0x4000, $0x38;
	[tilespmem:$0x1C100] =	vst v63  }
0x16: {  	_ =	swait.ge [sflag:s16], $0x4000  }
0x17: {  	[sflag:s16] =	ssyncset.done $0x0  }
0x18: {  	[sflag:s16] =	ssyncadd.s32 $0xFFFFC000  }
0x19: {  	[spmem:s7] =	stream.linear.scatter [tilespmem:s15], [sflag:$0x2], $0x4000, $0x38;
	[tilespmem:$0x1C100] =	vst v63  }
0x1a: {  	_ =	swait.ge [sflag:s16], $0x4000  }
0x1b: {  	[sflag:s16] =	ssyncset.done $0x0  }
0x1c: {  	[sflag:s16] =	ssyncadd.s32 $0xFFFFC000  }
0x1d: {  	[spmem:s8] =	stream.linear.scatter [tilespmem:s15], [sflag:$0x2], $0x4000, $0x38;
	[tilespmem:$0x1C100] =	vst v63  }
0x1e: {  	_ =	swait.ge [sflag:s16], $0x4000  }
0x1f: {  	[sflag:s16] =	ssyncset.done $0x0  }
0x20: {  	[sflag:s16] =	ssyncadd.s32 $0xFFFFC000  }
0x21: {  	[spmem:s9] =	stream.linear.scatter [tilespmem:s15], [sflag:$0x2], $0x4000, $0x38;
	[tilespmem:$0x1C100] =	vst v63  }
0x22: {  	_ =	swait.ge [sflag:s16], $0x4000  }
0x23: {  	[sflag:s16] =	ssyncset.done $0x0  }
0x24: {  	[sflag:s16] =	ssyncadd.s32 $0xFFFFC000  }
0x25: {  	[spmem:s10] =	stream.linear.scatter [tilespmem:s15], [sflag:$0x2], $0x4000, $0x38;
	[tilespmem:$0x1C100] =	vst v63  }
0x26: {  	_ =	swait.ge [sflag:s16], $0x4000  }
0x27: {  	[sflag:s16] =	ssyncset.done $0x0  }
0x28: {  	[sflag:s16] =	ssyncadd.s32 $0xFFFFC000  }
0x29: {  	s23 =	sadd.s32 $0x0, s14;
	[bflag:$0x0] =	sbarrier.arrive $0xFFFF  }
0x2a: {  	[tilespmem:s3], [sflag:$0x2] =	stream.linear.gather [hbm4b:s23+s3], $0x80, $0x38;
	[tilespmem:$0x1C100] =	vst v63  }
0x2b: {  	_ =	swait.ge [sflag:s16], $0x80  }
0x2c: {  	[sflag:s16] =	ssyncset.done $0x0  }
0x2d: {  	s31 =	sadd.s32 $0x0, s13;
	[sflag:s16] =	ssyncadd.s32 $0xFFFFFF80  }
0x2e: {  	[tilespmem:s17], [sflag:$0x2] =	stream.linear.gather [hbm4b:s31+s3], $0x80, $0x38;
	[tilespmem:$0x1C100] =	vst v63  }
0x2f: {  	_ =	swait.ge [sflag:s16], $0x80  }
0x30: {  	[sflag:s16] =	ssyncset.done $0x0  }
0x31: {  	[sflag:s16] =	ssyncadd.s32 $0xFFFFFF80  }
0x32: {  	[tilespmem:s18], [sflag:$0x1] =	stream.indirect.gather [hbm4b:s4+s17], $0x80, s3, s17, $0xb8;
	[tilespmem:$0x1C100] =	vst v63  }
0x33: {  	_ =	swait.ge [sflag:s19], $0x4000  }
0x34: {  	[sflag:s19] =	ssyncset.done $0x0  }
0x35: {  	[sflag:s19] =	ssyncadd.s32 $0xFFFFC000  }
0x36: {  	[spmem:s1] =	stream.indirect.scatter.add.f32 [tilespmem:s18], [sflag:$0x2], $0x80, s17, s17, $0xb8;
	[tilespmem:$0x1C100] =	vst v63  }
0x37: {  	_ =	swait.ge [sflag:s16], $0x4000  }
0x38: {  	s24 =	simm.s32 $0x20;
	s23 =	simm.s32 $0x10;
	[sflag:s16] =	ssyncset.done $0x0  }
.LBB2_2:
0x39: {  	s25 =	sadd.s32 s23, s14  }
0x3a: {  	[sflag:s16] =	ssyncadd.s32 $0xFFFFC000;
	s26 =	smov.u32 s24;
	s28 =	sadd.s32 $0x10, s24  }
0x3b: {  	[tilespmem:s3], [sflag:$0x2] =	stream.linear.gather [hbm4b:s25+s3], $0x80, $0x38;
	[tilespmem:$0x1C100] =	vst v63  }
0x3c: {  	p0 =	sne.s32 s24, $0x270;
	_ =	swait.ge [sflag:s16], $0x80  }
0x3d: {  	[sflag:s16] =	ssyncset.done $0x0  }
0x3e: {  	s24 =	sadd.s32 s23, s13;
	s23 =	smov.u32 s26;
	[sflag:s16] =	ssyncadd.s32 $0xFFFFFF80  }
0x3f: {  	[tilespmem:s17], [sflag:$0x2] =	stream.linear.gather [hbm4b:s24+s3], $0x80, $0x38;
	[tilespmem:$0x1C100] =	vst v63  }
0x40: {  	_ =	swait.ge [sflag:s16], $0x80  }
0x41: {  	[sflag:s16] =	ssyncset.done $0x0  }
0x42: {  	[sflag:s16] =	ssyncadd.s32 $0xFFFFFF80  }
0x43: {  	[tilespmem:s18], [sflag:$0x1] =	stream.indirect.gather [hbm4b:s4+s17], $0x80, s3, s17, $0xb8;
	[tilespmem:$0x1C100] =	vst v63  }
0x44: {  	_ =	swait.ge [sflag:s19], $0x4000  }
.Ltmp0:
0x45: {  	[sflag:s19] =	ssyncset.done $0x0;
	(pc) =	sbr.rel @p0 .LBB2_2-.Ltmp0, $4  }
0x46: {  	[sflag:s19] =	ssyncadd.s32 $0xFFFFC000  }
0x47: {  	[spmem:s1] =	stream.indirect.scatter.add.f32 [tilespmem:s18], [sflag:$0x2], $0x80, s17, s17, $0xb8;
	[tilespmem:$0x1C100] =	vst v63  }
0x48: {  	_ =	swait.ge [sflag:s16], $0x4000  }
0x49: {  	s24 =	smov.u32 s28;
	[sflag:s16] =	ssyncset.done $0x0  }
0x4a: {  	s24 =	sadd.s32 s23, s14;
	[sflag:s16] =	ssyncadd.s32 $0xFFFFC000  }
0x4b: {  	[tilespmem:s3], [sflag:$0x2] =	stream.linear.gather [hbm4b:s24+s3], $0x80, $0x38;
	[tilespmem:$0x1C100] =	vst v63  }
0x4c: {  	_ =	swait.ge [sflag:s16], $0x80  }
0x4d: {  	[sflag:s16] =	ssyncset.done $0x0  }
0x4e: {  	s31 =	sadd.s32 s23, s13;
	[sflag:s16] =	ssyncadd.s32 $0xFFFFFF80  }
0x4f: {  	[tilespmem:s17], [sflag:$0x2] =	stream.linear.gather [hbm4b:s31+s3], $0x80, $0x38;
	[tilespmem:$0x1C100] =	vst v63  }
0x50: {  	_ =	swait.ge [sflag:s16], $0x80  }
0x51: {  	[sflag:s16] =	ssyncset.done $0x0  }
0x52: {  	[sflag:s16] =	ssyncadd.s32 $0xFFFFFF80  }
0x53: {  	[tilespmem:s18], [sflag:$0x1] =	stream.indirect.gather [hbm4b:s4+s17], $0x80, s3, s17, $0xb8;
	[tilespmem:$0x1C100] =	vst v63  }
0x54: {  	_ =	swait.ge [sflag:s19], $0x4000  }
0x55: {  	[sflag:s19] =	ssyncset.done $0x0  }
0x56: {  	[sflag:s19] =	ssyncadd.s32 $0xFFFFC000  }
0x57: {  	[spmem:s1] =	stream.indirect.scatter.add.f32 [tilespmem:s18], [sflag:$0x2], $0x80, s17, s17, $0xb8;
	[tilespmem:$0x1C100] =	vst v63  }
0x58: {  	_ =	swait.ge [sflag:s16], $0x4000  }
0x59: {  	[sflag:s16] =	ssyncset.done $0x0  }
0x5a: {  	s22 =	sadd.s32 $0x1, s22;
	[sflag:s16] =	ssyncadd.s32 $0xFFFFC000  }
0x5b: {  	p0 =	sne.s32 s22, s12;
	[bflag:$0x0] =	sbarrier.arrive $0xFFFF  }
0x5c: {  	[hbm:s11], [sflag:s20] =	dma.local [spmem:s21], $0x2800  }
.Ltmp1:
0x5d: {  	_ =	swait.ge [sflag:s16], $0x2800;
	(pc) =	sbr.rel @p0 .LBB2_1-.Ltmp1, $3  }
0x5e: {  	[sflag:s16] =	ssyncset.done $0x0  }
0x5f: {  	[sflag:s16] =	ssyncadd.s32 $0xFFFFD800  }
0x60: {  	[bflag:$0x0] =	sbarrier.arrive $0xFFFF;
	_ =	sdelay $0x1  }
0x61: {  	_ =	sfence.sel $0x180000  }
0x62: {  	[bflag:$0x0] =	sbarrier.arrive $0xFFFF  }
0x63: {  	p0 =	sne.s32 s2, $0x0;
	_ =	strace $0x90000050  }
0x64: {  	s0 =	sadd.s32 @!p0 $0x100000, s0;
	[bflag:$0x2] =	sbarrier.arrive $0xFFFF  }
0x65: {  	[sflag:s0] =	ssyncadd.tile.s32 @!p0 $0x1;
	_ =	shalt  }
.Lfunc_end2:
_tile_overlayer_lowered:
.L_overlay_start_2:
0x66: {  	(tag) =	ssettag $0x2  }
0x67: {  	s0 =	rddreg [dreg:$0x0];
	s2 =	stileid.u32  }
0x68: {  	s1 =	rddreg [dreg:$0x1];
	p0 =	sne.s32 s2, $0x0  }
0x69: {  	s3 =	rddreg [dreg:$0x2];
	[bflag:$0x3] =	sbarrier.arrive $0xFFFF;
	s2 =	simm.s32 @!p0 $0x1C02  }
0x6a: {  	[timem:s3], [sflag:s2] =	dma.local @!p0 [hbm:s0], s1  }
0x6b: {  	s0 =	simm.s32 @!p0 $0x2  }
0x6c: {  	_ =	swait.ge @!p0 [sflag:s0], s1  }
0x6d: {  	s1 =	ssub.s32 @!p0 $0x0, s1;
	[sflag:s0] =	ssyncset.done @!p0 $0x0  }
0x6e: {  	[sflag:s0] =	ssyncadd.s32 @!p0 s1  }
0x6f: {  	[bflag:$0x3] =	sbarrier.arrive $0xFFFF  }
0x70: {  	_ =	shalt  }

// kernel: kernel.24.cloned.1.call-start
scs
__scs_entry_jumppad:
0x0: {  	(pc) =	sbr.rel $0x88, $3  }
0x1: {  	(tag) =	ssettag $0x0;
	lr =	simm.s32 $0x1  }
0x2: {  	[smem:$0x3F9B] =	sst lr;
	_ =	strace $0xD0000000  }
0x3: {  	_ = 	snop  }
0x4: {  	_ = 	snop  }
0x5: {  	_ = 	snop  }
0x6: {  	_ = 	snop  }
0x7: {  	_ = 	snop  }
__scs_overlays_trampoline_lowered:
0x8: {  	[smem:$0x3FAA] =	sst s0  }
0x9: {  	[smem:$0x3FAB] =	sst s1  }
0xa: {  	[smem:$0x3FAC] =	sst s2  }
0xb: {  	[smem:$0x3FAD] =	sst s3  }
0xc: {  	[smem:$0x3FAE] =	sst s4  }
0xd: {  	[smem:$0x3FAF] =	sst s5  }
0xe: {  	[smem:$0x3FB0] =	sst s6  }
0xf: {  	[smem:$0x3FB1] =	sst s7  }
0x10: {  	[smem:$0x3FB2] =	sst s8  }
0x11: {  	[smem:$0x3FB3] =	sst s9;
	s0 =	simm.s32 @!p0 $0x0  }
0x12: {  	s1 =	sld [smem:$0x3F99];
	s0 =	simm.s32 @p0 $0x1  }
0x13: {  	[smem:$0x3FB4] =	sst s0;
	s0 =	simm.s32 @!p1 $0x0  }
0x14: {  	s2 =	sld [smem:$0x3F98];
	s0 =	simm.s32 @p1 $0x1  }
0x15: {  	[smem:$0x3FB5] =	sst s0;
	s0 =	simm.s32 @!p2 $0x0  }
0x16: {  	s3 =	sld [smem:$0x3FDB];
	s0 =	simm.s32 @p2 $0x1  }
0x17: {  	s4 =	simm.s32 $0x1BF5;
	[smem:$0x3FB7] =	sst s0  }
0x18: {  	s0 =	sld [smem:$0x3F9A];
	_ =	swait.ge [sflag:s4], $0x0  }
0x19: {  	s7 =	sld [smem:$0x3F9B]  }
0x1a: {  	s8 =	sadd.s32 $0xFFFFE003, lr  }
0x1b: {  	s9 =	sadd.s32 $0xFFFFFEF7, lr;
	s5 =	simm.s32 $0xFFFFFFFF;
	p2 =	slt.u32 s8, $0xFFFFF086  }
0x1c: {  	p1 =	slt.u32 s9, $0xF7A;
	s5 =	simm.s32 @!p2 $0x0  }
0x1d: {  	s5 =	simm.s32 @p1 $0x1;
	p0 =	seq.s32 s7, s2  }
0x1e: {  	s7 =	smul.u32 @!p0 $0xF7A, s2;
	p2 =	seq.s32 @!p0 s5, $0x0  }
0x1f: {  	s9 =	smul.u32 $0xF7A, s1;
	s8 =	simm.s32 @!p0 $0x1BF5;
	p2 =	por !p2, p0  }
0x20: {  	[sflag:s8] =	ssyncset.s32 @!p0 $0xFFFFF086;
	s6 =	sadd.s32 @!p0 s3, s7;
	s7 =	simm.s32 @!p0 $0x108  }
0x21: {  	s3 =	sadd.s32 s3, s9;
	s6 =	sadd.s32 @!p0 $0x88, s6;
	s7 =	simm.s32 @p2 $0x1082  }
0x22: {  	[simem:s7], [sflag:s8] =	dma.local @!p0 [hbm:s6], $0xF7A  }
0x23: {  	s9 =	sor.u32 $0xD0000000, s2;
	s6 =	simm.s32 $0x108;
	_ =	swait.ge @!p0 [sflag:s8], $0x0  }
0x24: {  	s3 =	sadd.s32 $0x88, s3;
	s6 =	simm.s32 @!p1 $0x1082;
	[sflag:s4] =	ssyncset.s32 $0xFFFFF086  }
0x25: {  	[simem:s6], [sflag:s4] =	dma.local [hbm:s3], $0xF7A  }
0x26: {  	[smem:$0x3F9B] =	sst s1;
	(tag) =	ssettag s2;
	_ =	strace s9  }
0x27: {  	s1 =	sld [smem:$0x3FAB]  }
0x28: {  	s2 =	sld [smem:$0x3FAC]  }
0x29: {  	s4 =	sld [smem:$0x3FAE]  }
0x2a: {  	p0 =	seq.s32 s5, $0x0;
	s5 =	sld [smem:$0x3FAF]  }
0x2b: {  	s6 =	sld [smem:$0x3FB0]  }
0x2c: {  	s7 =	sld [smem:$0x3FB1]  }
0x2d: {  	s3 =	simm.s32 $0x108;
	s8 =	sld [smem:$0x3FB2]  }
0x2e: {  	s3 =	simm.s32 @!p0 $0x1082;
	s9 =	sld [smem:$0x3FB3]  }
0x2f: {  	lr =	sadd.s32 s0, s3;
	s0 =	sld [smem:$0x3FAA]  }
0x30: {  	s3 =	sld [smem:$0x3FAD]  }
0x31: {  	[smem:$0x3FB6] =	sst s10  }
0x32: {  	s10 =	sld [smem:$0x3FB4];
	_ =	sdelay $0x3  }
0x33: {  	p0 =	seq.s32 s10, $0x1;
	s10 =	sld [smem:$0x3FB6];
	_ =	sdelay $0x3  }
0x34: {  	[smem:$0x3FB6] =	sst s10  }
0x35: {  	s10 =	sld [smem:$0x3FB5];
	_ =	sdelay $0x3  }
0x36: {  	p1 =	seq.s32 s10, $0x1;
	s10 =	sld [smem:$0x3FB6];
	_ =	sdelay $0x3  }
0x37: {  	[smem:$0x3FB6] =	sst s10  }
0x38: {  	s10 =	sld [smem:$0x3FB7]  }
0x39: {  	_ = 	snop;
	(pc) =	sbr.ind lr, $3  }
0x3a: {  	_ = 	snop  }
0x3b: {  	_ = 	snop  }
0x3c: {  	p2 =	seq.s32 s10, $0x1;
	s10 =	sld [smem:$0x3FB6]  }
0x3d: {  	_ =	shalt  }
0x3e: {  	_ =	shalt  }
0x3f: {  	_ =	shalt  }
0x40: {  	_ =	shalt  }
0x41: {  	_ =	shalt  }
0x42: {  	_ =	shalt  }
0x43: {  	_ =	shalt  }
0x44: {  	_ =	shalt  }
0x45: {  	_ =	shalt  }
0x46: {  	_ =	shalt  }
0x47: {  	_ =	shalt  }
0x48: {  	_ =	shalt  }
0x49: {  	_ =	shalt  }
0x4a: {  	_ =	shalt  }
0x4b: {  	_ =	shalt  }
0x4c: {  	_ =	shalt  }
0x4d: {  	_ =	shalt  }
0x4e: {  	_ =	shalt  }
0x4f: {  	_ =	shalt  }
0x50: {  	_ =	shalt  }
0x51: {  	_ =	shalt  }
0x52: {  	_ =	shalt  }
0x53: {  	_ =	shalt  }
0x54: {  	_ =	shalt  }
0x55: {  	_ =	shalt  }
0x56: {  	_ =	shalt  }
0x57: {  	_ =	shalt  }
0x58: {  	_ =	shalt  }
0x59: {  	_ =	shalt  }
0x5a: {  	_ =	shalt  }
0x5b: {  	_ =	shalt  }
0x5c: {  	_ =	shalt  }
0x5d: {  	_ =	shalt  }
0x5e: {  	_ =	shalt  }
0x5f: {  	_ =	shalt  }
0x60: {  	_ =	shalt  }
0x61: {  	_ =	shalt  }
0x62: {  	_ =	shalt  }
0x63: {  	_ =	shalt  }
0x64: {  	_ =	shalt  }
0x65: {  	_ =	shalt  }
0x66: {  	_ =	shalt  }
0x67: {  	_ =	shalt  }
0x68: {  	_ =	shalt  }
0x69: {  	_ =	shalt  }
0x6a: {  	_ =	shalt  }
0x6b: {  	_ =	shalt  }
0x6c: {  	_ =	shalt  }
0x6d: {  	_ =	shalt  }
0x6e: {  	_ =	shalt  }
0x6f: {  	_ =	shalt  }
0x70: {  	_ =	shalt  }
0x71: {  	_ =	shalt  }
0x72: {  	_ =	shalt  }
0x73: {  	_ =	shalt  }
0x74: {  	_ =	shalt  }
0x75: {  	_ =	shalt  }
0x76: {  	_ =	shalt  }
0x77: {  	_ =	shalt  }
0x78: {  	_ =	shalt  }
0x79: {  	_ =	shalt  }
0x7a: {  	_ =	shalt  }
0x7b: {  	_ =	shalt  }
0x7c: {  	_ =	shalt  }
0x7d: {  	_ =	shalt  }
0x7e: {  	_ =	shalt  }
0x7f: {  	_ =	shalt  }
0x80: {  	_ =	shalt  }
0x81: {  	_ =	shalt  }
0x82: {  	_ =	shalt  }
0x83: {  	_ =	shalt  }
0x84: {  	_ =	shalt  }
0x85: {  	_ =	shalt  }
0x86: {  	_ =	shalt  }
0x87: {  	_ =	shalt  }
.Lfunc_end0:
.L_simem_size_0:
called_computation.4_lowered:
.L_overlay_start_0:
0x88: {  	s2 =	sld [smem:$0x3FD9]  }
0x89: {  	s3 =	sld [smem:$0x3FFE];
	_ =	sdelay $0x1  }
0x8a: {  	s1 =	srdreg.scid  }
0x8b: {  	s0 =	sand.u32 $0x1, s1  }
0x8c: {  	s17 =	sshll.u32 s0, $0xA;
	s2 =	sadd.s32 s3, s2  }
0x8d: {  	s2 =	sadd.s32 s2, s17  }
0x8e: {  	[smem:$0x3FC2] =	sst s2  }
0x8f: {  	_ = 	snop  }
0x90: {  	s2 =	sld [smem:$0x3FD0];
	(tm) =	ssettm $0x1  }
0x91: {  	s18 =	sld [smem:$0x3FFB];
	_ =	sdelay $0x3  }
0x92: {  	_ =	strace s18  }
0x93: {  	s3 =	sld [smem:$0x3FFC];
	_ =	sdelay $0x3  }
0x94: {  	_ =	strace s3  }
0x95: {  	s3 =	sld [smem:$0x3FFD];
	_ =	sdelay $0x3  }
0x96: {  	_ =	strace s3  }
0x97: {  	_ =	strace $0x8FFFFFFF  }
0x98: {  	s19 =	sld [smem:$0x3FDB];
	_ =	sdelay $0x1  }
0x99: {  	s4 =	simm.s32 $_scs_section_size  }
0x9a: {  	s5 =	simm.s32 $_size__tile_overlayer_lowered;
	s6 =	simm.s32 $_tile_overlayer_lowered  }
0x9b: {  	s22 =	simm.s32 $0x1BFF;
	s21 =	sshll.u32 s6, $0x1;
	s3 =	sadd.s32 s4, s19  }
0x9c: {  	s7 =	simm.s32 $0x0;
	s20 =	sshll.u32 s5, $0x1;
	s5 =	sadd.s32 s21, s3  }
0x9d: {  	[timem:s7], [sflag:s22] =	dma.local [hbm:s5], s20  }
0x9e: {  	_ =	swait.ge [sflag:s22], s20  }
0x9f: {  	s4 =	ssub.s32 $0x0, s20;
	[sflag:s22] =	ssyncset.done $0x0  }
0xa0: {  	[sflag:s22] =	ssyncadd.s32 s4;
	_ =	sdelay $0x1  }
0xa1: {  	s23 =	simm.s32 $0x1B8B  }
0xa2: {  	_ =	swait.ge [sflag:s23], $0x1  }
0xa3: {  	[sflag:s23] =	ssyncset.done $0x0  }
0xa4: {  	s25 =	simm.s32 $0x1B8E;
	s24 =	sld [smem:$0x3FFE];
	[sflag:s23] =	ssyncadd.s32 $0xFFFFFFFF  }
0xa5: {  	s26 =	simm.s32 $execute0_lowered;
	[smem:$0x3FD2] =	sst s25  }
0xa6: {  	s5 =	sshll.u32 s26, $0x1;
	_ =	strace $0x80000052;
	[dreg:$0x1] =	wrdreg $0xFFFFFFFF  }
0xa7: {  	s28 =	simm.s32 $_size_execute0_lowered;
	s3 =	sadd.s32 s3, s5;
	[dreg:$0x0] =	wrdreg $0x0  }
0xa8: {  	s5 =	sshll.u32 s28, $0x1;
	[dreg:$0x2] =	wrdreg s3  }
0xa9: {  	[dreg:$0x3] =	wrdreg s5  }
0xaa: {  	[dreg:$0x4] =	wrdreg $0xC0  }
0xab: {  	_ =	task [dreg:s7], $0x5FFFF  }
0xac: {  	[dreg:$0x1] =	wrdreg $0xFFFFFFFF  }
0xad: {  	[dreg:$0x0] =	wrdreg $0x60  }
0xae: {  	[dreg:$0x2] =	wrdreg s24  }
0xaf: {  	[dreg:$0x3] =	wrdreg s2  }
0xb0: {  	[dreg:$0x4] =	wrdreg $0x81000  }
0xb1: {  	[dreg:$0x5] =	wrdreg $0x9  }
0xb2: {  	_ =	task.clear_ibuf [dreg:s7], $0x6FFFF;
	_ =	strace $0x90000052  }
0xb3: {  	s29 =	simm.s32 $0x9;
	_ =	strace $0x80000054  }
0xb4: {  	_ =	swait.ge [sflag:s29], $0x1  }
0xb5: {  	[sflag:s29] =	ssyncadd.s32 $0xFFFFFFFF  }
0xb6: {  	_ =	strace $0x90000054  }
0xb7: {  	_ =	sfence  }
0xb8: {  	s30 =	sld [smem:$0x0];
	_ =	sdelay $0x2  }
0xb9: {  	s31 =	sshll.u32 s1, $0xD;
	s1 =	sshrl.u32 s1, $0x2  }
0xba: {  	s3 =	sand.u32 $0x4000, s31;
	s1 =	sadd.s32 s1, s30  }
0xbb: {  	s0 =	sor.u32 s3, s0;
	s1 =	sshll.u32 s1, $0x11  }
0xbc: {  	s0 =	sor.u32 s1, s0  }
0xbd: {  	s0 =	sadd.s32 $0x8F2B, s0  }
0xbe: {  	[sflag:s0] =	ssyncadd.remote.s32 $0x1  }
0xbf: {  	_ =	sfence.sel $0xFFFF  }
0xc0: {  	[dreg:$0x0] =	wrdreg $0xFFFFFFFF;
	(pc) =	sbr.abs _section_cstart, $3  }
0xc1: {  	[dreg:$0x1] =	wrdreg $0xFFFFFFFF  }
0xc2: {  	_ =	task.clear_ibuf [dreg:s7], $0x2FFFF;
	_ =	strace $0x9FFFFFFF  }
0xc3: {  	(tm) =	ssettm $0x7FFFFFFF  }
tec
execute0_lowered:
.L_overlay_start_1:
0x0: {  	(tag) =	ssettag $0x1  }
0x1: {  	s6 =	rddreg [dreg:$0x0]  }
0x2: {  	s12 =	rddreg [dreg:$0x1];
	s0 =	srdreg.scid  }
0x3: {  	s1 =	rddreg [dreg:$0x2];
	s3 =	simm.s32 $0x0;
	s2 =	stileid.u32  }
0x4: {  	s18 =	simm.s32 $0x100;
	s19 =	simm.s32 $0x1;
	s9 =	smul.u32 $0x14000, s2  }
0x5: {  	s7 =	sand.u32 $0x1, s0;
	s0 =	rddreg [dreg:$0x3];
	s10 =	smul.u32 $0x50000, s2  }
0x6: {  	s22 =	simm.s32 $0x0;
	[smem:$0x7FF] =	sst s3;
	s16 =	smul.u32 $0x280, s2  }
0x7: {  	s4 =	sadd.s32 $0x8C00, s6;
	s5 =	sadd.s32 $0x8400, s6;
	s13 =	smul.u32 $0x2800, s7  }
0x8: {  	s20 =	sshll.u32 s2, $0x6;
	s8 =	smul.u32 $0x140000, s7;
	_ =	strace $0x80000053  }
0x9: {  	s7 =	ssub.s32 $0x2, s7;
	s20 =	sor.u32 $0x1C02, s20;
	s30 =	sshrl.u32 s10, $0x2  }
0xa: {  	s31 =	sshrl.u32 s7, $0x1;
	s14 =	sadd.s32 s13, s6;
	s8 =	sadd.s32 s9, s8  }
0xb: {  	s15 =	ssub.s32 s7, s31;
	s17 =	sadd.s32 s13, s12;
	s8 =	sshrl.u32 s8, $0x3  }
0xc: {  	s14 =	sadd.s32 s16, s14;
	s12 =	smax.u32 s15, $0x1;
	s15 =	simm.s32 $0x4100  }
0xd: {  	s11 =	sadd.s32 s8, s6;
	s6 =	sadd.s32 s30, s1;
	s13 =	sadd.s32 $0x3400, s14  }
0xe: {  	s14 =	sadd.s32 s16, s17;
	s16 =	simm.s32 $0x2;
	s17 =	simm.s32 $0x80  }
0xf: {  	s7 =	sadd.s32 $0x4000, s6;
	s8 =	sadd.s32 $0x8000, s6;
	s9 =	sadd.s32 $0xC000, s6  }
0x10: {  	s10 =	sadd.s32 $0x10000, s6;
	s11 =	sadd.s32 $0xA9400, s11;
	s21 =	sshrl.u32 s6, $0x3  }
.LBB2_1:
0x11: {  	[tilespmem:s15], [sflag:$0x2] =	stream.linear.gather [hbm4b:s5+s3], $0x4000, $0x38;
	[tilespmem:$0x1C100] =	vst v63  }
0x12: {  	_ =	swait.ge [sflag:s16], $0x4000  }
0x13: {  	[sflag:s16] =	ssyncset.done $0x0  }
0x14: {  	[sflag:s16] =	ssyncadd.s32 $0xFFFFC000  }
0x15: {  	[spmem:s6] =	stream.linear.scatter [tilespmem:s15], [sflag:$0x2], $0x4000, $0x38;
	[tilespmem:$0x1C100] =	vst v63  }
0x16: {  	_ =	swait.ge [sflag:s16], $0x4000  }
0x17: {  	[sflag:s16] =	ssyncset.done $0x0  }
0x18: {  	[sflag:s16] =	ssyncadd.s32 $0xFFFFC000  }
0x19: {  	[spmem:s7] =	stream.linear.scatter [tilespmem:s15], [sflag:$0x2], $0x4000, $0x38;
	[tilespmem:$0x1C100] =	vst v63  }
0x1a: {  	_ =	swait.ge [sflag:s16], $0x4000  }
0x1b: {  	[sflag:s16] =	ssyncset.done $0x0  }
0x1c: {  	[sflag:s16] =	ssyncadd.s32 $0xFFFFC000  }
0x1d: {  	[spmem:s8] =	stream.linear.scatter [tilespmem:s15], [sflag:$0x2], $0x4000, $0x38;
	[tilespmem:$0x1C100] =	vst v63  }
0x1e: {  	_ =	swait.ge [sflag:s16], $0x4000  }
0x1f: {  	[sflag:s16] =	ssyncset.done $0x0  }
0x20: {  	[sflag:s16] =	ssyncadd.s32 $0xFFFFC000  }
0x21: {  	[spmem:s9] =	stream.linear.scatter [tilespmem:s15], [sflag:$0x2], $0x4000, $0x38;
	[tilespmem:$0x1C100] =	vst v63  }
0x22: {  	_ =	swait.ge [sflag:s16], $0x4000  }
0x23: {  	[sflag:s16] =	ssyncset.done $0x0  }
0x24: {  	[sflag:s16] =	ssyncadd.s32 $0xFFFFC000  }
0x25: {  	[spmem:s10] =	stream.linear.scatter [tilespmem:s15], [sflag:$0x2], $0x4000, $0x38;
	[tilespmem:$0x1C100] =	vst v63  }
0x26: {  	_ =	swait.ge [sflag:s16], $0x4000  }
0x27: {  	[sflag:s16] =	ssyncset.done $0x0  }
0x28: {  	[sflag:s16] =	ssyncadd.s32 $0xFFFFC000  }
0x29: {  	s23 =	sadd.s32 $0x0, s14;
	[bflag:$0x0] =	sbarrier.arrive $0xFFFF  }
0x2a: {  	[tilespmem:s3], [sflag:$0x2] =	stream.linear.gather [hbm4b:s23+s3], $0x80, $0x38;
	[tilespmem:$0x1C100] =	vst v63  }
0x2b: {  	_ =	swait.ge [sflag:s16], $0x80  }
0x2c: {  	[sflag:s16] =	ssyncset.done $0x0  }
0x2d: {  	s31 =	sadd.s32 $0x0, s13;
	[sflag:s16] =	ssyncadd.s32 $0xFFFFFF80  }
0x2e: {  	[tilespmem:s17], [sflag:$0x2] =	stream.linear.gather [hbm4b:s31+s3], $0x80, $0x38;
	[tilespmem:$0x1C100] =	vst v63  }
0x2f: {  	_ =	swait.ge [sflag:s16], $0x80  }
0x30: {  	[sflag:s16] =	ssyncset.done $0x0  }
0x31: {  	[sflag:s16] =	ssyncadd.s32 $0xFFFFFF80  }
0x32: {  	[tilespmem:s18], [sflag:$0x1] =	stream.indirect.gather [hbm4b:s4+s17], $0x80, s3, s17, $0xb8;
	[tilespmem:$0x1C100] =	vst v63  }
0x33: {  	_ =	swait.ge [sflag:s19], $0x4000  }
0x34: {  	[sflag:s19] =	ssyncset.done $0x0  }
0x35: {  	[sflag:s19] =	ssyncadd.s32 $0xFFFFC000  }
0x36: {  	[spmem:s1] =	stream.indirect.scatter.add.f32 [tilespmem:s18], [sflag:$0x2], $0x80, s17, s17, $0xb8;
	[tilespmem:$0x1C100] =	vst v63  }
0x37: {  	_ =	swait.ge [sflag:s16], $0x4000  }
0x38: {  	s24 =	simm.s32 $0x20;
	s23 =	simm.s32 $0x10;
	[sflag:s16] =	ssyncset.done $0x0  }
.LBB2_2:
0x39: {  	s25 =	sadd.s32 s23, s14  }
0x3a: {  	[sflag:s16] =	ssyncadd.s32 $0xFFFFC000;
	s26 =	smov.u32 s24;
	s28 =	sadd.s32 $0x10, s24  }
0x3b: {  	[tilespmem:s3], [sflag:$0x2] =	stream.linear.gather [hbm4b:s25+s3], $0x80, $0x38;
	[tilespmem:$0x1C100] =	vst v63  }
0x3c: {  	p0 =	sne.s32 s24, $0x270;
	_ =	swait.ge [sflag:s16], $0x80  }
0x3d: {  	[sflag:s16] =	ssyncset.done $0x0  }
0x3e: {  	s24 =	sadd.s32 s23, s13;
	s23 =	smov.u32 s26;
	[sflag:s16] =	ssyncadd.s32 $0xFFFFFF80  }
0x3f: {  	[tilespmem:s17], [sflag:$0x2] =	stream.linear.gather [hbm4b:s24+s3], $0x80, $0x38;
	[tilespmem:$0x1C100] =	vst v63  }
0x40: {  	_ =	swait.ge [sflag:s16], $0x80  }
0x41: {  	[sflag:s16] =	ssyncset.done $0x0  }
0x42: {  	[sflag:s16] =	ssyncadd.s32 $0xFFFFFF80  }
0x43: {  	[tilespmem:s18], [sflag:$0x1] =	stream.indirect.gather [hbm4b:s4+s17], $0x80, s3, s17, $0xb8;
	[tilespmem:$0x1C100] =	vst v63  }
0x44: {  	_ =	swait.ge [sflag:s19], $0x4000  }
.Ltmp0:
0x45: {  	[sflag:s19] =	ssyncset.done $0x0;
	(pc) =	sbr.rel @p0 .LBB2_2-.Ltmp0, $4  }
0x46: {  	[sflag:s19] =	ssyncadd.s32 $0xFFFFC000  }
0x47: {  	[spmem:s1] =	stream.indirect.scatter.add.f32 [tilespmem:s18], [sflag:$0x2], $0x80, s17, s17, $0xb8;
	[tilespmem:$0x1C100] =	vst v63  }
0x48: {  	_ =	swait.ge [sflag:s16], $0x4000  }
0x49: {  	s24 =	smov.u32 s28;
	[sflag:s16] =	ssyncset.done $0x0  }
0x4a: {  	s24 =	sadd.s32 s23, s14;
	[sflag:s16] =	ssyncadd.s32 $0xFFFFC000  }
0x4b: {  	[tilespmem:s3], [sflag:$0x2] =	stream.linear.gather [hbm4b:s24+s3], $0x80, $0x38;
	[tilespmem:$0x1C100] =	vst v63  }
0x4c: {  	_ =	swait.ge [sflag:s16], $0x80  }
0x4d: {  	[sflag:s16] =	ssyncset.done $0x0  }
0x4e: {  	s31 =	sadd.s32 s23, s13;
	[sflag:s16] =	ssyncadd.s32 $0xFFFFFF80  }
0x4f: {  	[tilespmem:s17], [sflag:$0x2] =	stream.linear.gather [hbm4b:s31+s3], $0x80, $0x38;
	[tilespmem:$0x1C100] =	vst v63  }
0x50: {  	_ =	swait.ge [sflag:s16], $0x80  }
0x51: {  	[sflag:s16] =	ssyncset.done $0x0  }
0x52: {  	[sflag:s16] =	ssyncadd.s32 $0xFFFFFF80  }
0x53: {  	[tilespmem:s18], [sflag:$0x1] =	stream.indirect.gather [hbm4b:s4+s17], $0x80, s3, s17, $0xb8;
	[tilespmem:$0x1C100] =	vst v63  }
0x54: {  	_ =	swait.ge [sflag:s19], $0x4000  }
0x55: {  	[sflag:s19] =	ssyncset.done $0x0  }
0x56: {  	[sflag:s19] =	ssyncadd.s32 $0xFFFFC000  }
0x57: {  	[spmem:s1] =	stream.indirect.scatter.add.f32 [tilespmem:s18], [sflag:$0x2], $0x80, s17, s17, $0xb8;
	[tilespmem:$0x1C100] =	vst v63  }
0x58: {  	_ =	swait.ge [sflag:s16], $0x4000  }
0x59: {  	[sflag:s16] =	ssyncset.done $0x0  }
0x5a: {  	s22 =	sadd.s32 $0x1, s22;
	[sflag:s16] =	ssyncadd.s32 $0xFFFFC000  }
0x5b: {  	p0 =	sne.s32 s22, s12;
	[bflag:$0x0] =	sbarrier.arrive $0xFFFF  }
0x5c: {  	[hbm:s11], [sflag:s20] =	dma.local [spmem:s21], $0x2800  }
.Ltmp1:
0x5d: {  	_ =	swait.ge [sflag:s16], $0x2800;
	(pc) =	sbr.rel @p0 .LBB2_1-.Ltmp1, $3  }
0x5e: {  	[sflag:s16] =	ssyncset.done $0x0  }
0x5f: {  	[sflag:s16] =	ssyncadd.s32 $0xFFFFD800  }
0x60: {  	[bflag:$0x0] =	sbarrier.arrive $0xFFFF;
	_ =	sdelay $0x1  }
0x61: {  	_ =	sfence.sel $0x180000  }
0x62: {  	[bflag:$0x0] =	sbarrier.arrive $0xFFFF  }
0x63: {  	p0 =	sne.s32 s2, $0x0;
	_ =	strace $0x90000053  }
0x64: {  	s0 =	sadd.s32 @!p0 $0x100000, s0;
	[bflag:$0x2] =	sbarrier.arrive $0xFFFF  }
0x65: {  	[sflag:s0] =	ssyncadd.tile.s32 @!p0 $0x1;
	_ =	shalt  }
.Lfunc_end2:
_tile_overlayer_lowered:
.L_overlay_start_2:
0x66: {  	(tag) =	ssettag $0x2  }
0x67: {  	s0 =	rddreg [dreg:$0x0];
	s2 =	stileid.u32  }
0x68: {  	s1 =	rddreg [dreg:$0x1];
	p0 =	sne.s32 s2, $0x0  }
0x69: {  	s3 =	rddreg [dreg:$0x2];
	[bflag:$0x3] =	sbarrier.arrive $0xFFFF;
	s2 =	simm.s32 @!p0 $0x1C02  }
0x6a: {  	[timem:s3], [sflag:s2] =	dma.local @!p0 [hbm:s0], s1  }
0x6b: {  	s0 =	simm.s32 @!p0 $0x2  }
0x6c: {  	_ =	swait.ge @!p0 [sflag:s0], s1  }
0x6d: {  	s1 =	ssub.s32 @!p0 $0x0, s1;
	[sflag:s0] =	ssyncset.done @!p0 $0x0  }
0x6e: {  	[sflag:s0] =	ssyncadd.s32 @!p0 s1  }
0x6f: {  	[bflag:$0x3] =	sbarrier.arrive $0xFFFF  }
0x70: {  	_ =	shalt  }

</sc_bundles>
